<compile_context>
chip_gen: v7x
topology: tpu7x:2x2x1
jax: 0.10.2.dev20260603
libtpu: 0.0.44.dev20260713+nightly
codegen_flags: <defaults>
</compile_context>

<pallas_src>
import functools

import jax
import jax.numpy as jnp
from jax import lax
from jax.experimental import pallas as pl
from jax.experimental.pallas import tpu as pltpu
from jax.experimental.pallas import tpu_sc as plsc

N_NODES = 10000
N_EDGES = 160000
HIDDEN = 256
QF = 64
NQ = 4
HALF = 128
NC = 2
NS = 16
LANES = 16
E_PAD = 163840
EDGES_PER_TILE = E_PAD // NS
CHUNK = 128
NCHUNK = EDGES_PER_TILE // CHUNK
NPAD = 10240
NODES_PER_TILE = NPAD // NS
ZROWS = 64

ROW_BLK = 1000
EDGE_BLK = 2000


def _silu(x):
    return x * (1.0 / (1.0 + jnp.exp(-x)))


def _res(x, w0, b0, w1, b1):
    h = _silu(jnp.dot(x, w0, preferred_element_type=jnp.float32) + b0)
    h = _silu(jnp.dot(h, w1, preferred_element_type=jnp.float32) + b1)
    return x + h


def _emb_body(x_ref, ws_ref, bs_ref, wd_ref, bd_ref, src_ref, dst_ref):
    x = x_ref[...]
    src_ref[...] = _res(x, ws_ref[0], bs_ref[0], ws_ref[1], bs_ref[1])
    dst = _res(x, wd_ref[0], bd_ref[0], wd_ref[1], bd_ref[1])
    dst_ref[0, :, :] = dst[:, :HALF]
    dst_ref[1, :, :] = dst[:, HALF:]


def _emb_call(scalar, ws, bs, wd, bd):
    grid = (N_NODES // ROW_BLK,)
    return pl.pallas_call(
        _emb_body,
        grid=grid,
        in_specs=[
            pl.BlockSpec((ROW_BLK, HIDDEN), lambda r: (r, 0)),
            pl.BlockSpec((2, HIDDEN, HIDDEN), lambda r: (0, 0, 0)),
            pl.BlockSpec((2, 1, HIDDEN), lambda r: (0, 0, 0)),
            pl.BlockSpec((2, HIDDEN, HIDDEN), lambda r: (0, 0, 0)),
            pl.BlockSpec((2, 1, HIDDEN), lambda r: (0, 0, 0)),
        ],
        out_specs=[
            pl.BlockSpec((ROW_BLK, HIDDEN), lambda r: (r, 0)),
            pl.BlockSpec((2, ROW_BLK, HALF), lambda r: (0, r, 0)),
        ],
        out_shape=[
            jax.ShapeDtypeStruct((N_NODES, HIDDEN), jnp.float32),
            jax.ShapeDtypeStruct((2, N_NODES, HALF), jnp.float32),
        ],
    )(scalar, ws, bs, wd, bd)


def _filter_body(ef_ref, we_ref, cs_ref, out_ref):
    y = jnp.dot(ef_ref[...], we_ref[...], preferred_element_type=jnp.float32)
    y = y * cs_ref[...]
    out_ref[0, :, :] = y[:, :HALF]
    out_ref[1, :, :] = y[:, HALF:]


def _filter_call(ef, we, cs):
    grid = (E_PAD // EDGE_BLK,)
    return pl.pallas_call(
        _filter_body,
        grid=grid,
        in_specs=[
            pl.BlockSpec((EDGE_BLK, 16), lambda e: (e, 0)),
            pl.BlockSpec((16, HIDDEN), lambda e: (0, 0)),
            pl.BlockSpec((EDGE_BLK, 1), lambda e: (e, 0)),
        ],
        out_specs=pl.BlockSpec((2, EDGE_BLK, HALF), lambda e: (0, e, 0)),
        out_shape=jax.ShapeDtypeStruct((2, E_PAD, HALF), jnp.float32),
    )(ef, we, cs)


def _sc_edge_body(dst_hbm, filt_hbm, col_hbm, row_hbm, out_hbm,
                  cidx, ridx, gbuf, fbuf, pbuf, zbuf, wbuf, acc,
                  gsem, fsem):
    c = lax.axis_index("c")
    s = lax.axis_index("s")
    base = s * NODES_PER_TILE
    ebase = s * EDGES_PER_TILE

    def zset(i, carry):
        r = i // (QF // LANES)
        h = (i % (QF // LANES)) * LANES
        zbuf[r, pl.ds(h, LANES)] = jnp.zeros((LANES,), jnp.float32)
        return carry

    lax.fori_loop(0, (ZROWS * QF) // LANES, zset, 0)

    for qloc in range(2):
        q = c * 2 + qloc

        def zcopy(k, carry):
            pltpu.sync_copy(zbuf, acc.at[pl.ds(base + k * ZROWS, ZROWS)])
            return carry

        lax.fori_loop(0, NODES_PER_TILE // ZROWS, zcopy, 0)
        plsc.subcore_barrier()

        def fire(j, par):
            eoff = ebase + j * CHUNK
            pltpu.sync_copy(col_hbm.at[pl.ds(c * E_PAD + eoff, CHUNK)],
                            cidx[par])
            pltpu.async_copy(filt_hbm.at[pl.ds(c * E_PAD + eoff, CHUNK)],
                             fbuf[par], fsem[par])
            pltpu.async_copy(dst_hbm.at[cidx[par]], gbuf[par], gsem[par])

        def drain(j, par):
            eoff = ebase + j * CHUNK
            pltpu.make_async_copy(
                filt_hbm.at[pl.ds(c * E_PAD + eoff, CHUNK)],
                fbuf[par], fsem[par]).wait()
            pltpu.make_async_copy(dst_hbm.at[cidx[par]], gbuf[par],
                                  gsem[par]).wait()

        fire(0, 0)

        @pl.loop(0, NCHUNK // 2)
        def chunk2(jj):
            for par in range(2):
                j = jj * 2 + par
                jn = jnp.minimum(j + 1, NCHUNK - 1)
                fire(jn, 1 - par)
                drain(j, par)
                pltpu.sync_copy(row_hbm.at[pl.ds(ebase + j * CHUNK, CHUNK)],
                                ridx)

                @pl.loop(0, CHUNK, unroll=4)
                def edge(e):
                    for h in range(QF // LANES):
                        sl = pl.ds(h * LANES, LANES)
                        gsl = pl.ds(qloc * QF + h * LANES, LANES)
                        pbuf[e, sl] = gbuf[par][e, gsl] * fbuf[par][e, gsl]

                pltpu.sync_copy(pbuf, acc.at[ridx], add=True)

        drain(NCHUNK - 1, 0)

        plsc.subcore_barrier()

        def wcopy(k, carry):
            off = base + k * ZROWS
            pltpu.sync_copy(acc.at[pl.ds(off, ZROWS)], wbuf)
            pltpu.sync_copy(wbuf, out_hbm.at[c, pl.ds(off, ZROWS),
                                             pl.ds(qloc * QF, QF)])
            return carry

        lax.fori_loop(0, NODES_PER_TILE // ZROWS, wcopy, 0)


def _sc_edge_call(dst_flat, filt_flat, col_flat, row_flat):
    mesh = plsc.VectorSubcoreMesh(
        core_axis_name="c", subcore_axis_name="s",
        num_cores=NC, num_subcores=NS)
    fn = pl.kernel(
        _sc_edge_body,
        out_type=jax.ShapeDtypeStruct((2, NPAD, HALF), jnp.float32),
        mesh=mesh,
        compiler_params=pltpu.CompilerParams(use_tc_tiling_on_sc=False),
        scratch_types=[
            [pltpu.VMEM((CHUNK,), jnp.int32)] * 2,
            pltpu.VMEM((CHUNK,), jnp.int32),
            [pltpu.VMEM((CHUNK, HALF), jnp.float32)] * 2,
            [pltpu.VMEM((CHUNK, HALF), jnp.float32)] * 2,
            pltpu.VMEM((CHUNK, QF), jnp.float32),
            pltpu.VMEM((ZROWS, QF), jnp.float32),
            pltpu.VMEM((ZROWS, QF), jnp.float32),
            pltpu.VMEM_SHARED((NPAD, QF), jnp.float32),
            [pltpu.SemaphoreType.DMA] * 2,
            [pltpu.SemaphoreType.DMA] * 2,
        ],
    )
    return fn(dst_flat, filt_flat, col_flat, row_flat)


def _post_body(conv_ref, src_ref, c_ref, cw_ref, cb_ref, ow_ref, ob_ref,
               out_ref):
    x = jnp.concatenate([conv_ref[0], conv_ref[1]], axis=1)
    x = x * c_ref[0, 0]
    x = _res(x, cw_ref[0, 0], cb_ref[0, 0], cw_ref[0, 1], cb_ref[0, 1])
    x = _res(x, cw_ref[1, 0], cb_ref[1, 0], cw_ref[1, 1], cb_ref[1, 1])
    x = x * src_ref[...]
    x = _res(x, ow_ref[0, 0], ob_ref[0, 0], ow_ref[0, 1], ob_ref[0, 1])
    x = _res(x, ow_ref[1, 0], ob_ref[1, 0], ow_ref[1, 1], ob_ref[1, 1])
    out_ref[...] = x


def _post_call(conv_split, src, c, cw, cb, ow, ob):
    grid = (N_NODES // ROW_BLK,)
    return pl.pallas_call(
        _post_body,
        grid=grid,
        in_specs=[
            pl.BlockSpec((2, ROW_BLK, HALF), lambda r: (0, r, 0)),
            pl.BlockSpec((ROW_BLK, HIDDEN), lambda r: (r, 0)),
            pl.BlockSpec((1, 1), lambda r: (0, 0)),
            pl.BlockSpec((2, 2, HIDDEN, HIDDEN), lambda r: (0, 0, 0, 0)),
            pl.BlockSpec((2, 2, 1, HIDDEN), lambda r: (0, 0, 0, 0)),
            pl.BlockSpec((2, 2, HIDDEN, HIDDEN), lambda r: (0, 0, 0, 0)),
            pl.BlockSpec((2, 2, 1, HIDDEN), lambda r: (0, 0, 0, 0)),
        ],
        out_specs=pl.BlockSpec((ROW_BLK, HIDDEN), lambda r: (r, 0)),
        out_shape=jax.ShapeDtypeStruct((N_NODES, HIDDEN), jnp.float32),
    )(conv_split, src, c, cw, cb, ow, ob)


def kernel(scalar, ef, edge_index, C, conv_smooth, emb_W, emb_b, out_W,
           out_b, conv_W, conv_b, We):
    npad_e = E_PAD - N_EDGES
    row = jnp.concatenate([
        edge_index[0].astype(jnp.int32),
        jnp.full((npad_e,), N_NODES, dtype=jnp.int32)])
    col = jnp.concatenate([
        edge_index[1].astype(jnp.int32),
        jnp.zeros((npad_e,), dtype=jnp.int32)])
    ef_p = jnp.concatenate([ef, jnp.zeros((npad_e, 16), ef.dtype)])
    cs_p = jnp.concatenate(
        [conv_smooth, jnp.zeros((npad_e, 1), conv_smooth.dtype)])

    src, dst_split = _emb_call(
        scalar,
        emb_W[0], emb_b[0].reshape(2, 1, HIDDEN),
        emb_W[1], emb_b[1].reshape(2, 1, HIDDEN))

    filt = _filter_call(ef_p, We, cs_p)

    dst_flat = dst_split.reshape(2 * N_NODES, HALF)
    offs = jnp.arange(2, dtype=jnp.int32) * N_NODES
    col_flat = (col[None, :] + offs[:, None]).reshape(2 * E_PAD)
    filt_flat = filt.reshape(2 * E_PAD, HALF)

    conv_split = _sc_edge_call(dst_flat, filt_flat, col_flat,
                               row)[:, :N_NODES, :]

    return _post_call(
        conv_split, src, C.reshape(1, 1),
        conv_W, conv_b.reshape(2, 2, 1, HIDDEN),
        out_W, out_b.reshape(2, 2, 1, HIDDEN))

# --- scband reference (transcript-rebuilt; emitter-appended) ---
"""Pipeline reference for scband-vd-conv-67534065762902 (READ-ONLY COPY).

The authoritative reference and input builder live on the scoring server;
editing this copy changes nothing except your own understanding.
"""

import jax, jax.numpy as jnp
import numpy as np

HIDDEN = 256
EF_DIM = 16
N_NODES = 10000
N_EDGES = 160000


def _res_block(x, W, b):
    # Residual(mlp_num=2): two Dense(hidden->hidden)+activation layers, residual add
    h = jax.nn.silu(x @ W[0] + b[0])
    h = jax.nn.silu(h @ W[1] + b[1])
    return x + h


def setup_inputs(seed: int = 0) -> dict:
    key = jax.random.key(seed)
    ks = jax.random.split(key, 12)
    scalar = jax.random.normal(ks[0], (N_NODES, HIDDEN), dtype=jnp.float32)
    ef = jax.random.normal(ks[1], (N_EDGES, EF_DIM), dtype=jnp.float32)
    edge_index = jax.random.randint(ks[2], (2, N_EDGES), 0, N_NODES, dtype=jnp.int64)
    C = jnp.ones((1,), dtype=jnp.float32)
    conv_smooth = jax.random.uniform(ks[3], (N_EDGES, 1), dtype=jnp.float32)
    s = 0.06
    # emb_mlp: ModuleList of 3 Residual blocks (only indices 0,1 used in forward)
    emb_W = jax.random.normal(ks[4], (3, 2, HIDDEN, HIDDEN), dtype=jnp.float32) * s
    emb_b = jnp.zeros((3, 2, HIDDEN), dtype=jnp.float32)
    # output_mlp: Sequential of 2 Residual blocks
    out_W = jax.random.normal(ks[5], (2, 2, HIDDEN, HIDDEN), dtype=jnp.float32) * s
    out_b = jnp.zeros((2, 2, HIDDEN), dtype=jnp.float32)
    # conv_mlp: Sequential of 2 Residual blocks
    conv_W = jax.random.normal(ks[6], (2, 2, HIDDEN, HIDDEN), dtype=jnp.float32) * s
    conv_b = jnp.zeros((2, 2, HIDDEN), dtype=jnp.float32)
    # e_linear: Dense(ef_dim -> hidden, bias=False)
    We = jax.random.normal(ks[7], (EF_DIM, HIDDEN), dtype=jnp.float32) * s
    return {
        "scalar": scalar, "ef": ef, "edge_index": edge_index, "C": C,
        "conv_smooth": conv_smooth, "emb_W": emb_W, "emb_b": emb_b,
        "out_W": out_W, "out_b": out_b, "conv_W": conv_W, "conv_b": conv_b,
        "We": We,
    }


def reference(scalar, ef, edge_index, C, conv_smooth, emb_W, emb_b, out_W, out_b, conv_W, conv_b, We):
    row = edge_index[0]
    col = edge_index[1]
    scalar_src = _res_block(scalar, emb_W[0], emb_b[0])
    scalar_dst = _res_block(scalar, emb_W[1], emb_b[1])
    conv_filter = (ef @ We) * conv_smooth
    scalar_edge = jnp.take(scalar_dst, col, axis=0) * conv_filter
    # agg='sum': scatter-add over destination rows, then scale by C
    conv = jax.ops.segment_sum(scalar_edge, row, num_segments=scalar_src.shape[0]) * C
    conv = _res_block(_res_block(conv, conv_W[0], conv_b[0]), conv_W[1], conv_b[1])
    out = scalar_src * conv
    out = _res_block(_res_block(out, out_W[0], out_b[0]), out_W[1], out_b[1])
    return out

if __name__ == "__main__":
    import jax
    _d = setup_inputs()
    print(jax.jit(kernel)(*tuple(_d.values())))

</pallas_src>

<mosaic_0001>
#map = affine_map<(d0, d1) -> (0, 0)>
#map1 = affine_map<(d0, d1) -> (0)>
#map2 = affine_map<(d0, d1) -> (0, 0, 0)>
module attributes {stable_mosaic.version = 14 : i64} {
  func.func @_sc_edge_body(%arg0: i32, %arg1: i32, %arg2: memref<20000x128xf32, #tpu.memory_space<hbm>>, %arg3: memref<327680x128xf32, #tpu.memory_space<hbm>>, %arg4: memref<327680xi32, #tpu.memory_space<hbm>>, %arg5: memref<163840xi32, #tpu.memory_space<hbm>>, %arg6: memref<2x10240x128xf32, #tpu.memory_space<hbm>>, %arg7: memref<128xi32, #tpu.memory_space<vmem>>, %arg8: memref<128xi32, #tpu.memory_space<vmem>>, %arg9: memref<128xi32, #tpu.memory_space<vmem>>, %arg10: memref<128x128xf32, #tpu.memory_space<vmem>>, %arg11: memref<128x128xf32, #tpu.memory_space<vmem>>, %arg12: memref<128x128xf32, #tpu.memory_space<vmem>>, %arg13: memref<128x128xf32, #tpu.memory_space<vmem>>, %arg14: memref<128x64xf32, #tpu.memory_space<vmem>>, %arg15: memref<64x64xf32, #tpu.memory_space<vmem>>, %arg16: memref<64x64xf32, #tpu.memory_space<vmem>>, %arg17: memref<10240x64xf32, #tpu.memory_space<vmem_shared>>, %arg18: memref<!tpu.dma_semaphore, #tpu.memory_space<semaphore_mem>>, %arg19: memref<!tpu.dma_semaphore, #tpu.memory_space<semaphore_mem>>, %arg20: memref<!tpu.dma_semaphore, #tpu.memory_space<semaphore_mem>>, %arg21: memref<!tpu.dma_semaphore, #tpu.memory_space<semaphore_mem>>) attributes {dimension_semantics = [#tpu.dimension_semantics<core_parallel>, #tpu.dimension_semantics<subcore_parallel>], iteration_bounds = array<i64: 2, 16>, scalar_prefetch = 0 : i64, scratch_operands = 15 : i64, tpu.core_type = #tpu.core_type<sc_vector_subcore>, window_params = [{transform_indices = #map}, {transform_indices = #map}, {transform_indices = #map1}, {transform_indices = #map1}, {transform_indices = #map2}]} {
    %mul3A = arith.constant 640 : i32
    %mul3A_0 = arith.muli %arg1, %mul3A : i32
    %mul3A_1 = arith.constant 10240 : i32
    %mul3A_2 = arith.muli %arg1, %mul3A_1 : i32
    %scan3A = arith.constant 0 : i32
    %scan3A_3 = arith.constant 0 : i32
    %scan3A_4 = arith.constant 256 : i32
    %scan3A_5 = arith.addi %scan3A_3, %scan3A_4 : i32
    %scan3A_6 = arith.constant 1 : i32
    scf.for %scan3A_104 = %scan3A_3 to %scan3A_5 step %scan3A_6  : i32 {
      %jit3A = arith.constant 4 : i32
      %div3A = arith.divsi %scan3A_104, %jit3A : i32
      %sign3A = arith.constant 0 : i32
      %sign3A_105 = arith.cmpi sgt, %scan3A_104, %sign3A : i32
      %sign3A_106 = arith.extui %sign3A_105 : i1 to i32
      %sign3A_107 = arith.constant 0 : i32
      %sign3A_108 = arith.cmpi slt, %scan3A_104, %sign3A_107 : i32
      %sign3A_109 = arith.extui %sign3A_108 : i1 to i32
      %sign3A_110 = arith.subi %sign3A_106, %sign3A_109 : i32
      %sign3A_111 = arith.constant 0 : i32
      %sign3A_112 = arith.cmpi sgt, %jit3A, %sign3A_111 : i32
      %sign3A_113 = arith.extui %sign3A_112 : i1 to i32
      %sign3A_114 = arith.constant 0 : i32
      %sign3A_115 = arith.cmpi slt, %jit3A, %sign3A_114 : i32
      %sign3A_116 = arith.extui %sign3A_115 : i1 to i32
      %sign3A_117 = arith.subi %sign3A_113, %sign3A_116 : i32
      %ne3A = arith.cmpi ne, %sign3A_110, %sign3A_117 : i32
      %rem3A = arith.remsi %scan3A_104, %jit3A : i32
      %ne3A_118 = arith.constant 0 : i32
      %ne3A_119 = arith.cmpi ne, %rem3A, %ne3A_118 : i32
      %and3A = arith.andi %ne3A, %ne3A_119 : i1
      %sub3A = arith.constant 1 : i32
      %sub3A_120 = arith.subi %div3A, %sub3A : i32
      %select_n3A = arith.select %and3A, %sub3A_120, %div3A : i32
      %jit3A_121 = arith.constant 4 : i32
      %eq3A = arith.constant 0 : i32
      %eq3A_122 = arith.cmpi eq, %jit3A_121, %eq3A : i32
      %jit3A_123 = arith.constant 1 : i32
      %select_n3A_124 = arith.select %eq3A_122, %jit3A_123, %jit3A_121 : i32
      %rem3A_125 = arith.remsi %scan3A_104, %select_n3A_124 : i32
      %ne3A_126 = arith.constant 0 : i32
      %ne3A_127 = arith.cmpi ne, %rem3A_125, %ne3A_126 : i32
      %lt3A = arith.constant 0 : i32
      %lt3A_128 = arith.cmpi slt, %rem3A_125, %lt3A : i32
      %lt3A_129 = arith.constant 0 : i32
      %lt3A_130 = arith.cmpi slt, %select_n3A_124, %lt3A_129 : i32
      %ne3A_131 = arith.xori %lt3A_128, %lt3A_130 : i1
      %and3A_132 = arith.andi %ne3A_131, %ne3A_127 : i1
      %add3A_133 = arith.addi %rem3A_125, %select_n3A_124 : i32
      %select_n3A_134 = arith.select %and3A_132, %add3A_133, %rem3A_125 : i32
      %mul3A_135 = arith.constant 16 : i32
      %mul3A_136 = arith.muli %select_n3A_134, %mul3A_135 : i32
      %broadcast_in_dim3A = arith.constant 0.000000e+00 : f32
      %broadcast_in_dim3A_137 = vector.broadcast %broadcast_in_dim3A : f32 to vector<16xf32>
      %swap3A = arith.index_cast %select_n3A : i32 to index
      %swap3A_138 = arith.index_cast %mul3A_136 : i32 to index
      %swap3A_139 = tpu.vector_load %arg15[%swap3A, %swap3A_138] {strides = array<i32>} : memref<64x64xf32, #tpu.memory_space<vmem>>, vector<1x16xf32>,
      %swap3A_140 = vector.shape_cast %swap3A_139 : vector<1x16xf32> to vector<16xf32>
      %swap3A_141 = vector.shape_cast %broadcast_in_dim3A_137 : vector<16xf32> to vector<1x16xf32>
      tpu.vector_store %arg15[%swap3A, %swap3A_138], %swap3A_141 {strides = array<i32>} : memref<64x64xf32, #tpu.memory_space<vmem>>, vector<1x16xf32>,
    }
    %scan3A_7 = arith.constant 256 : i32
    %mul3A_8 = arith.constant 2 : i32
    %mul3A_9 = arith.muli %arg0, %mul3A_8 : i32
    %add3A = arith.constant 0 : i32
    %add3A_10 = arith.addi %mul3A_9, %add3A : i32
    %scan3A_11 = arith.constant 0 : i32
    %scan3A_12 = arith.constant 0 : i32
    %scan3A_13 = arith.constant 10 : i32
    %scan3A_14 = arith.addi %scan3A_12, %scan3A_13 : i32
    %scan3A_15 = arith.constant 1 : i32
    scf.for %scan3A_104 = %scan3A_12 to %scan3A_14 step %scan3A_15  : i32 {
      %mul3A_105 = arith.constant 64 : i32
      %mul3A_106 = arith.muli %scan3A_104, %mul3A_105 : i32
      %add3A_107 = arith.addi %mul3A_0, %mul3A_106 : i32
      "tpu.region"() ({
        %run_scoped3A = tpu.sem_alloc : memref<!tpu.dma_semaphore, #tpu.memory_space<semaphore_mem>>
        %dma_start3A_108 = arith.constant 0 : i32
        %dma_start3A_109 = tpu.memref_slice %arg17[%add3A_107, %dma_start3A_108] : memref<10240x64xf32, #tpu.memory_space<vmem_shared>> -> memref<64x64xf32, #tpu.memory_space<vmem_shared>>
        %dma_start3A_110 = arith.constant 0 : i32
        %dma_start3A_111 = tpu.memref_slice %arg17[%add3A_107, %dma_start3A_110] : memref<10240x64xf32, #tpu.memory_space<vmem_shared>> -> memref<64x64xf32, #tpu.memory_space<vmem_shared>>
        tpu.enqueue_dma source(%arg15 : memref<64x64xf32, #tpu.memory_space<vmem>>) target(%dma_start3A_111 : memref<64x64xf32, #tpu.memory_space<vmem_shared>>) target_semaphore(%run_scoped3A : memref<!tpu.dma_semaphore, #tpu.memory_space<semaphore_mem>>)
        %dma_wait3A_112 = arith.constant 0 : i32
        %dma_wait3A_113 = tpu.memref_slice %arg17[%add3A_107, %dma_wait3A_112] : memref<10240x64xf32, #tpu.memory_space<vmem_shared>> -> memref<64x64xf32, #tpu.memory_space<vmem_shared>>
        %dma_wait3A_114 = arith.constant 0 : i32
        %dma_wait3A_115 = tpu.memref_slice %arg17[%add3A_107, %dma_wait3A_114] : memref<10240x64xf32, #tpu.memory_space<vmem_shared>> -> memref<64x64xf32, #tpu.memory_space<vmem_shared>>
        tpu.wait_dma2 semaphore(%run_scoped3A : memref<!tpu.dma_semaphore, #tpu.memory_space<semaphore_mem>>) src(%arg15 : memref<64x64xf32, #tpu.memory_space<vmem>>) dst(%dma_wait3A_115 : memref<64x64xf32, #tpu.memory_space<vmem_shared>>)
        tpu.yield
      }) : () -> ()
    }
    %scan3A_16 = arith.constant 10 : i32
    %barrier3A = arith.constant 0 : index
    tpu.barrier barrier_id(%barrier3A)
    %add3A_17 = arith.constant 0 : i32
    %add3A_18 = arith.addi %mul3A_2, %add3A_17 : i32
    %mul3A_19 = arith.constant 163840 : i32
    %mul3A_20 = arith.muli %arg0, %mul3A_19 : i32
    %add3A_21 = arith.addi %mul3A_20, %add3A_18 : i32
    "tpu.region"() ({
      %run_scoped3A = tpu.sem_alloc : memref<!tpu.dma_semaphore, #tpu.memory_space<semaphore_mem>>
      %dma_start3A_104 = tpu.memref_slice %arg4[%add3A_21] : memref<327680xi32, #tpu.memory_space<hbm>> -> memref<128xi32, #tpu.memory_space<hbm>>
      %dma_start3A_105 = tpu.memref_slice %arg4[%add3A_21] : memref<327680xi32, #tpu.memory_space<hbm>> -> memref<128xi32, #tpu.memory_space<hbm>>
      tpu.enqueue_dma source(%dma_start3A_105 : memref<128xi32, #tpu.memory_space<hbm>>) target(%arg7 : memref<128xi32, #tpu.memory_space<vmem>>) target_semaphore(%run_scoped3A : memref<!tpu.dma_semaphore, #tpu.memory_space<semaphore_mem>>)
      %dma_wait3A_106 = tpu.memref_slice %arg4[%add3A_21] : memref<327680xi32, #tpu.memory_space<hbm>> -> memref<128xi32, #tpu.memory_space<hbm>>
      %dma_wait3A_107 = tpu.memref_slice %arg4[%add3A_21] : memref<327680xi32, #tpu.memory_space<hbm>> -> memref<128xi32, #tpu.memory_space<hbm>>
      tpu.wait_dma2 semaphore(%run_scoped3A : memref<!tpu.dma_semaphore, #tpu.memory_space<semaphore_mem>>) src(%dma_wait3A_107 : memref<128xi32, #tpu.memory_space<hbm>>) dst(%arg7 : memref<128xi32, #tpu.memory_space<vmem>>)
      tpu.yield
    }) : () -> ()
    %mul3A_22 = arith.constant 163840 : i32
    %mul3A_23 = arith.muli %arg0, %mul3A_22 : i32
    %add3A_24 = arith.addi %mul3A_23, %add3A_18 : i32
    %dma_start3A = arith.constant 0 : i32
    %dma_start3A_25 = tpu.memref_slice %arg3[%add3A_24, %dma_start3A] : memref<327680x128xf32, #tpu.memory_space<hbm>> -> memref<128x128xf32, #tpu.memory_space<hbm>>
    %dma_start3A_26 = arith.constant 0 : i32
    %dma_start3A_27 = tpu.memref_slice %arg3[%add3A_24, %dma_start3A_26] : memref<327680x128xf32, #tpu.memory_space<hbm>> -> memref<128x128xf32, #tpu.memory_space<hbm>>
    tpu.enqueue_dma source(%dma_start3A_27 : memref<128x128xf32, #tpu.memory_space<hbm>>) target(%arg12 : memref<128x128xf32, #tpu.memory_space<vmem>>) target_semaphore(%arg20 : memref<!tpu.dma_semaphore, #tpu.memory_space<semaphore_mem>>)
    %dma_start3A_28 = arith.constant 0 : i32
    %dma_start3A_29 = arith.constant 0 : i32
    %dma_start3A_30 = tpu.memref_slice %arg2[%dma_start3A_28, %dma_start3A_29] : memref<20000x128xf32, #tpu.memory_space<hbm>> -> memref<20000x128xf32, #tpu.memory_space<hbm>>
    tpu.enqueue_indirect_dma source(%dma_start3A_30 : memref<20000x128xf32, #tpu.memory_space<hbm>>) target(%arg10 : memref<128x128xf32, #tpu.memory_space<vmem>>) offsets(%arg7 : memref<128xi32, #tpu.memory_space<vmem>>) semaphore(%arg18 : memref<!tpu.dma_semaphore, #tpu.memory_space<semaphore_mem>>)
    %scan3A_31 = arith.constant 0 : i32
    %scan3A_32 = arith.constant 40 : i32
    %scan3A_33 = arith.addi %scan3A_31, %scan3A_32 : i32
    %scan3A_34 = arith.constant 1 : i32
    scf.for %scan3A_104 = %scan3A_31 to %scan3A_33 step %scan3A_34  : i32 {
      %mul3A_105 = arith.constant 1 : i32
      %mul3A_106 = arith.muli %scan3A_104, %mul3A_105 : i32
      %add3A_107 = arith.constant 0 : i32
      %add3A_108 = arith.addi %add3A_107, %mul3A_106 : i32
      %mul3A_109 = arith.constant 2 : i32
      %mul3A_110 = arith.muli %add3A_108, %mul3A_109 : i32
      %add3A_111 = arith.constant 0 : i32
      %add3A_112 = arith.addi %mul3A_110, %add3A_111 : i32
      %add3A_113 = arith.constant 1 : i32
      %add3A_114 = arith.addi %add3A_112, %add3A_113 : i32
      %min3A = arith.constant 79 : i32
      %min3A_115 = arith.minsi %add3A_114, %min3A : i32
      %mul3A_116 = arith.constant 128 : i32
      %mul3A_117 = arith.muli %min3A_115, %mul3A_116 : i32
      %add3A_118 = arith.addi %mul3A_2, %mul3A_117 : i32
      %mul3A_119 = arith.constant 163840 : i32
      %mul3A_120 = arith.muli %arg0, %mul3A_119 : i32
      %add3A_121 = arith.addi %mul3A_120, %add3A_118 : i32
      "tpu.region"() ({
        %run_scoped3A = tpu.sem_alloc : memref<!tpu.dma_semaphore, #tpu.memory_space<semaphore_mem>>
        %dma_start3A_198 = tpu.memref_slice %arg4[%add3A_121] : memref<327680xi32, #tpu.memory_space<hbm>> -> memref<128xi32, #tpu.memory_space<hbm>>
        %dma_start3A_199 = tpu.memref_slice %arg4[%add3A_121] : memref<327680xi32, #tpu.memory_space<hbm>> -> memref<128xi32, #tpu.memory_space<hbm>>
        tpu.enqueue_dma source(%dma_start3A_199 : memref<128xi32, #tpu.memory_space<hbm>>) target(%arg8 : memref<128xi32, #tpu.memory_space<vmem>>) target_semaphore(%run_scoped3A : memref<!tpu.dma_semaphore, #tpu.memory_space<semaphore_mem>>)
        %dma_wait3A_200 = tpu.memref_slice %arg4[%add3A_121] : memref<327680xi32, #tpu.memory_space<hbm>> -> memref<128xi32, #tpu.memory_space<hbm>>
        %dma_wait3A_201 = tpu.memref_slice %arg4[%add3A_121] : memref<327680xi32, #tpu.memory_space<hbm>> -> memref<128xi32, #tpu.memory_space<hbm>>
        tpu.wait_dma2 semaphore(%run_scoped3A : memref<!tpu.dma_semaphore, #tpu.memory_space<semaphore_mem>>) src(%dma_wait3A_201 : memref<128xi32, #tpu.memory_space<hbm>>) dst(%arg8 : memref<128xi32, #tpu.memory_space<vmem>>)
        tpu.yield
      }) : () -> ()
      %mul3A_122 = arith.constant 163840 : i32
      %mul3A_123 = arith.muli %arg0, %mul3A_122 : i32
      %add3A_124 = arith.addi %mul3A_123, %add3A_118 : i32
      %dma_start3A_125 = arith.constant 0 : i32
      %dma_start3A_126 = tpu.memref_slice %arg3[%add3A_124, %dma_start3A_125] : memref<327680x128xf32, #tpu.memory_space<hbm>> -> memref<128x128xf32, #tpu.memory_space<hbm>>
      %dma_start3A_127 = arith.constant 0 : i32
      %dma_start3A_128 = tpu.memref_slice %arg3[%add3A_124, %dma_start3A_127] : memref<327680x128xf32, #tpu.memory_space<hbm>> -> memref<128x128xf32, #tpu.memory_space<hbm>>
      tpu.enqueue_dma source(%dma_start3A_128 : memref<128x128xf32, #tpu.memory_space<hbm>>) target(%arg13 : memref<128x128xf32, #tpu.memory_space<vmem>>) target_semaphore(%arg21 : memref<!tpu.dma_semaphore, #tpu.memory_space<semaphore_mem>>)
      %dma_start3A_129 = arith.constant 0 : i32
      %dma_start3A_130 = arith.constant 0 : i32
      %dma_start3A_131 = tpu.memref_slice %arg2[%dma_start3A_129, %dma_start3A_130] : memref<20000x128xf32, #tpu.memory_space<hbm>> -> memref<20000x128xf32, #tpu.memory_space<hbm>>
      tpu.enqueue_indirect_dma source(%dma_start3A_131 : memref<20000x128xf32, #tpu.memory_space<hbm>>) target(%arg11 : memref<128x128xf32, #tpu.memory_space<vmem>>) offsets(%arg8 : memref<128xi32, #tpu.memory_space<vmem>>) semaphore(%arg19 : memref<!tpu.dma_semaphore, #tpu.memory_space<semaphore_mem>>)
      %mul3A_132 = arith.constant 128 : i32
      %mul3A_133 = arith.muli %add3A_112, %mul3A_132 : i32
      %add3A_134 = arith.addi %mul3A_2, %mul3A_133 : i32
      %mul3A_135 = arith.constant 163840 : i32
      %mul3A_136 = arith.muli %arg0, %mul3A_135 : i32
      %add3A_137 = arith.addi %mul3A_136, %add3A_134 : i32
      %dma_wait3A_138 = arith.constant 0 : i32
      %dma_wait3A_139 = tpu.memref_slice %arg3[%add3A_137, %dma_wait3A_138] : memref<327680x128xf32, #tpu.memory_space<hbm>> -> memref<128x128xf32, #tpu.memory_space<hbm>>
      %dma_wait3A_140 = arith.constant 0 : i32
      %dma_wait3A_141 = tpu.memref_slice %arg3[%add3A_137, %dma_wait3A_140] : memref<327680x128xf32, #tpu.memory_space<hbm>> -> memref<128x128xf32, #tpu.memory_space<hbm>>
      tpu.wait_dma2 semaphore(%arg20 : memref<!tpu.dma_semaphore, #tpu.memory_space<semaphore_mem>>) src(%dma_wait3A_141 : memref<128x128xf32, #tpu.memory_space<hbm>>) dst(%arg12 : memref<128x128xf32, #tpu.memory_space<vmem>>)
      %dma_wait3A_142 = arith.constant 0 : i32
      %dma_wait3A_143 = arith.constant 0 : i32
      %dma_wait3A_144 = tpu.memref_slice %arg2[%dma_wait3A_142, %dma_wait3A_143] : memref<20000x128xf32, #tpu.memory_space<hbm>> -> memref<20000x128xf32, #tpu.memory_space<hbm>>
      tpu.wait_indirect_dma semaphore(%arg18 : memref<!tpu.dma_semaphore, #tpu.memory_space<semaphore_mem>>) src(%dma_wait3A_144 : memref<20000x128xf32, #tpu.memory_space<hbm>>) dst(%arg10 : memref<128x128xf32, #tpu.memory_space<vmem>>)
      %mul3A_145 = arith.constant 128 : i32
      %mul3A_146 = arith.muli %add3A_112, %mul3A_145 : i32
      %add3A_147 = arith.addi %mul3A_2, %mul3A_146 : i32
      "tpu.region"() ({
        %run_scoped3A = tpu.sem_alloc : memref<!tpu.dma_semaphore, #tpu.memory_space<semaphore_mem>>
        %dma_start3A_198 = tpu.memref_slice %arg5[%add3A_147] : memref<163840xi32, #tpu.memory_space<hbm>> -> memref<128xi32, #tpu.memory_space<hbm>>
        %dma_start3A_199 = tpu.memref_slice %arg5[%add3A_147] : memref<163840xi32, #tpu.memory_space<hbm>> -> memref<128xi32, #tpu.memory_space<hbm>>
        tpu.enqueue_dma source(%dma_start3A_199 : memref<128xi32, #tpu.memory_space<hbm>>) target(%arg9 : memref<128xi32, #tpu.memory_space<vmem>>) target_semaphore(%run_scoped3A : memref<!tpu.dma_semaphore, #tpu.memory_space<semaphore_mem>>)
        %dma_wait3A_200 = tpu.memref_slice %arg5[%add3A_147] : memref<163840xi32, #tpu.memory_space<hbm>> -> memref<128xi32, #tpu.memory_space<hbm>>
        %dma_wait3A_201 = tpu.memref_slice %arg5[%add3A_147] : memref<163840xi32, #tpu.memory_space<hbm>> -> memref<128xi32, #tpu.memory_space<hbm>>
        tpu.wait_dma2 semaphore(%run_scoped3A : memref<!tpu.dma_semaphore, #tpu.memory_space<semaphore_mem>>) src(%dma_wait3A_201 : memref<128xi32, #tpu.memory_space<hbm>>) dst(%arg9 : memref<128xi32, #tpu.memory_space<vmem>>)
        tpu.yield
      }) : () -> ()
      %scan3A_148 = arith.constant 0 : i32
      %scan3A_149 = arith.constant 128 : i32
      %scan3A_150 = arith.addi %scan3A_148, %scan3A_149 : i32
      %scan3A_151 = arith.constant 4 : i32
      scf.for %scan3A_198 = %scan3A_148 to %scan3A_150 step %scan3A_151  : i32 {
        %mul3A_199 = arith.constant 1 : i32
        %mul3A_200 = arith.muli %scan3A_198, %mul3A_199 : i32
        %add3A_201 = arith.constant 0 : i32
        %add3A_202 = arith.addi %add3A_201, %mul3A_200 : i32
        %get3A = arith.index_cast %add3A_202 : i32 to index
        %get3A_203 = arith.constant 0 : index
        %get3A_204 = tpu.vector_load %arg10[%get3A, %get3A_203] {strides = array<i32>} : memref<128x128xf32, #tpu.memory_space<vmem>>, vector<1x16xf32>,
        %get3A_205 = vector.shape_cast %get3A_204 : vector<1x16xf32> to vector<16xf32>
        %get3A_206 = arith.index_cast %add3A_202 : i32 to index
        %get3A_207 = arith.constant 0 : index
        %get3A_208 = tpu.vector_load %arg12[%get3A_206, %get3A_207] {strides = array<i32>} : memref<128x128xf32, #tpu.memory_space<vmem>>, vector<1x16xf32>,
        %get3A_209 = vector.shape_cast %get3A_208 : vector<1x16xf32> to vector<16xf32>
        %mul3A_210 = arith.mulf %get3A_205, %get3A_209 : vector<16xf32>
        %swap3A = arith.index_cast %add3A_202 : i32 to index
        %swap3A_211 = arith.constant 0 : index
        %swap3A_212 = tpu.vector_load %arg14[%swap3A, %swap3A_211] {strides = array<i32>} : memref<128x64xf32, #tpu.memory_space<vmem>>, vector<1x16xf32>,
        %swap3A_213 = vector.shape_cast %swap3A_212 : vector<1x16xf32> to vector<16xf32>
        %swap3A_214 = vector.shape_cast %mul3A_210 : vector<16xf32> to vector<1x16xf32>
        tpu.vector_store %arg14[%swap3A, %swap3A_211], %swap3A_214 {strides = array<i32>} : memref<128x64xf32, #tpu.memory_space<vmem>>, vector<1x16xf32>,
        %get3A_215 = arith.index_cast %add3A_202 : i32 to index
        %get3A_216 = arith.constant 16 : index
        %get3A_217 = tpu.vector_load %arg10[%get3A_215, %get3A_216] {strides = array<i32>} : memref<128x128xf32, #tpu.memory_space<vmem>>, vector<1x16xf32>,
        %get3A_218 = vector.shape_cast %get3A_217 : vector<1x16xf32> to vector<16xf32>
        %get3A_219 = arith.index_cast %add3A_202 : i32 to index
        %get3A_220 = arith.constant 16 : index
        %get3A_221 = tpu.vector_load %arg12[%get3A_219, %get3A_220] {strides = array<i32>} : memref<128x128xf32, #tpu.memory_space<vmem>>, vector<1x16xf32>,
        %get3A_222 = vector.shape_cast %get3A_221 : vector<1x16xf32> to vector<16xf32>
        %mul3A_223 = arith.mulf %get3A_218, %get3A_222 : vector<16xf32>
        %swap3A_224 = arith.index_cast %add3A_202 : i32 to index
        %swap3A_225 = arith.constant 16 : index
        %swap3A_226 = tpu.vector_load %arg14[%swap3A_224, %swap3A_225] {strides = array<i32>} : memref<128x64xf32, #tpu.memory_space<vmem>>, vector<1x16xf32>,
        %swap3A_227 = vector.shape_cast %swap3A_226 : vector<1x16xf32> to vector<16xf32>
        %swap3A_228 = vector.shape_cast %mul3A_223 : vector<16xf32> to vector<1x16xf32>
        tpu.vector_store %arg14[%swap3A_224, %swap3A_225], %swap3A_228 {strides = array<i32>} : memref<128x64xf32, #tpu.memory_space<vmem>>, vector<1x16xf32>,
        %get3A_229 = arith.index_cast %add3A_202 : i32 to index
        %get3A_230 = arith.constant 32 : index
        %get3A_231 = tpu.vector_load %arg10[%get3A_229, %get3A_230] {strides = array<i32>} : memref<128x128xf32, #tpu.memory_space<vmem>>, vector<1x16xf32>,
        %get3A_232 = vector.shape_cast %get3A_231 : vector<1x16xf32> to vector<16xf32>
        %get3A_233 = arith.index_cast %add3A_202 : i32 to index
        %get3A_234 = arith.constant 32 : index
        %get3A_235 = tpu.vector_load %arg12[%get3A_233, %get3A_234] {strides = array<i32>} : memref<128x128xf32, #tpu.memory_space<vmem>>, vector<1x16xf32>,
        %get3A_236 = vector.shape_cast %get3A_235 : vector<1x16xf32> to vector<16xf32>
        %mul3A_237 = arith.mulf %get3A_232, %get3A_236 : vector<16xf32>
        %swap3A_238 = arith.index_cast %add3A_202 : i32 to index
        %swap3A_239 = arith.constant 32 : index
        %swap3A_240 = tpu.vector_load %arg14[%swap3A_238, %swap3A_239] {strides = array<i32>} : memref<128x64xf32, #tpu.memory_space<vmem>>, vector<1x16xf32>,
        %swap3A_241 = vector.shape_cast %swap3A_240 : vector<1x16xf32> to vector<16xf32>
        %swap3A_242 = vector.shape_cast %mul3A_237 : vector<16xf32> to vector<1x16xf32>
        tpu.vector_store %arg14[%swap3A_238, %swap3A_239], %swap3A_242 {strides = array<i32>} : memref<128x64xf32, #tpu.memory_space<vmem>>, vector<1x16xf32>,
        %get3A_243 = arith.index_cast %add3A_202 : i32 to index
        %get3A_244 = arith.constant 48 : index
        %get3A_245 = tpu.vector_load %arg10[%get3A_243, %get3A_244] {strides = array<i32>} : memref<128x128xf32, #tpu.memory_space<vmem>>, vector<1x16xf32>,
        %get3A_246 = vector.shape_cast %get3A_245 : vector<1x16xf32> to vector<16xf32>
        %get3A_247 = arith.index_cast %add3A_202 : i32 to index
        %get3A_248 = arith.constant 48 : index
        %get3A_249 = tpu.vector_load %arg12[%get3A_247, %get3A_248] {strides = array<i32>} : memref<128x128xf32, #tpu.memory_space<vmem>>, vector<1x16xf32>,
        %get3A_250 = vector.shape_cast %get3A_249 : vector<1x16xf32> to vector<16xf32>
        %mul3A_251 = arith.mulf %get3A_246, %get3A_250 : vector<16xf32>
        %swap3A_252 = arith.index_cast %add3A_202 : i32 to index
        %swap3A_253 = arith.constant 48 : index
        %swap3A_254 = tpu.vector_load %arg14[%swap3A_252, %swap3A_253] {strides = array<i32>} : memref<128x64xf32, #tpu.memory_space<vmem>>, vector<1x16xf32>,
        %swap3A_255 = vector.shape_cast %swap3A_254 : vector<1x16xf32> to vector<16xf32>
        %swap3A_256 = vector.shape_cast %mul3A_251 : vector<16xf32> to vector<1x16xf32>
        tpu.vector_store %arg14[%swap3A_252, %swap3A_253], %swap3A_256 {strides = array<i32>} : memref<128x64xf32, #tpu.memory_space<vmem>>, vector<1x16xf32>,
        %scan3A_257 = arith.constant 1 : i32
        %scan3A_258 = arith.addi %scan3A_198, %scan3A_257 : i32
        %mul3A_259 = arith.constant 1 : i32
        %mul3A_260 = arith.muli %scan3A_258, %mul3A_259 : i32
        %add3A_261 = arith.constant 0 : i32
        %add3A_262 = arith.addi %add3A_261, %mul3A_260 : i32
        %get3A_263 = arith.index_cast %add3A_262 : i32 to index
        %get3A_264 = arith.constant 0 : index
        %get3A_265 = tpu.vector_load %arg10[%get3A_263, %get3A_264] {strides = array<i32>} : memref<128x128xf32, #tpu.memory_space<vmem>>, vector<1x16xf32>,
        %get3A_266 = vector.shape_cast %get3A_265 : vector<1x16xf32> to vector<16xf32>
        %get3A_267 = arith.index_cast %add3A_262 : i32 to index
        %get3A_268 = arith.constant 0 : index
        %get3A_269 = tpu.vector_load %arg12[%get3A_267, %get3A_268] {strides = array<i32>} : memref<128x128xf32, #tpu.memory_space<vmem>>, vector<1x16xf32>,
        %get3A_270 = vector.shape_cast %get3A_269 : vector<1x16xf32> to vector<16xf32>
        %mul3A_271 = arith.mulf %get3A_266, %get3A_270 : vector<16xf32>
        %swap3A_272 = arith.index_cast %add3A_262 : i32 to index
        %swap3A_273 = arith.constant 0 : index
        %swap3A_274 = tpu.vector_load %arg14[%swap3A_272, %swap3A_273] {strides = array<i32>} : memref<128x64xf32, #tpu.memory_space<vmem>>, vector<1x16xf32>,
        %swap3A_275 = vector.shape_cast %swap3A_274 : vector<1x16xf32> to vector<16xf32>
        %swap3A_276 = vector.shape_cast %mul3A_271 : vector<16xf32> to vector<1x16xf32>
        tpu.vector_store %arg14[%swap3A_272, %swap3A_273], %swap3A_276 {strides = array<i32>} : memref<128x64xf32, #tpu.memory_space<vmem>>, vector<1x16xf32>,
        %get3A_277 = arith.index_cast %add3A_262 : i32 to index
        %get3A_278 = arith.constant 16 : index
        %get3A_279 = tpu.vector_load %arg10[%get3A_277, %get3A_278] {strides = array<i32>} : memref<128x128xf32, #tpu.memory_space<vmem>>, vector<1x16xf32>,
        %get3A_280 = vector.shape_cast %get3A_279 : vector<1x16xf32> to vector<16xf32>
        %get3A_281 = arith.index_cast %add3A_262 : i32 to index
        %get3A_282 = arith.constant 16 : index
        %get3A_283 = tpu.vector_load %arg12[%get3A_281, %get3A_282] {strides = array<i32>} : memref<128x128xf32, #tpu.memory_space<vmem>>, vector<1x16xf32>,
        %get3A_284 = vector.shape_cast %get3A_283 : vector<1x16xf32> to vector<16xf32>
        %mul3A_285 = arith.mulf %get3A_280, %get3A_284 : vector<16xf32>
        %swap3A_286 = arith.index_cast %add3A_262 : i32 to index
        %swap3A_287 = arith.constant 16 : index
        %swap3A_288 = tpu.vector_load %arg14[%swap3A_286, %swap3A_287] {strides = array<i32>} : memref<128x64xf32, #tpu.memory_space<vmem>>, vector<1x16xf32>,
        %swap3A_289 = vector.shape_cast %swap3A_288 : vector<1x16xf32> to vector<16xf32>
        %swap3A_290 = vector.shape_cast %mul3A_285 : vector<16xf32> to vector<1x16xf32>
        tpu.vector_store %arg14[%swap3A_286, %swap3A_287], %swap3A_290 {strides = array<i32>} : memref<128x64xf32, #tpu.memory_space<vmem>>, vector<1x16xf32>,
        %get3A_291 = arith.index_cast %add3A_262 : i32 to index
        %get3A_292 = arith.constant 32 : index
        %get3A_293 = tpu.vector_load %arg10[%get3A_291, %get3A_292] {strides = array<i32>} : memref<128x128xf32, #tpu.memory_space<vmem>>, vector<1x16xf32>,
        %get3A_294 = vector.shape_cast %get3A_293 : vector<1x16xf32> to vector<16xf32>
        %get3A_295 = arith.index_cast %add3A_262 : i32 to index
        %get3A_296 = arith.constant 32 : index
        %get3A_297 = tpu.vector_load %arg12[%get3A_295, %get3A_296] {strides = array<i32>} : memref<128x128xf32, #tpu.memory_space<vmem>>, vector<1x16xf32>,
        %get3A_298 = vector.shape_cast %get3A_297 : vector<1x16xf32> to vector<16xf32>
        %mul3A_299 = arith.mulf %get3A_294, %get3A_298 : vector<16xf32>
        %swap3A_300 = arith.index_cast %add3A_262 : i32 to index
        %swap3A_301 = arith.constant 32 : index
        %swap3A_302 = tpu.vector_load %arg14[%swap3A_300, %swap3A_301] {strides = array<i32>} : memref<128x64xf32, #tpu.memory_space<vmem>>, vector<1x16xf32>,
        %swap3A_303 = vector.shape_cast %swap3A_302 : vector<1x16xf32> to vector<16xf32>
        %swap3A_304 = vector.shape_cast %mul3A_299 : vector<16xf32> to vector<1x16xf32>
        tpu.vector_store %arg14[%swap3A_300, %swap3A_301], %swap3A_304 {strides = array<i32>} : memref<128x64xf32, #tpu.memory_space<vmem>>, vector<1x16xf32>,
        %get3A_305 = arith.index_cast %add3A_262 : i32 to index
        %get3A_306 = arith.constant 48 : index
        %get3A_307 = tpu.vector_load %arg10[%get3A_305, %get3A_306] {strides = array<i32>} : memref<128x128xf32, #tpu.memory_space<vmem>>, vector<1x16xf32>,
        %get3A_308 = vector.shape_cast %get3A_307 : vector<1x16xf32> to vector<16xf32>
        %get3A_309 = arith.index_cast %add3A_262 : i32 to index
        %get3A_310 = arith.constant 48 : index
        %get3A_311 = tpu.vector_load %arg12[%get3A_309, %get3A_310] {strides = array<i32>} : memref<128x128xf32, #tpu.memory_space<vmem>>, vector<1x16xf32>,
        %get3A_312 = vector.shape_cast %get3A_311 : vector<1x16xf32> to vector<16xf32>
        %mul3A_313 = arith.mulf %get3A_308, %get3A_312 : vector<16xf32>
        %swap3A_314 = arith.index_cast %add3A_262 : i32 to index
        %swap3A_315 = arith.constant 48 : index
        %swap3A_316 = tpu.vector_load %arg14[%swap3A_314, %swap3A_315] {strides = array<i32>} : memref<128x64xf32, #tpu.memory_space<vmem>>, vector<1x16xf32>,
        %swap3A_317 = vector.shape_cast %swap3A_316 : vector<1x16xf32> to vector<16xf32>
        %swap3A_318 = vector.shape_cast %mul3A_313 : vector<16xf32> to vector<1x16xf32>
        tpu.vector_store %arg14[%swap3A_314, %swap3A_315], %swap3A_318 {strides = array<i32>} : memref<128x64xf32, #tpu.memory_space<vmem>>, vector<1x16xf32>,
        %scan3A_319 = arith.constant 2 : i32
        %scan3A_320 = arith.addi %scan3A_198, %scan3A_319 : i32
        %mul3A_321 = arith.constant 1 : i32
        %mul3A_322 = arith.muli %scan3A_320, %mul3A_321 : i32
        %add3A_323 = arith.constant 0 : i32
        %add3A_324 = arith.addi %add3A_323, %mul3A_322 : i32
        %get3A_325 = arith.index_cast %add3A_324 : i32 to index
        %get3A_326 = arith.constant 0 : index
        %get3A_327 = tpu.vector_load %arg10[%get3A_325, %get3A_326] {strides = array<i32>} : memref<128x128xf32, #tpu.memory_space<vmem>>, vector<1x16xf32>,
        %get3A_328 = vector.shape_cast %get3A_327 : vector<1x16xf32> to vector<16xf32>
        %get3A_329 = arith.index_cast %add3A_324 : i32 to index
        %get3A_330 = arith.constant 0 : index
        %get3A_331 = tpu.vector_load %arg12[%get3A_329, %get3A_330] {strides = array<i32>} : memref<128x128xf32, #tpu.memory_space<vmem>>, vector<1x16xf32>,
        %get3A_332 = vector.shape_cast %get3A_331 : vector<1x16xf32> to vector<16xf32>
        %mul3A_333 = arith.mulf %get3A_328, %get3A_332 : vector<16xf32>
        %swap3A_334 = arith.index_cast %add3A_324 : i32 to index
        %swap3A_335 = arith.constant 0 : index
        %swap3A_336 = tpu.vector_load %arg14[%swap3A_334, %swap3A_335] {strides = array<i32>} : memref<128x64xf32, #tpu.memory_space<vmem>>, vector<1x16xf32>,
        %swap3A_337 = vector.shape_cast %swap3A_336 : vector<1x16xf32> to vector<16xf32>
        %swap3A_338 = vector.shape_cast %mul3A_333 : vector<16xf32> to vector<1x16xf32>
        tpu.vector_store %arg14[%swap3A_334, %swap3A_335], %swap3A_338 {strides = array<i32>} : memref<128x64xf32, #tpu.memory_space<vmem>>, vector<1x16xf32>,
        %get3A_339 = arith.index_cast %add3A_324 : i32 to index
        %get3A_340 = arith.constant 16 : index
        %get3A_341 = tpu.vector_load %arg10[%get3A_339, %get3A_340] {strides = array<i32>} : memref<128x128xf32, #tpu.memory_space<vmem>>, vector<1x16xf32>,
        %get3A_342 = vector.shape_cast %get3A_341 : vector<1x16xf32> to vector<16xf32>
        %get3A_343 = arith.index_cast %add3A_324 : i32 to index
        %get3A_344 = arith.constant 16 : index
        %get3A_345 = tpu.vector_load %arg12[%get3A_343, %get3A_344] {strides = array<i32>} : memref<128x128xf32, #tpu.memory_space<vmem>>, vector<1x16xf32>,
        %get3A_346 = vector.shape_cast %get3A_345 : vector<1x16xf32> to vector<16xf32>
        %mul3A_347 = arith.mulf %get3A_342, %get3A_346 : vector<16xf32>
        %swap3A_348 = arith.index_cast %add3A_324 : i32 to index
        %swap3A_349 = arith.constant 16 : index
        %swap3A_350 = tpu.vector_load %arg14[%swap3A_348, %swap3A_349] {strides = array<i32>} : memref<128x64xf32, #tpu.memory_space<vmem>>, vector<1x16xf32>,
        %swap3A_351 = vector.shape_cast %swap3A_350 : vector<1x16xf32> to vector<16xf32>
        %swap3A_352 = vector.shape_cast %mul3A_347 : vector<16xf32> to vector<1x16xf32>
        tpu.vector_store %arg14[%swap3A_348, %swap3A_349], %swap3A_352 {strides = array<i32>} : memref<128x64xf32, #tpu.memory_space<vmem>>, vector<1x16xf32>,
        %get3A_353 = arith.index_cast %add3A_324 : i32 to index
        %get3A_354 = arith.constant 32 : index
        %get3A_355 = tpu.vector_load %arg10[%get3A_353, %get3A_354] {strides = array<i32>} : memref<128x128xf32, #tpu.memory_space<vmem>>, vector<1x16xf32>,
        %get3A_356 = vector.shape_cast %get3A_355 : vector<1x16xf32> to vector<16xf32>
        %get3A_357 = arith.index_cast %add3A_324 : i32 to index
        %get3A_358 = arith.constant 32 : index
        %get3A_359 = tpu.vector_load %arg12[%get3A_357, %get3A_358] {strides = array<i32>} : memref<128x128xf32, #tpu.memory_space<vmem>>, vector<1x16xf32>,
        %get3A_360 = vector.shape_cast %get3A_359 : vector<1x16xf32> to vector<16xf32>
        %mul3A_361 = arith.mulf %get3A_356, %get3A_360 : vector<16xf32>
        %swap3A_362 = arith.index_cast %add3A_324 : i32 to index
        %swap3A_363 = arith.constant 32 : index
        %swap3A_364 = tpu.vector_load %arg14[%swap3A_362, %swap3A_363] {strides = array<i32>} : memref<128x64xf32, #tpu.memory_space<vmem>>, vector<1x16xf32>,
        %swap3A_365 = vector.shape_cast %swap3A_364 : vector<1x16xf32> to vector<16xf32>
        %swap3A_366 = vector.shape_cast %mul3A_361 : vector<16xf32> to vector<1x16xf32>
        tpu.vector_store %arg14[%swap3A_362, %swap3A_363], %swap3A_366 {strides = array<i32>} : memref<128x64xf32, #tpu.memory_space<vmem>>, vector<1x16xf32>,
        %get3A_367 = arith.index_cast %add3A_324 : i32 to index
        %get3A_368 = arith.constant 48 : index
        %get3A_369 = tpu.vector_load %arg10[%get3A_367, %get3A_368] {strides = array<i32>} : memref<128x128xf32, #tpu.memory_space<vmem>>, vector<1x16xf32>,
        %get3A_370 = vector.shape_cast %get3A_369 : vector<1x16xf32> to vector<16xf32>
        %get3A_371 = arith.index_cast %add3A_324 : i32 to index
        %get3A_372 = arith.constant 48 : index
        %get3A_373 = tpu.vector_load %arg12[%get3A_371, %get3A_372] {strides = array<i32>} : memref<128x128xf32, #tpu.memory_space<vmem>>, vector<1x16xf32>,
        %get3A_374 = vector.shape_cast %get3A_373 : vector<1x16xf32> to vector<16xf32>
        %mul3A_375 = arith.mulf %get3A_370, %get3A_374 : vector<16xf32>
        %swap3A_376 = arith.index_cast %add3A_324 : i32 to index
        %swap3A_377 = arith.constant 48 : index
        %swap3A_378 = tpu.vector_load %arg14[%swap3A_376, %swap3A_377] {strides = array<i32>} : memref<128x64xf32, #tpu.memory_space<vmem>>, vector<1x16xf32>,
        %swap3A_379 = vector.shape_cast %swap3A_378 : vector<1x16xf32> to vector<16xf32>
        %swap3A_380 = vector.shape_cast %mul3A_375 : vector<16xf32> to vector<1x16xf32>
        tpu.vector_store %arg14[%swap3A_376, %swap3A_377], %swap3A_380 {strides = array<i32>} : memref<128x64xf32, #tpu.memory_space<vmem>>, vector<1x16xf32>,
        %scan3A_381 = arith.constant 3 : i32
        %scan3A_382 = arith.addi %scan3A_198, %scan3A_381 : i32
        %mul3A_383 = arith.constant 1 : i32
        %mul3A_384 = arith.muli %scan3A_382, %mul3A_383 : i32
        %add3A_385 = arith.constant 0 : i32
        %add3A_386 = arith.addi %add3A_385, %mul3A_384 : i32
        %get3A_387 = arith.index_cast %add3A_386 : i32 to index
        %get3A_388 = arith.constant 0 : index
        %get3A_389 = tpu.vector_load %arg10[%get3A_387, %get3A_388] {strides = array<i32>} : memref<128x128xf32, #tpu.memory_space<vmem>>, vector<1x16xf32>,
        %get3A_390 = vector.shape_cast %get3A_389 : vector<1x16xf32> to vector<16xf32>
        %get3A_391 = arith.index_cast %add3A_386 : i32 to index
        %get3A_392 = arith.constant 0 : index
        %get3A_393 = tpu.vector_load %arg12[%get3A_391, %get3A_392] {strides = array<i32>} : memref<128x128xf32, #tpu.memory_space<vmem>>, vector<1x16xf32>,
        %get3A_394 = vector.shape_cast %get3A_393 : vector<1x16xf32> to vector<16xf32>
        %mul3A_395 = arith.mulf %get3A_390, %get3A_394 : vector<16xf32>
        %swap3A_396 = arith.index_cast %add3A_386 : i32 to index
        %swap3A_397 = arith.constant 0 : index
        %swap3A_398 = tpu.vector_load %arg14[%swap3A_396, %swap3A_397] {strides = array<i32>} : memref<128x64xf32, #tpu.memory_space<vmem>>, vector<1x16xf32>,
        %swap3A_399 = vector.shape_cast %swap3A_398 : vector<1x16xf32> to vector<16xf32>
        %swap3A_400 = vector.shape_cast %mul3A_395 : vector<16xf32> to vector<1x16xf32>
        tpu.vector_store %arg14[%swap3A_396, %swap3A_397], %swap3A_400 {strides = array<i32>} : memref<128x64xf32, #tpu.memory_space<vmem>>, vector<1x16xf32>,
        %get3A_401 = arith.index_cast %add3A_386 : i32 to index
        %get3A_402 = arith.constant 16 : index
        %get3A_403 = tpu.vector_load %arg10[%get3A_401, %get3A_402] {strides = array<i32>} : memref<128x128xf32, #tpu.memory_space<vmem>>, vector<1x16xf32>,
        %get3A_404 = vector.shape_cast %get3A_403 : vector<1x16xf32> to vector<16xf32>
        %get3A_405 = arith.index_cast %add3A_386 : i32 to index
        %get3A_406 = arith.constant 16 : index
        %get3A_407 = tpu.vector_load %arg12[%get3A_405, %get3A_406] {strides = array<i32>} : memref<128x128xf32, #tpu.memory_space<vmem>>, vector<1x16xf32>,
        %get3A_408 = vector.shape_cast %get3A_407 : vector<1x16xf32> to vector<16xf32>
        %mul3A_409 = arith.mulf %get3A_404, %get3A_408 : vector<16xf32>
        %swap3A_410 = arith.index_cast %add3A_386 : i32 to index
        %swap3A_411 = arith.constant 16 : index
        %swap3A_412 = tpu.vector_load %arg14[%swap3A_410, %swap3A_411] {strides = array<i32>} : memref<128x64xf32, #tpu.memory_space<vmem>>, vector<1x16xf32>,
        %swap3A_413 = vector.shape_cast %swap3A_412 : vector<1x16xf32> to vector<16xf32>
        %swap3A_414 = vector.shape_cast %mul3A_409 : vector<16xf32> to vector<1x16xf32>
        tpu.vector_store %arg14[%swap3A_410, %swap3A_411], %swap3A_414 {strides = array<i32>} : memref<128x64xf32, #tpu.memory_space<vmem>>, vector<1x16xf32>,
        %get3A_415 = arith.index_cast %add3A_386 : i32 to index
        %get3A_416 = arith.constant 32 : index
        %get3A_417 = tpu.vector_load %arg10[%get3A_415, %get3A_416] {strides = array<i32>} : memref<128x128xf32, #tpu.memory_space<vmem>>, vector<1x16xf32>,
        %get3A_418 = vector.shape_cast %get3A_417 : vector<1x16xf32> to vector<16xf32>
        %get3A_419 = arith.index_cast %add3A_386 : i32 to index
        %get3A_420 = arith.constant 32 : index
        %get3A_421 = tpu.vector_load %arg12[%get3A_419, %get3A_420] {strides = array<i32>} : memref<128x128xf32, #tpu.memory_space<vmem>>, vector<1x16xf32>,
        %get3A_422 = vector.shape_cast %get3A_421 : vector<1x16xf32> to vector<16xf32>
        %mul3A_423 = arith.mulf %get3A_418, %get3A_422 : vector<16xf32>
        %swap3A_424 = arith.index_cast %add3A_386 : i32 to index
        %swap3A_425 = arith.constant 32 : index
        %swap3A_426 = tpu.vector_load %arg14[%swap3A_424, %swap3A_425] {strides = array<i32>} : memref<128x64xf32, #tpu.memory_space<vmem>>, vector<1x16xf32>,
        %swap3A_427 = vector.shape_cast %swap3A_426 : vector<1x16xf32> to vector<16xf32>
        %swap3A_428 = vector.shape_cast %mul3A_423 : vector<16xf32> to vector<1x16xf32>
        tpu.vector_store %arg14[%swap3A_424, %swap3A_425], %swap3A_428 {strides = array<i32>} : memref<128x64xf32, #tpu.memory_space<vmem>>, vector<1x16xf32>,
        %get3A_429 = arith.index_cast %add3A_386 : i32 to index
        %get3A_430 = arith.constant 48 : index
        %get3A_431 = tpu.vector_load %arg10[%get3A_429, %get3A_430] {strides = array<i32>} : memref<128x128xf32, #tpu.memory_space<vmem>>, vector<1x16xf32>,
        %get3A_432 = vector.shape_cast %get3A_431 : vector<1x16xf32> to vector<16xf32>
        %get3A_433 = arith.index_cast %add3A_386 : i32 to index
        %get3A_434 = arith.constant 48 : index
        %get3A_435 = tpu.vector_load %arg12[%get3A_433, %get3A_434] {strides = array<i32>} : memref<128x128xf32, #tpu.memory_space<vmem>>, vector<1x16xf32>,
        %get3A_436 = vector.shape_cast %get3A_435 : vector<1x16xf32> to vector<16xf32>
        %mul3A_437 = arith.mulf %get3A_432, %get3A_436 : vector<16xf32>
        %swap3A_438 = arith.index_cast %add3A_386 : i32 to index
        %swap3A_439 = arith.constant 48 : index
        %swap3A_440 = tpu.vector_load %arg14[%swap3A_438, %swap3A_439] {strides = array<i32>} : memref<128x64xf32, #tpu.memory_space<vmem>>, vector<1x16xf32>,
        %swap3A_441 = vector.shape_cast %swap3A_440 : vector<1x16xf32> to vector<16xf32>
        %swap3A_442 = vector.shape_cast %mul3A_437 : vector<16xf32> to vector<1x16xf32>
        tpu.vector_store %arg14[%swap3A_438, %swap3A_439], %swap3A_442 {strides = array<i32>} : memref<128x64xf32, #tpu.memory_space<vmem>>, vector<1x16xf32>,
      }
      %scan3A_152 = arith.constant 128 : i32
      "tpu.region"() ({
        %run_scoped3A = tpu.sem_alloc : memref<!tpu.dma_semaphore, #tpu.memory_space<semaphore_mem>>
        %dma_start3A_198 = arith.constant 0 : i32
        %dma_start3A_199 = arith.constant 0 : i32
        %dma_start3A_200 = tpu.memref_slice %arg17[%dma_start3A_198, %dma_start3A_199] : memref<10240x64xf32, #tpu.memory_space<vmem_shared>> -> memref<10240x64xf32, #tpu.memory_space<vmem_shared>>
        tpu.enqueue_indirect_dma source(%arg14 : memref<128x64xf32, #tpu.memory_space<vmem>>) target(%dma_start3A_200 : memref<10240x64xf32, #tpu.memory_space<vmem_shared>>) offsets(%arg9 : memref<128xi32, #tpu.memory_space<vmem>>) semaphore(%run_scoped3A : memref<!tpu.dma_semaphore, #tpu.memory_space<semaphore_mem>>) {add = true}
        %dma_wait3A_201 = arith.constant 0 : i32
        %dma_wait3A_202 = arith.constant 0 : i32
        %dma_wait3A_203 = tpu.memref_slice %arg17[%dma_wait3A_201, %dma_wait3A_202] : memref<10240x64xf32, #tpu.memory_space<vmem_shared>> -> memref<10240x64xf32, #tpu.memory_space<vmem_shared>>
        tpu.wait_indirect_dma semaphore(%run_scoped3A : memref<!tpu.dma_semaphore, #tpu.memory_space<semaphore_mem>>) src(%arg14 : memref<128x64xf32, #tpu.memory_space<vmem>>) dst(%dma_wait3A_203 : memref<10240x64xf32, #tpu.memory_space<vmem_shared>>)
        tpu.yield
      }) : () -> ()
      %mul3A_153 = arith.constant 2 : i32
      %mul3A_154 = arith.muli %add3A_108, %mul3A_153 : i32
      %add3A_155 = arith.constant 1 : i32
      %add3A_156 = arith.addi %mul3A_154, %add3A_155 : i32
      %add3A_157 = arith.constant 1 : i32
      %add3A_158 = arith.addi %add3A_156, %add3A_157 : i32
      %min3A_159 = arith.constant 79 : i32
      %min3A_160 = arith.minsi %add3A_158, %min3A_159 : i32
      %mul3A_161 = arith.constant 128 : i32
      %mul3A_162 = arith.muli %min3A_160, %mul3A_161 : i32
      %add3A_163 = arith.addi %mul3A_2, %mul3A_162 : i32
      %mul3A_164 = arith.constant 163840 : i32
      %mul3A_165 = arith.muli %arg0, %mul3A_164 : i32
      %add3A_166 = arith.addi %mul3A_165, %add3A_163 : i32
      "tpu.region"() ({
        %run_scoped3A = tpu.sem_alloc : memref<!tpu.dma_semaphore, #tpu.memory_space<semaphore_mem>>
        %dma_start3A_198 = tpu.memref_slice %arg4[%add3A_166] : memref<327680xi32, #tpu.memory_space<hbm>> -> memref<128xi32, #tpu.memory_space<hbm>>
        %dma_start3A_199 = tpu.memref_slice %arg4[%add3A_166] : memref<327680xi32, #tpu.memory_space<hbm>> -> memref<128xi32, #tpu.memory_space<hbm>>
        tpu.enqueue_dma source(%dma_start3A_199 : memref<128xi32, #tpu.memory_space<hbm>>) target(%arg7 : memref<128xi32, #tpu.memory_space<vmem>>) target_semaphore(%run_scoped3A : memref<!tpu.dma_semaphore, #tpu.memory_space<semaphore_mem>>)
        %dma_wait3A_200 = tpu.memref_slice %arg4[%add3A_166] : memref<327680xi32, #tpu.memory_space<hbm>> -> memref<128xi32, #tpu.memory_space<hbm>>
        %dma_wait3A_201 = tpu.memref_slice %arg4[%add3A_166] : memref<327680xi32, #tpu.memory_space<hbm>> -> memref<128xi32, #tpu.memory_space<hbm>>
        tpu.wait_dma2 semaphore(%run_scoped3A : memref<!tpu.dma_semaphore, #tpu.memory_space<semaphore_mem>>) src(%dma_wait3A_201 : memref<128xi32, #tpu.memory_space<hbm>>) dst(%arg7 : memref<128xi32, #tpu.memory_space<vmem>>)
        tpu.yield
      }) : () -> ()
      %mul3A_167 = arith.constant 163840 : i32
      %mul3A_168 = arith.muli %arg0, %mul3A_167 : i32
      %add3A_169 = arith.addi %mul3A_168, %add3A_163 : i32
      %dma_start3A_170 = arith.constant 0 : i32
      %dma_start3A_171 = tpu.memref_slice %arg3[%add3A_169, %dma_start3A_170] : memref<327680x128xf32, #tpu.memory_space<hbm>> -> memref<128x128xf32, #tpu.memory_space<hbm>>
      %dma_start3A_172 = arith.constant 0 : i32
      %dma_start3A_173 = tpu.memref_slice %arg3[%add3A_169, %dma_start3A_172] : memref<327680x128xf32, #tpu.memory_space<hbm>> -> memref<128x128xf32, #tpu.memory_space<hbm>>
      tpu.enqueue_dma source(%dma_start3A_173 : memref<128x128xf32, #tpu.memory_space<hbm>>) target(%arg12 : memref<128x128xf32, #tpu.memory_space<vmem>>) target_semaphore(%arg20 : memref<!tpu.dma_semaphore, #tpu.memory_space<semaphore_mem>>)
      %dma_start3A_174 = arith.constant 0 : i32
      %dma_start3A_175 = arith.constant 0 : i32
      %dma_start3A_176 = tpu.memref_slice %arg2[%dma_start3A_174, %dma_start3A_175] : memref<20000x128xf32, #tpu.memory_space<hbm>> -> memref<20000x128xf32, #tpu.memory_space<hbm>>
      tpu.enqueue_indirect_dma source(%dma_start3A_176 : memref<20000x128xf32, #tpu.memory_space<hbm>>) target(%arg10 : memref<128x128xf32, #tpu.memory_space<vmem>>) offsets(%arg7 : memref<128xi32, #tpu.memory_space<vmem>>) semaphore(%arg18 : memref<!tpu.dma_semaphore, #tpu.memory_space<semaphore_mem>>)
      %mul3A_177 = arith.constant 128 : i32
      %mul3A_178 = arith.muli %add3A_156, %mul3A_177 : i32
      %add3A_179 = arith.addi %mul3A_2, %mul3A_178 : i32
      %mul3A_180 = arith.constant 163840 : i32
      %mul3A_181 = arith.muli %arg0, %mul3A_180 : i32
      %add3A_182 = arith.addi %mul3A_181, %add3A_179 : i32
      %dma_wait3A_183 = arith.constant 0 : i32
      %dma_wait3A_184 = tpu.memref_slice %arg3[%add3A_182, %dma_wait3A_183] : memref<327680x128xf32, #tpu.memory_space<hbm>> -> memref<128x128xf32, #tpu.memory_space<hbm>>
      %dma_wait3A_185 = arith.constant 0 : i32
      %dma_wait3A_186 = tpu.memref_slice %arg3[%add3A_182, %dma_wait3A_185] : memref<327680x128xf32, #tpu.memory_space<hbm>> -> memref<128x128xf32, #tpu.memory_space<hbm>>
      tpu.wait_dma2 semaphore(%arg21 : memref<!tpu.dma_semaphore, #tpu.memory_space<semaphore_mem>>) src(%dma_wait3A_186 : memref<128x128xf32, #tpu.memory_space<hbm>>) dst(%arg13 : memref<128x128xf32, #tpu.memory_space<vmem>>)
      %dma_wait3A_187 = arith.constant 0 : i32
      %dma_wait3A_188 = arith.constant 0 : i32
      %dma_wait3A_189 = tpu.memref_slice %arg2[%dma_wait3A_187, %dma_wait3A_188] : memref<20000x128xf32, #tpu.memory_space<hbm>> -> memref<20000x128xf32, #tpu.memory_space<hbm>>
      tpu.wait_indirect_dma semaphore(%arg19 : memref<!tpu.dma_semaphore, #tpu.memory_space<semaphore_mem>>) src(%dma_wait3A_189 : memref<20000x128xf32, #tpu.memory_space<hbm>>) dst(%arg11 : memref<128x128xf32, #tpu.memory_space<vmem>>)
      %mul3A_190 = arith.constant 128 : i32
      %mul3A_191 = arith.muli %add3A_156, %mul3A_190 : i32
      %add3A_192 = arith.addi %mul3A_2, %mul3A_191 : i32
      "tpu.region"() ({
        %run_scoped3A = tpu.sem_alloc : memref<!tpu.dma_semaphore, #tpu.memory_space<semaphore_mem>>
        %dma_start3A_198 = tpu.memref_slice %arg5[%add3A_192] : memref<163840xi32, #tpu.memory_space<hbm>> -> memref<128xi32, #tpu.memory_space<hbm>>
        %dma_start3A_199 = tpu.memref_slice %arg5[%add3A_192] : memref<163840xi32, #tpu.memory_space<hbm>> -> memref<128xi32, #tpu.memory_space<hbm>>
        tpu.enqueue_dma source(%dma_start3A_199 : memref<128xi32, #tpu.memory_space<hbm>>) target(%arg9 : memref<128xi32, #tpu.memory_space<vmem>>) target_semaphore(%run_scoped3A : memref<!tpu.dma_semaphore, #tpu.memory_space<semaphore_mem>>)
        %dma_wait3A_200 = tpu.memref_slice %arg5[%add3A_192] : memref<163840xi32, #tpu.memory_space<hbm>> -> memref<128xi32, #tpu.memory_space<hbm>>
        %dma_wait3A_201 = tpu.memref_slice %arg5[%add3A_192] : memref<163840xi32, #tpu.memory_space<hbm>> -> memref<128xi32, #tpu.memory_space<hbm>>
        tpu.wait_dma2 semaphore(%run_scoped3A : memref<!tpu.dma_semaphore, #tpu.memory_space<semaphore_mem>>) src(%dma_wait3A_201 : memref<128xi32, #tpu.memory_space<hbm>>) dst(%arg9 : memref<128xi32, #tpu.memory_space<vmem>>)
        tpu.yield
      }) : () -> ()
      %scan3A_193 = arith.constant 0 : i32
      %scan3A_194 = arith.constant 128 : i32
      %scan3A_195 = arith.addi %scan3A_193, %scan3A_194 : i32
      %scan3A_196 = arith.constant 4 : i32
      scf.for %scan3A_198 = %scan3A_193 to %scan3A_195 step %scan3A_196  : i32 {
        %mul3A_199 = arith.constant 1 : i32
        %mul3A_200 = arith.muli %scan3A_198, %mul3A_199 : i32
        %add3A_201 = arith.constant 0 : i32
        %add3A_202 = arith.addi %add3A_201, %mul3A_200 : i32
        %get3A = arith.index_cast %add3A_202 : i32 to index
        %get3A_203 = arith.constant 0 : index
        %get3A_204 = tpu.vector_load %arg11[%get3A, %get3A_203] {strides = array<i32>} : memref<128x128xf32, #tpu.memory_space<vmem>>, vector<1x16xf32>,
        %get3A_205 = vector.shape_cast %get3A_204 : vector<1x16xf32> to vector<16xf32>
        %get3A_206 = arith.index_cast %add3A_202 : i32 to index
        %get3A_207 = arith.constant 0 : index
        %get3A_208 = tpu.vector_load %arg13[%get3A_206, %get3A_207] {strides = array<i32>} : memref<128x128xf32, #tpu.memory_space<vmem>>, vector<1x16xf32>,
        %get3A_209 = vector.shape_cast %get3A_208 : vector<1x16xf32> to vector<16xf32>
        %mul3A_210 = arith.mulf %get3A_205, %get3A_209 : vector<16xf32>
        %swap3A = arith.index_cast %add3A_202 : i32 to index
        %swap3A_211 = arith.constant 0 : index
        %swap3A_212 = tpu.vector_load %arg14[%swap3A, %swap3A_211] {strides = array<i32>} : memref<128x64xf32, #tpu.memory_space<vmem>>, vector<1x16xf32>,
        %swap3A_213 = vector.shape_cast %swap3A_212 : vector<1x16xf32> to vector<16xf32>
        %swap3A_214 = vector.shape_cast %mul3A_210 : vector<16xf32> to vector<1x16xf32>
        tpu.vector_store %arg14[%swap3A, %swap3A_211], %swap3A_214 {strides = array<i32>} : memref<128x64xf32, #tpu.memory_space<vmem>>, vector<1x16xf32>,
        %get3A_215 = arith.index_cast %add3A_202 : i32 to index
        %get3A_216 = arith.constant 16 : index
        %get3A_217 = tpu.vector_load %arg11[%get3A_215, %get3A_216] {strides = array<i32>} : memref<128x128xf32, #tpu.memory_space<vmem>>, vector<1x16xf32>,
        %get3A_218 = vector.shape_cast %get3A_217 : vector<1x16xf32> to vector<16xf32>
        %get3A_219 = arith.index_cast %add3A_202 : i32 to index
        %get3A_220 = arith.constant 16 : index
        %get3A_221 = tpu.vector_load %arg13[%get3A_219, %get3A_220] {strides = array<i32>} : memref<128x128xf32, #tpu.memory_space<vmem>>, vector<1x16xf32>,
        %get3A_222 = vector.shape_cast %get3A_221 : vector<1x16xf32> to vector<16xf32>
        %mul3A_223 = arith.mulf %get3A_218, %get3A_222 : vector<16xf32>
        %swap3A_224 = arith.index_cast %add3A_202 : i32 to index
        %swap3A_225 = arith.constant 16 : index
        %swap3A_226 = tpu.vector_load %arg14[%swap3A_224, %swap3A_225] {strides = array<i32>} : memref<128x64xf32, #tpu.memory_space<vmem>>, vector<1x16xf32>,
        %swap3A_227 = vector.shape_cast %swap3A_226 : vector<1x16xf32> to vector<16xf32>
        %swap3A_228 = vector.shape_cast %mul3A_223 : vector<16xf32> to vector<1x16xf32>
        tpu.vector_store %arg14[%swap3A_224, %swap3A_225], %swap3A_228 {strides = array<i32>} : memref<128x64xf32, #tpu.memory_space<vmem>>, vector<1x16xf32>,
        %get3A_229 = arith.index_cast %add3A_202 : i32 to index
        %get3A_230 = arith.constant 32 : index
        %get3A_231 = tpu.vector_load %arg11[%get3A_229, %get3A_230] {strides = array<i32>} : memref<128x128xf32, #tpu.memory_space<vmem>>, vector<1x16xf32>,
        %get3A_232 = vector.shape_cast %get3A_231 : vector<1x16xf32> to vector<16xf32>
        %get3A_233 = arith.index_cast %add3A_202 : i32 to index
        %get3A_234 = arith.constant 32 : index
        %get3A_235 = tpu.vector_load %arg13[%get3A_233, %get3A_234] {strides = array<i32>} : memref<128x128xf32, #tpu.memory_space<vmem>>, vector<1x16xf32>,
        %get3A_236 = vector.shape_cast %get3A_235 : vector<1x16xf32> to vector<16xf32>
        %mul3A_237 = arith.mulf %get3A_232, %get3A_236 : vector<16xf32>
        %swap3A_238 = arith.index_cast %add3A_202 : i32 to index
        %swap3A_239 = arith.constant 32 : index
        %swap3A_240 = tpu.vector_load %arg14[%swap3A_238, %swap3A_239] {strides = array<i32>} : memref<128x64xf32, #tpu.memory_space<vmem>>, vector<1x16xf32>,
        %swap3A_241 = vector.shape_cast %swap3A_240 : vector<1x16xf32> to vector<16xf32>
        %swap3A_242 = vector.shape_cast %mul3A_237 : vector<16xf32> to vector<1x16xf32>
        tpu.vector_store %arg14[%swap3A_238, %swap3A_239], %swap3A_242 {strides = array<i32>} : memref<128x64xf32, #tpu.memory_space<vmem>>, vector<1x16xf32>,
        %get3A_243 = arith.index_cast %add3A_202 : i32 to index
        %get3A_244 = arith.constant 48 : index
        %get3A_245 = tpu.vector_load %arg11[%get3A_243, %get3A_244] {strides = array<i32>} : memref<128x128xf32, #tpu.memory_space<vmem>>, vector<1x16xf32>,
        %get3A_246 = vector.shape_cast %get3A_245 : vector<1x16xf32> to vector<16xf32>
        %get3A_247 = arith.index_cast %add3A_202 : i32 to index
        %get3A_248 = arith.constant 48 : index
        %get3A_249 = tpu.vector_load %arg13[%get3A_247, %get3A_248] {strides = array<i32>} : memref<128x128xf32, #tpu.memory_space<vmem>>, vector<1x16xf32>,
        %get3A_250 = vector.shape_cast %get3A_249 : vector<1x16xf32> to vector<16xf32>
        %mul3A_251 = arith.mulf %get3A_246, %get3A_250 : vector<16xf32>
        %swap3A_252 = arith.index_cast %add3A_202 : i32 to index
        %swap3A_253 = arith.constant 48 : index
        %swap3A_254 = tpu.vector_load %arg14[%swap3A_252, %swap3A_253] {strides = array<i32>} : memref<128x64xf32, #tpu.memory_space<vmem>>, vector<1x16xf32>,
        %swap3A_255 = vector.shape_cast %swap3A_254 : vector<1x16xf32> to vector<16xf32>
        %swap3A_256 = vector.shape_cast %mul3A_251 : vector<16xf32> to vector<1x16xf32>
        tpu.vector_store %arg14[%swap3A_252, %swap3A_253], %swap3A_256 {strides = array<i32>} : memref<128x64xf32, #tpu.memory_space<vmem>>, vector<1x16xf32>,
        %scan3A_257 = arith.constant 1 : i32
        %scan3A_258 = arith.addi %scan3A_198, %scan3A_257 : i32
        %mul3A_259 = arith.constant 1 : i32
        %mul3A_260 = arith.muli %scan3A_258, %mul3A_259 : i32
        %add3A_261 = arith.constant 0 : i32
        %add3A_262 = arith.addi %add3A_261, %mul3A_260 : i32
        %get3A_263 = arith.index_cast %add3A_262 : i32 to index
        %get3A_264 = arith.constant 0 : index
        %get3A_265 = tpu.vector_load %arg11[%get3A_263, %get3A_264] {strides = array<i32>} : memref<128x128xf32, #tpu.memory_space<vmem>>, vector<1x16xf32>,
        %get3A_266 = vector.shape_cast %get3A_265 : vector<1x16xf32> to vector<16xf32>
        %get3A_267 = arith.index_cast %add3A_262 : i32 to index
        %get3A_268 = arith.constant 0 : index
        %get3A_269 = tpu.vector_load %arg13[%get3A_267, %get3A_268] {strides = array<i32>} : memref<128x128xf32, #tpu.memory_space<vmem>>, vector<1x16xf32>,
        %get3A_270 = vector.shape_cast %get3A_269 : vector<1x16xf32> to vector<16xf32>
        %mul3A_271 = arith.mulf %get3A_266, %get3A_270 : vector<16xf32>
        %swap3A_272 = arith.index_cast %add3A_262 : i32 to index
        %swap3A_273 = arith.constant 0 : index
        %swap3A_274 = tpu.vector_load %arg14[%swap3A_272, %swap3A_273] {strides = array<i32>} : memref<128x64xf32, #tpu.memory_space<vmem>>, vector<1x16xf32>,
        %swap3A_275 = vector.shape_cast %swap3A_274 : vector<1x16xf32> to vector<16xf32>
        %swap3A_276 = vector.shape_cast %mul3A_271 : vector<16xf32> to vector<1x16xf32>
        tpu.vector_store %arg14[%swap3A_272, %swap3A_273], %swap3A_276 {strides = array<i32>} : memref<128x64xf32, #tpu.memory_space<vmem>>, vector<1x16xf32>,
        %get3A_277 = arith.index_cast %add3A_262 : i32 to index
        %get3A_278 = arith.constant 16 : index
        %get3A_279 = tpu.vector_load %arg11[%get3A_277, %get3A_278] {strides = array<i32>} : memref<128x128xf32, #tpu.memory_space<vmem>>, vector<1x16xf32>,
        %get3A_280 = vector.shape_cast %get3A_279 : vector<1x16xf32> to vector<16xf32>
        %get3A_281 = arith.index_cast %add3A_262 : i32 to index
        %get3A_282 = arith.constant 16 : index
        %get3A_283 = tpu.vector_load %arg13[%get3A_281, %get3A_282] {strides = array<i32>} : memref<128x128xf32, #tpu.memory_space<vmem>>, vector<1x16xf32>,
        %get3A_284 = vector.shape_cast %get3A_283 : vector<1x16xf32> to vector<16xf32>
        %mul3A_285 = arith.mulf %get3A_280, %get3A_284 : vector<16xf32>
        %swap3A_286 = arith.index_cast %add3A_262 : i32 to index
        %swap3A_287 = arith.constant 16 : index
        %swap3A_288 = tpu.vector_load %arg14[%swap3A_286, %swap3A_287] {strides = array<i32>} : memref<128x64xf32, #tpu.memory_space<vmem>>, vector<1x16xf32>,
        %swap3A_289 = vector.shape_cast %swap3A_288 : vector<1x16xf32> to vector<16xf32>
        %swap3A_290 = vector.shape_cast %mul3A_285 : vector<16xf32> to vector<1x16xf32>
        tpu.vector_store %arg14[%swap3A_286, %swap3A_287], %swap3A_290 {strides = array<i32>} : memref<128x64xf32, #tpu.memory_space<vmem>>, vector<1x16xf32>,
        %get3A_291 = arith.index_cast %add3A_262 : i32 to index
        %get3A_292 = arith.constant 32 : index
        %get3A_293 = tpu.vector_load %arg11[%get3A_291, %get3A_292] {strides = array<i32>} : memref<128x128xf32, #tpu.memory_space<vmem>>, vector<1x16xf32>,
        %get3A_294 = vector.shape_cast %get3A_293 : vector<1x16xf32> to vector<16xf32>
        %get3A_295 = arith.index_cast %add3A_262 : i32 to index
        %get3A_296 = arith.constant 32 : index
        %get3A_297 = tpu.vector_load %arg13[%get3A_295, %get3A_296] {strides = array<i32>} : memref<128x128xf32, #tpu.memory_space<vmem>>, vector<1x16xf32>,
        %get3A_298 = vector.shape_cast %get3A_297 : vector<1x16xf32> to vector<16xf32>
        %mul3A_299 = arith.mulf %get3A_294, %get3A_298 : vector<16xf32>
        %swap3A_300 = arith.index_cast %add3A_262 : i32 to index
        %swap3A_301 = arith.constant 32 : index
        %swap3A_302 = tpu.vector_load %arg14[%swap3A_300, %swap3A_301] {strides = array<i32>} : memref<128x64xf32, #tpu.memory_space<vmem>>, vector<1x16xf32>,
        %swap3A_303 = vector.shape_cast %swap3A_302 : vector<1x16xf32> to vector<16xf32>
        %swap3A_304 = vector.shape_cast %mul3A_299 : vector<16xf32> to vector<1x16xf32>
        tpu.vector_store %arg14[%swap3A_300, %swap3A_301], %swap3A_304 {strides = array<i32>} : memref<128x64xf32, #tpu.memory_space<vmem>>, vector<1x16xf32>,
        %get3A_305 = arith.index_cast %add3A_262 : i32 to index
        %get3A_306 = arith.constant 48 : index
        %get3A_307 = tpu.vector_load %arg11[%get3A_305, %get3A_306] {strides = array<i32>} : memref<128x128xf32, #tpu.memory_space<vmem>>, vector<1x16xf32>,
        %get3A_308 = vector.shape_cast %get3A_307 : vector<1x16xf32> to vector<16xf32>
        %get3A_309 = arith.index_cast %add3A_262 : i32 to index
        %get3A_310 = arith.constant 48 : index
        %get3A_311 = tpu.vector_load %arg13[%get3A_309, %get3A_310] {strides = array<i32>} : memref<128x128xf32, #tpu.memory_space<vmem>>, vector<1x16xf32>,
        %get3A_312 = vector.shape_cast %get3A_311 : vector<1x16xf32> to vector<16xf32>
        %mul3A_313 = arith.mulf %get3A_308, %get3A_312 : vector<16xf32>
        %swap3A_314 = arith.index_cast %add3A_262 : i32 to index
        %swap3A_315 = arith.constant 48 : index
        %swap3A_316 = tpu.vector_load %arg14[%swap3A_314, %swap3A_315] {strides = array<i32>} : memref<128x64xf32, #tpu.memory_space<vmem>>, vector<1x16xf32>,
        %swap3A_317 = vector.shape_cast %swap3A_316 : vector<1x16xf32> to vector<16xf32>
        %swap3A_318 = vector.shape_cast %mul3A_313 : vector<16xf32> to vector<1x16xf32>
        tpu.vector_store %arg14[%swap3A_314, %swap3A_315], %swap3A_318 {strides = array<i32>} : memref<128x64xf32, #tpu.memory_space<vmem>>, vector<1x16xf32>,
        %scan3A_319 = arith.constant 2 : i32
        %scan3A_320 = arith.addi %scan3A_198, %scan3A_319 : i32
        %mul3A_321 = arith.constant 1 : i32
        %mul3A_322 = arith.muli %scan3A_320, %mul3A_321 : i32
        %add3A_323 = arith.constant 0 : i32
        %add3A_324 = arith.addi %add3A_323, %mul3A_322 : i32
        %get3A_325 = arith.index_cast %add3A_324 : i32 to index
        %get3A_326 = arith.constant 0 : index
        %get3A_327 = tpu.vector_load %arg11[%get3A_325, %get3A_326] {strides = array<i32>} : memref<128x128xf32, #tpu.memory_space<vmem>>, vector<1x16xf32>,
        %get3A_328 = vector.shape_cast %get3A_327 : vector<1x16xf32> to vector<16xf32>
        %get3A_329 = arith.index_cast %add3A_324 : i32 to index
        %get3A_330 = arith.constant 0 : index
        %get3A_331 = tpu.vector_load %arg13[%get3A_329, %get3A_330] {strides = array<i32>} : memref<128x128xf32, #tpu.memory_space<vmem>>, vector<1x16xf32>,
        %get3A_332 = vector.shape_cast %get3A_331 : vector<1x16xf32> to vector<16xf32>
        %mul3A_333 = arith.mulf %get3A_328, %get3A_332 : vector<16xf32>
        %swap3A_334 = arith.index_cast %add3A_324 : i32 to index
        %swap3A_335 = arith.constant 0 : index
        %swap3A_336 = tpu.vector_load %arg14[%swap3A_334, %swap3A_335] {strides = array<i32>} : memref<128x64xf32, #tpu.memory_space<vmem>>, vector<1x16xf32>,
        %swap3A_337 = vector.shape_cast %swap3A_336 : vector<1x16xf32> to vector<16xf32>
        %swap3A_338 = vector.shape_cast %mul3A_333 : vector<16xf32> to vector<1x16xf32>
        tpu.vector_store %arg14[%swap3A_334, %swap3A_335], %swap3A_338 {strides = array<i32>} : memref<128x64xf32, #tpu.memory_space<vmem>>, vector<1x16xf32>,
        %get3A_339 = arith.index_cast %add3A_324 : i32 to index
        %get3A_340 = arith.constant 16 : index
        %get3A_341 = tpu.vector_load %arg11[%get3A_339, %get3A_340] {strides = array<i32>} : memref<128x128xf32, #tpu.memory_space<vmem>>, vector<1x16xf32>,
        %get3A_342 = vector.shape_cast %get3A_341 : vector<1x16xf32> to vector<16xf32>
        %get3A_343 = arith.index_cast %add3A_324 : i32 to index
        %get3A_344 = arith.constant 16 : index
        %get3A_345 = tpu.vector_load %arg13[%get3A_343, %get3A_344] {strides = array<i32>} : memref<128x128xf32, #tpu.memory_space<vmem>>, vector<1x16xf32>,
        %get3A_346 = vector.shape_cast %get3A_345 : vector<1x16xf32> to vector<16xf32>
        %mul3A_347 = arith.mulf %get3A_342, %get3A_346 : vector<16xf32>
        %swap3A_348 = arith.index_cast %add3A_324 : i32 to index
        %swap3A_349 = arith.constant 16 : index
        %swap3A_350 = tpu.vector_load %arg14[%swap3A_348, %swap3A_349] {strides = array<i32>} : memref<128x64xf32, #tpu.memory_space<vmem>>, vector<1x16xf32>,
        %swap3A_351 = vector.shape_cast %swap3A_350 : vector<1x16xf32> to vector<16xf32>
        %swap3A_352 = vector.shape_cast %mul3A_347 : vector<16xf32> to vector<1x16xf32>
        tpu.vector_store %arg14[%swap3A_348, %swap3A_349], %swap3A_352 {strides = array<i32>} : memref<128x64xf32, #tpu.memory_space<vmem>>, vector<1x16xf32>,
        %get3A_353 = arith.index_cast %add3A_324 : i32 to index
        %get3A_354 = arith.constant 32 : index
        %get3A_355 = tpu.vector_load %arg11[%get3A_353, %get3A_354] {strides = array<i32>} : memref<128x128xf32, #tpu.memory_space<vmem>>, vector<1x16xf32>,
        %get3A_356 = vector.shape_cast %get3A_355 : vector<1x16xf32> to vector<16xf32>
        %get3A_357 = arith.index_cast %add3A_324 : i32 to index
        %get3A_358 = arith.constant 32 : index
        %get3A_359 = tpu.vector_load %arg13[%get3A_357, %get3A_358] {strides = array<i32>} : memref<128x128xf32, #tpu.memory_space<vmem>>, vector<1x16xf32>,
        %get3A_360 = vector.shape_cast %get3A_359 : vector<1x16xf32> to vector<16xf32>
        %mul3A_361 = arith.mulf %get3A_356, %get3A_360 : vector<16xf32>
        %swap3A_362 = arith.index_cast %add3A_324 : i32 to index
        %swap3A_363 = arith.constant 32 : index
        %swap3A_364 = tpu.vector_load %arg14[%swap3A_362, %swap3A_363] {strides = array<i32>} : memref<128x64xf32, #tpu.memory_space<vmem>>, vector<1x16xf32>,
        %swap3A_365 = vector.shape_cast %swap3A_364 : vector<1x16xf32> to vector<16xf32>
        %swap3A_366 = vector.shape_cast %mul3A_361 : vector<16xf32> to vector<1x16xf32>
        tpu.vector_store %arg14[%swap3A_362, %swap3A_363], %swap3A_366 {strides = array<i32>} : memref<128x64xf32, #tpu.memory_space<vmem>>, vector<1x16xf32>,
        %get3A_367 = arith.index_cast %add3A_324 : i32 to index
        %get3A_368 = arith.constant 48 : index
        %get3A_369 = tpu.vector_load %arg11[%get3A_367, %get3A_368] {strides = array<i32>} : memref<128x128xf32, #tpu.memory_space<vmem>>, vector<1x16xf32>,
        %get3A_370 = vector.shape_cast %get3A_369 : vector<1x16xf32> to vector<16xf32>
        %get3A_371 = arith.index_cast %add3A_324 : i32 to index
        %get3A_372 = arith.constant 48 : index
        %get3A_373 = tpu.vector_load %arg13[%get3A_371, %get3A_372] {strides = array<i32>} : memref<128x128xf32, #tpu.memory_space<vmem>>, vector<1x16xf32>,
        %get3A_374 = vector.shape_cast %get3A_373 : vector<1x16xf32> to vector<16xf32>
        %mul3A_375 = arith.mulf %get3A_370, %get3A_374 : vector<16xf32>
        %swap3A_376 = arith.index_cast %add3A_324 : i32 to index
        %swap3A_377 = arith.constant 48 : index
        %swap3A_378 = tpu.vector_load %arg14[%swap3A_376, %swap3A_377] {strides = array<i32>} : memref<128x64xf32, #tpu.memory_space<vmem>>, vector<1x16xf32>,
        %swap3A_379 = vector.shape_cast %swap3A_378 : vector<1x16xf32> to vector<16xf32>
        %swap3A_380 = vector.shape_cast %mul3A_375 : vector<16xf32> to vector<1x16xf32>
        tpu.vector_store %arg14[%swap3A_376, %swap3A_377], %swap3A_380 {strides = array<i32>} : memref<128x64xf32, #tpu.memory_space<vmem>>, vector<1x16xf32>,
        %scan3A_381 = arith.constant 3 : i32
        %scan3A_382 = arith.addi %scan3A_198, %scan3A_381 : i32
        %mul3A_383 = arith.constant 1 : i32
        %mul3A_384 = arith.muli %scan3A_382, %mul3A_383 : i32
        %add3A_385 = arith.constant 0 : i32
        %add3A_386 = arith.addi %add3A_385, %mul3A_384 : i32
        %get3A_387 = arith.index_cast %add3A_386 : i32 to index
        %get3A_388 = arith.constant 0 : index
        %get3A_389 = tpu.vector_load %arg11[%get3A_387, %get3A_388] {strides = array<i32>} : memref<128x128xf32, #tpu.memory_space<vmem>>, vector<1x16xf32>,
        %get3A_390 = vector.shape_cast %get3A_389 : vector<1x16xf32> to vector<16xf32>
        %get3A_391 = arith.index_cast %add3A_386 : i32 to index
        %get3A_392 = arith.constant 0 : index
        %get3A_393 = tpu.vector_load %arg13[%get3A_391, %get3A_392] {strides = array<i32>} : memref<128x128xf32, #tpu.memory_space<vmem>>, vector<1x16xf32>,
        %get3A_394 = vector.shape_cast %get3A_393 : vector<1x16xf32> to vector<16xf32>
        %mul3A_395 = arith.mulf %get3A_390, %get3A_394 : vector<16xf32>
        %swap3A_396 = arith.index_cast %add3A_386 : i32 to index
        %swap3A_397 = arith.constant 0 : index
        %swap3A_398 = tpu.vector_load %arg14[%swap3A_396, %swap3A_397] {strides = array<i32>} : memref<128x64xf32, #tpu.memory_space<vmem>>, vector<1x16xf32>,
        %swap3A_399 = vector.shape_cast %swap3A_398 : vector<1x16xf32> to vector<16xf32>
        %swap3A_400 = vector.shape_cast %mul3A_395 : vector<16xf32> to vector<1x16xf32>
        tpu.vector_store %arg14[%swap3A_396, %swap3A_397], %swap3A_400 {strides = array<i32>} : memref<128x64xf32, #tpu.memory_space<vmem>>, vector<1x16xf32>,
        %get3A_401 = arith.index_cast %add3A_386 : i32 to index
        %get3A_402 = arith.constant 16 : index
        %get3A_403 = tpu.vector_load %arg11[%get3A_401, %get3A_402] {strides = array<i32>} : memref<128x128xf32, #tpu.memory_space<vmem>>, vector<1x16xf32>,
        %get3A_404 = vector.shape_cast %get3A_403 : vector<1x16xf32> to vector<16xf32>
        %get3A_405 = arith.index_cast %add3A_386 : i32 to index
        %get3A_406 = arith.constant 16 : index
        %get3A_407 = tpu.vector_load %arg13[%get3A_405, %get3A_406] {strides = array<i32>} : memref<128x128xf32, #tpu.memory_space<vmem>>, vector<1x16xf32>,
        %get3A_408 = vector.shape_cast %get3A_407 : vector<1x16xf32> to vector<16xf32>
        %mul3A_409 = arith.mulf %get3A_404, %get3A_408 : vector<16xf32>
        %swap3A_410 = arith.index_cast %add3A_386 : i32 to index
        %swap3A_411 = arith.constant 16 : index
        %swap3A_412 = tpu.vector_load %arg14[%swap3A_410, %swap3A_411] {strides = array<i32>} : memref<128x64xf32, #tpu.memory_space<vmem>>, vector<1x16xf32>,
        %swap3A_413 = vector.shape_cast %swap3A_412 : vector<1x16xf32> to vector<16xf32>
        %swap3A_414 = vector.shape_cast %mul3A_409 : vector<16xf32> to vector<1x16xf32>
        tpu.vector_store %arg14[%swap3A_410, %swap3A_411], %swap3A_414 {strides = array<i32>} : memref<128x64xf32, #tpu.memory_space<vmem>>, vector<1x16xf32>,
        %get3A_415 = arith.index_cast %add3A_386 : i32 to index
        %get3A_416 = arith.constant 32 : index
        %get3A_417 = tpu.vector_load %arg11[%get3A_415, %get3A_416] {strides = array<i32>} : memref<128x128xf32, #tpu.memory_space<vmem>>, vector<1x16xf32>,
        %get3A_418 = vector.shape_cast %get3A_417 : vector<1x16xf32> to vector<16xf32>
        %get3A_419 = arith.index_cast %add3A_386 : i32 to index
        %get3A_420 = arith.constant 32 : index
        %get3A_421 = tpu.vector_load %arg13[%get3A_419, %get3A_420] {strides = array<i32>} : memref<128x128xf32, #tpu.memory_space<vmem>>, vector<1x16xf32>,
        %get3A_422 = vector.shape_cast %get3A_421 : vector<1x16xf32> to vector<16xf32>
        %mul3A_423 = arith.mulf %get3A_418, %get3A_422 : vector<16xf32>
        %swap3A_424 = arith.index_cast %add3A_386 : i32 to index
        %swap3A_425 = arith.constant 32 : index
        %swap3A_426 = tpu.vector_load %arg14[%swap3A_424, %swap3A_425] {strides = array<i32>} : memref<128x64xf32, #tpu.memory_space<vmem>>, vector<1x16xf32>,
        %swap3A_427 = vector.shape_cast %swap3A_426 : vector<1x16xf32> to vector<16xf32>
        %swap3A_428 = vector.shape_cast %mul3A_423 : vector<16xf32> to vector<1x16xf32>
        tpu.vector_store %arg14[%swap3A_424, %swap3A_425], %swap3A_428 {strides = array<i32>} : memref<128x64xf32, #tpu.memory_space<vmem>>, vector<1x16xf32>,
        %get3A_429 = arith.index_cast %add3A_386 : i32 to index
        %get3A_430 = arith.constant 48 : index
        %get3A_431 = tpu.vector_load %arg11[%get3A_429, %get3A_430] {strides = array<i32>} : memref<128x128xf32, #tpu.memory_space<vmem>>, vector<1x16xf32>,
        %get3A_432 = vector.shape_cast %get3A_431 : vector<1x16xf32> to vector<16xf32>
        %get3A_433 = arith.index_cast %add3A_386 : i32 to index
        %get3A_434 = arith.constant 48 : index
        %get3A_435 = tpu.vector_load %arg13[%get3A_433, %get3A_434] {strides = array<i32>} : memref<128x128xf32, #tpu.memory_space<vmem>>, vector<1x16xf32>,
        %get3A_436 = vector.shape_cast %get3A_435 : vector<1x16xf32> to vector<16xf32>
        %mul3A_437 = arith.mulf %get3A_432, %get3A_436 : vector<16xf32>
        %swap3A_438 = arith.index_cast %add3A_386 : i32 to index
        %swap3A_439 = arith.constant 48 : index
        %swap3A_440 = tpu.vector_load %arg14[%swap3A_438, %swap3A_439] {strides = array<i32>} : memref<128x64xf32, #tpu.memory_space<vmem>>, vector<1x16xf32>,
        %swap3A_441 = vector.shape_cast %swap3A_440 : vector<1x16xf32> to vector<16xf32>
        %swap3A_442 = vector.shape_cast %mul3A_437 : vector<16xf32> to vector<1x16xf32>
        tpu.vector_store %arg14[%swap3A_438, %swap3A_439], %swap3A_442 {strides = array<i32>} : memref<128x64xf32, #tpu.memory_space<vmem>>, vector<1x16xf32>,
      }
      %scan3A_197 = arith.constant 128 : i32
      "tpu.region"() ({
        %run_scoped3A = tpu.sem_alloc : memref<!tpu.dma_semaphore, #tpu.memory_space<semaphore_mem>>
        %dma_start3A_198 = arith.constant 0 : i32
        %dma_start3A_199 = arith.constant 0 : i32
        %dma_start3A_200 = tpu.memref_slice %arg17[%dma_start3A_198, %dma_start3A_199] : memref<10240x64xf32, #tpu.memory_space<vmem_shared>> -> memref<10240x64xf32, #tpu.memory_space<vmem_shared>>
        tpu.enqueue_indirect_dma source(%arg14 : memref<128x64xf32, #tpu.memory_space<vmem>>) target(%dma_start3A_200 : memref<10240x64xf32, #tpu.memory_space<vmem_shared>>) offsets(%arg9 : memref<128xi32, #tpu.memory_space<vmem>>) semaphore(%run_scoped3A : memref<!tpu.dma_semaphore, #tpu.memory_space<semaphore_mem>>) {add = true}
        %dma_wait3A_201 = arith.constant 0 : i32
        %dma_wait3A_202 = arith.constant 0 : i32
        %dma_wait3A_203 = tpu.memref_slice %arg17[%dma_wait3A_201, %dma_wait3A_202] : memref<10240x64xf32, #tpu.memory_space<vmem_shared>> -> memref<10240x64xf32, #tpu.memory_space<vmem_shared>>
        tpu.wait_indirect_dma semaphore(%run_scoped3A : memref<!tpu.dma_semaphore, #tpu.memory_space<semaphore_mem>>) src(%arg14 : memref<128x64xf32, #tpu.memory_space<vmem>>) dst(%dma_wait3A_203 : memref<10240x64xf32, #tpu.memory_space<vmem_shared>>)
        tpu.yield
      }) : () -> ()
    }
    %scan3A_35 = arith.constant 40 : i32
    %add3A_36 = arith.constant 10112 : i32
    %add3A_37 = arith.addi %mul3A_2, %add3A_36 : i32
    %mul3A_38 = arith.constant 163840 : i32
    %mul3A_39 = arith.muli %arg0, %mul3A_38 : i32
    %add3A_40 = arith.addi %mul3A_39, %add3A_37 : i32
    %dma_wait3A = arith.constant 0 : i32
    %dma_wait3A_41 = tpu.memref_slice %arg3[%add3A_40, %dma_wait3A] : memref<327680x128xf32, #tpu.memory_space<hbm>> -> memref<128x128xf32, #tpu.memory_space<hbm>>
    %dma_wait3A_42 = arith.constant 0 : i32
    %dma_wait3A_43 = tpu.memref_slice %arg3[%add3A_40, %dma_wait3A_42] : memref<327680x128xf32, #tpu.memory_space<hbm>> -> memref<128x128xf32, #tpu.memory_space<hbm>>
    tpu.wait_dma2 semaphore(%arg20 : memref<!tpu.dma_semaphore, #tpu.memory_space<semaphore_mem>>) src(%dma_wait3A_43 : memref<128x128xf32, #tpu.memory_space<hbm>>) dst(%arg12 : memref<128x128xf32, #tpu.memory_space<vmem>>)
    %dma_wait3A_44 = arith.constant 0 : i32
    %dma_wait3A_45 = arith.constant 0 : i32
    %dma_wait3A_46 = tpu.memref_slice %arg2[%dma_wait3A_44, %dma_wait3A_45] : memref<20000x128xf32, #tpu.memory_space<hbm>> -> memref<20000x128xf32, #tpu.memory_space<hbm>>
    tpu.wait_indirect_dma semaphore(%arg18 : memref<!tpu.dma_semaphore, #tpu.memory_space<semaphore_mem>>) src(%dma_wait3A_46 : memref<20000x128xf32, #tpu.memory_space<hbm>>) dst(%arg10 : memref<128x128xf32, #tpu.memory_space<vmem>>)
    %barrier3A_47 = arith.constant 0 : index
    tpu.barrier barrier_id(%barrier3A_47)
    %scan3A_48 = arith.constant 0 : i32
    %scan3A_49 = arith.constant 0 : i32
    %scan3A_50 = arith.constant 10 : i32
    %scan3A_51 = arith.addi %scan3A_49, %scan3A_50 : i32
    %scan3A_52 = arith.constant 1 : i32
    scf.for %scan3A_104 = %scan3A_49 to %scan3A_51 step %scan3A_52  : i32 {
      %mul3A_105 = arith.constant 64 : i32
      %mul3A_106 = arith.muli %scan3A_104, %mul3A_105 : i32
      %add3A_107 = arith.addi %mul3A_0, %mul3A_106 : i32
      "tpu.region"() ({
        %run_scoped3A = tpu.sem_alloc : memref<!tpu.dma_semaphore, #tpu.memory_space<semaphore_mem>>
        %dma_start3A_108 = arith.constant 0 : i32
        %dma_start3A_109 = tpu.memref_slice %arg17[%add3A_107, %dma_start3A_108] : memref<10240x64xf32, #tpu.memory_space<vmem_shared>> -> memref<64x64xf32, #tpu.memory_space<vmem_shared>>
        %dma_start3A_110 = arith.constant 0 : i32
        %dma_start3A_111 = tpu.memref_slice %arg17[%add3A_107, %dma_start3A_110] : memref<10240x64xf32, #tpu.memory_space<vmem_shared>> -> memref<64x64xf32, #tpu.memory_space<vmem_shared>>
        tpu.enqueue_dma source(%dma_start3A_111 : memref<64x64xf32, #tpu.memory_space<vmem_shared>>) target(%arg16 : memref<64x64xf32, #tpu.memory_space<vmem>>) target_semaphore(%run_scoped3A : memref<!tpu.dma_semaphore, #tpu.memory_space<semaphore_mem>>)
        %dma_wait3A_112 = arith.constant 0 : i32
        %dma_wait3A_113 = tpu.memref_slice %arg17[%add3A_107, %dma_wait3A_112] : memref<10240x64xf32, #tpu.memory_space<vmem_shared>> -> memref<64x64xf32, #tpu.memory_space<vmem_shared>>
        %dma_wait3A_114 = arith.constant 0 : i32
        %dma_wait3A_115 = tpu.memref_slice %arg17[%add3A_107, %dma_wait3A_114] : memref<10240x64xf32, #tpu.memory_space<vmem_shared>> -> memref<64x64xf32, #tpu.memory_space<vmem_shared>>
        tpu.wait_dma2 semaphore(%run_scoped3A : memref<!tpu.dma_semaphore, #tpu.memory_space<semaphore_mem>>) src(%dma_wait3A_115 : memref<64x64xf32, #tpu.memory_space<vmem_shared>>) dst(%arg16 : memref<64x64xf32, #tpu.memory_space<vmem>>)
        tpu.yield
      }) : () -> ()
      "tpu.region"() ({
        %run_scoped3A = tpu.sem_alloc : memref<!tpu.dma_semaphore, #tpu.memory_space<semaphore_mem>>
        %dma_start3A_108 = arith.constant 0 : i32
        %dma_start3A_109 = tpu.memref_slice %arg6[%arg0, %add3A_107, %dma_start3A_108] : memref<2x10240x128xf32, #tpu.memory_space<hbm>> -> memref<1x64x64xf32, #tpu.memory_space<hbm>>
        %dma_start3A_110 = tpu.memref_squeeze %dma_start3A_109 : memref<1x64x64xf32, #tpu.memory_space<hbm>> -> memref<64x64xf32, #tpu.memory_space<hbm>>
        %dma_start3A_111 = arith.constant 0 : i32
        %dma_start3A_112 = tpu.memref_slice %arg6[%arg0, %add3A_107, %dma_start3A_111] : memref<2x10240x128xf32, #tpu.memory_space<hbm>> -> memref<1x64x64xf32, #tpu.memory_space<hbm>>
        %dma_start3A_113 = tpu.memref_squeeze %dma_start3A_112 : memref<1x64x64xf32, #tpu.memory_space<hbm>> -> memref<64x64xf32, #tpu.memory_space<hbm>>
        tpu.enqueue_dma source(%arg16 : memref<64x64xf32, #tpu.memory_space<vmem>>) target(%dma_start3A_113 : memref<64x64xf32, #tpu.memory_space<hbm>>) target_semaphore(%run_scoped3A : memref<!tpu.dma_semaphore, #tpu.memory_space<semaphore_mem>>)
        %dma_wait3A_114 = arith.constant 0 : i32
        %dma_wait3A_115 = tpu.memref_slice %arg6[%arg0, %add3A_107, %dma_wait3A_114] : memref<2x10240x128xf32, #tpu.memory_space<hbm>> -> memref<1x64x64xf32, #tpu.memory_space<hbm>>
        %dma_wait3A_116 = tpu.memref_squeeze %dma_wait3A_115 : memref<1x64x64xf32, #tpu.memory_space<hbm>> -> memref<64x64xf32, #tpu.memory_space<hbm>>
        %dma_wait3A_117 = arith.constant 0 : i32
        %dma_wait3A_118 = tpu.memref_slice %arg6[%arg0, %add3A_107, %dma_wait3A_117] : memref<2x10240x128xf32, #tpu.memory_space<hbm>> -> memref<1x64x64xf32, #tpu.memory_space<hbm>>
        %dma_wait3A_119 = tpu.memref_squeeze %dma_wait3A_118 : memref<1x64x64xf32, #tpu.memory_space<hbm>> -> memref<64x64xf32, #tpu.memory_space<hbm>>
        tpu.wait_dma2 semaphore(%run_scoped3A : memref<!tpu.dma_semaphore, #tpu.memory_space<semaphore_mem>>) src(%arg16 : memref<64x64xf32, #tpu.memory_space<vmem>>) dst(%dma_wait3A_119 : memref<64x64xf32, #tpu.memory_space<hbm>>)
        tpu.yield
      }) : () -> ()
    }
    %scan3A_53 = arith.constant 10 : i32
    %mul3A_54 = arith.constant 2 : i32
    %mul3A_55 = arith.muli %arg0, %mul3A_54 : i32
    %add3A_56 = arith.constant 1 : i32
    %add3A_57 = arith.addi %mul3A_55, %add3A_56 : i32
    %scan3A_58 = arith.constant 0 : i32
    %scan3A_59 = arith.constant 0 : i32
    %scan3A_60 = arith.constant 10 : i32
    %scan3A_61 = arith.addi %scan3A_59, %scan3A_60 : i32
    %scan3A_62 = arith.constant 1 : i32
    scf.for %scan3A_104 = %scan3A_59 to %scan3A_61 step %scan3A_62  : i32 {
      %mul3A_105 = arith.constant 64 : i32
      %mul3A_106 = arith.muli %scan3A_104, %mul3A_105 : i32
      %add3A_107 = arith.addi %mul3A_0, %mul3A_106 : i32
      "tpu.region"() ({
        %run_scoped3A = tpu.sem_alloc : memref<!tpu.dma_semaphore, #tpu.memory_space<semaphore_mem>>
        %dma_start3A_108 = arith.constant 0 : i32
        %dma_start3A_109 = tpu.memref_slice %arg17[%add3A_107, %dma_start3A_108] : memref<10240x64xf32, #tpu.memory_space<vmem_shared>> -> memref<64x64xf32, #tpu.memory_space<vmem_shared>>
        %dma_start3A_110 = arith.constant 0 : i32
        %dma_start3A_111 = tpu.memref_slice %arg17[%add3A_107, %dma_start3A_110] : memref<10240x64xf32, #tpu.memory_space<vmem_shared>> -> memref<64x64xf32, #tpu.memory_space<vmem_shared>>
        tpu.enqueue_dma source(%arg15 : memref<64x64xf32, #tpu.memory_space<vmem>>) target(%dma_start3A_111 : memref<64x64xf32, #tpu.memory_space<vmem_shared>>) target_semaphore(%run_scoped3A : memref<!tpu.dma_semaphore, #tpu.memory_space<semaphore_mem>>)
        %dma_wait3A_112 = arith.constant 0 : i32
        %dma_wait3A_113 = tpu.memref_slice %arg17[%add3A_107, %dma_wait3A_112] : memref<10240x64xf32, #tpu.memory_space<vmem_shared>> -> memref<64x64xf32, #tpu.memory_space<vmem_shared>>
        %dma_wait3A_114 = arith.constant 0 : i32
        %dma_wait3A_115 = tpu.memref_slice %arg17[%add3A_107, %dma_wait3A_114] : memref<10240x64xf32, #tpu.memory_space<vmem_shared>> -> memref<64x64xf32, #tpu.memory_space<vmem_shared>>
        tpu.wait_dma2 semaphore(%run_scoped3A : memref<!tpu.dma_semaphore, #tpu.memory_space<semaphore_mem>>) src(%arg15 : memref<64x64xf32, #tpu.memory_space<vmem>>) dst(%dma_wait3A_115 : memref<64x64xf32, #tpu.memory_space<vmem_shared>>)
        tpu.yield
      }) : () -> ()
    }
    %scan3A_63 = arith.constant 10 : i32
    %barrier3A_64 = arith.constant 0 : index
    tpu.barrier barrier_id(%barrier3A_64)
    %add3A_65 = arith.constant 0 : i32
    %add3A_66 = arith.addi %mul3A_2, %add3A_65 : i32
    %mul3A_67 = arith.constant 163840 : i32
    %mul3A_68 = arith.muli %arg0, %mul3A_67 : i32
    %add3A_69 = arith.addi %mul3A_68, %add3A_66 : i32
    "tpu.region"() ({
      %run_scoped3A = tpu.sem_alloc : memref<!tpu.dma_semaphore, #tpu.memory_space<semaphore_mem>>
      %dma_start3A_104 = tpu.memref_slice %arg4[%add3A_69] : memref<327680xi32, #tpu.memory_space<hbm>> -> memref<128xi32, #tpu.memory_space<hbm>>
      %dma_start3A_105 = tpu.memref_slice %arg4[%add3A_69] : memref<327680xi32, #tpu.memory_space<hbm>> -> memref<128xi32, #tpu.memory_space<hbm>>
      tpu.enqueue_dma source(%dma_start3A_105 : memref<128xi32, #tpu.memory_space<hbm>>) target(%arg7 : memref<128xi32, #tpu.memory_space<vmem>>) target_semaphore(%run_scoped3A : memref<!tpu.dma_semaphore, #tpu.memory_space<semaphore_mem>>)
      %dma_wait3A_106 = tpu.memref_slice %arg4[%add3A_69] : memref<327680xi32, #tpu.memory_space<hbm>> -> memref<128xi32, #tpu.memory_space<hbm>>
      %dma_wait3A_107 = tpu.memref_slice %arg4[%add3A_69] : memref<327680xi32, #tpu.memory_space<hbm>> -> memref<128xi32, #tpu.memory_space<hbm>>
      tpu.wait_dma2 semaphore(%run_scoped3A : memref<!tpu.dma_semaphore, #tpu.memory_space<semaphore_mem>>) src(%dma_wait3A_107 : memref<128xi32, #tpu.memory_space<hbm>>) dst(%arg7 : memref<128xi32, #tpu.memory_space<vmem>>)
      tpu.yield
    }) : () -> ()
    %mul3A_70 = arith.constant 163840 : i32
    %mul3A_71 = arith.muli %arg0, %mul3A_70 : i32
    %add3A_72 = arith.addi %mul3A_71, %add3A_66 : i32
    %dma_start3A_73 = arith.constant 0 : i32
    %dma_start3A_74 = tpu.memref_slice %arg3[%add3A_72, %dma_start3A_73] : memref<327680x128xf32, #tpu.memory_space<hbm>> -> memref<128x128xf32, #tpu.memory_space<hbm>>
    %dma_start3A_75 = arith.constant 0 : i32
    %dma_start3A_76 = tpu.memref_slice %arg3[%add3A_72, %dma_start3A_75] : memref<327680x128xf32, #tpu.memory_space<hbm>> -> memref<128x128xf32, #tpu.memory_space<hbm>>
    tpu.enqueue_dma source(%dma_start3A_76 : memref<128x128xf32, #tpu.memory_space<hbm>>) target(%arg12 : memref<128x128xf32, #tpu.memory_space<vmem>>) target_semaphore(%arg20 : memref<!tpu.dma_semaphore, #tpu.memory_space<semaphore_mem>>)
    %dma_start3A_77 = arith.constant 0 : i32
    %dma_start3A_78 = arith.constant 0 : i32
    %dma_start3A_79 = tpu.memref_slice %arg2[%dma_start3A_77, %dma_start3A_78] : memref<20000x128xf32, #tpu.memory_space<hbm>> -> memref<20000x128xf32, #tpu.memory_space<hbm>>
    tpu.enqueue_indirect_dma source(%dma_start3A_79 : memref<20000x128xf32, #tpu.memory_space<hbm>>) target(%arg10 : memref<128x128xf32, #tpu.memory_space<vmem>>) offsets(%arg7 : memref<128xi32, #tpu.memory_space<vmem>>) semaphore(%arg18 : memref<!tpu.dma_semaphore, #tpu.memory_space<semaphore_mem>>)
    %scan3A_80 = arith.constant 0 : i32
    %scan3A_81 = arith.constant 40 : i32
    %scan3A_82 = arith.addi %scan3A_80, %scan3A_81 : i32
    %scan3A_83 = arith.constant 1 : i32
    scf.for %scan3A_104 = %scan3A_80 to %scan3A_82 step %scan3A_83  : i32 {
      %mul3A_105 = arith.constant 1 : i32
      %mul3A_106 = arith.muli %scan3A_104, %mul3A_105 : i32
      %add3A_107 = arith.constant 0 : i32
      %add3A_108 = arith.addi %add3A_107, %mul3A_106 : i32
      %mul3A_109 = arith.constant 2 : i32
      %mul3A_110 = arith.muli %add3A_108, %mul3A_109 : i32
      %add3A_111 = arith.constant 0 : i32
      %add3A_112 = arith.addi %mul3A_110, %add3A_111 : i32
      %add3A_113 = arith.constant 1 : i32
      %add3A_114 = arith.addi %add3A_112, %add3A_113 : i32
      %min3A = arith.constant 79 : i32
      %min3A_115 = arith.minsi %add3A_114, %min3A : i32
      %mul3A_116 = arith.constant 128 : i32
      %mul3A_117 = arith.muli %min3A_115, %mul3A_116 : i32
      %add3A_118 = arith.addi %mul3A_2, %mul3A_117 : i32
      %mul3A_119 = arith.constant 163840 : i32
      %mul3A_120 = arith.muli %arg0, %mul3A_119 : i32
      %add3A_121 = arith.addi %mul3A_120, %add3A_118 : i32
      "tpu.region"() ({
        %run_scoped3A = tpu.sem_alloc : memref<!tpu.dma_semaphore, #tpu.memory_space<semaphore_mem>>
        %dma_start3A_198 = tpu.memref_slice %arg4[%add3A_121] : memref<327680xi32, #tpu.memory_space<hbm>> -> memref<128xi32, #tpu.memory_space<hbm>>
        %dma_start3A_199 = tpu.memref_slice %arg4[%add3A_121] : memref<327680xi32, #tpu.memory_space<hbm>> -> memref<128xi32, #tpu.memory_space<hbm>>
        tpu.enqueue_dma source(%dma_start3A_199 : memref<128xi32, #tpu.memory_space<hbm>>) target(%arg8 : memref<128xi32, #tpu.memory_space<vmem>>) target_semaphore(%run_scoped3A : memref<!tpu.dma_semaphore, #tpu.memory_space<semaphore_mem>>)
        %dma_wait3A_200 = tpu.memref_slice %arg4[%add3A_121] : memref<327680xi32, #tpu.memory_space<hbm>> -> memref<128xi32, #tpu.memory_space<hbm>>
        %dma_wait3A_201 = tpu.memref_slice %arg4[%add3A_121] : memref<327680xi32, #tpu.memory_space<hbm>> -> memref<128xi32, #tpu.memory_space<hbm>>
        tpu.wait_dma2 semaphore(%run_scoped3A : memref<!tpu.dma_semaphore, #tpu.memory_space<semaphore_mem>>) src(%dma_wait3A_201 : memref<128xi32, #tpu.memory_space<hbm>>) dst(%arg8 : memref<128xi32, #tpu.memory_space<vmem>>)
        tpu.yield
      }) : () -> ()
      %mul3A_122 = arith.constant 163840 : i32
      %mul3A_123 = arith.muli %arg0, %mul3A_122 : i32
      %add3A_124 = arith.addi %mul3A_123, %add3A_118 : i32
      %dma_start3A_125 = arith.constant 0 : i32
      %dma_start3A_126 = tpu.memref_slice %arg3[%add3A_124, %dma_start3A_125] : memref<327680x128xf32, #tpu.memory_space<hbm>> -> memref<128x128xf32, #tpu.memory_space<hbm>>
      %dma_start3A_127 = arith.constant 0 : i32
      %dma_start3A_128 = tpu.memref_slice %arg3[%add3A_124, %dma_start3A_127] : memref<327680x128xf32, #tpu.memory_space<hbm>> -> memref<128x128xf32, #tpu.memory_space<hbm>>
      tpu.enqueue_dma source(%dma_start3A_128 : memref<128x128xf32, #tpu.memory_space<hbm>>) target(%arg13 : memref<128x128xf32, #tpu.memory_space<vmem>>) target_semaphore(%arg21 : memref<!tpu.dma_semaphore, #tpu.memory_space<semaphore_mem>>)
      %dma_start3A_129 = arith.constant 0 : i32
      %dma_start3A_130 = arith.constant 0 : i32
      %dma_start3A_131 = tpu.memref_slice %arg2[%dma_start3A_129, %dma_start3A_130] : memref<20000x128xf32, #tpu.memory_space<hbm>> -> memref<20000x128xf32, #tpu.memory_space<hbm>>
      tpu.enqueue_indirect_dma source(%dma_start3A_131 : memref<20000x128xf32, #tpu.memory_space<hbm>>) target(%arg11 : memref<128x128xf32, #tpu.memory_space<vmem>>) offsets(%arg8 : memref<128xi32, #tpu.memory_space<vmem>>) semaphore(%arg19 : memref<!tpu.dma_semaphore, #tpu.memory_space<semaphore_mem>>)
      %mul3A_132 = arith.constant 128 : i32
      %mul3A_133 = arith.muli %add3A_112, %mul3A_132 : i32
      %add3A_134 = arith.addi %mul3A_2, %mul3A_133 : i32
      %mul3A_135 = arith.constant 163840 : i32
      %mul3A_136 = arith.muli %arg0, %mul3A_135 : i32
      %add3A_137 = arith.addi %mul3A_136, %add3A_134 : i32
      %dma_wait3A_138 = arith.constant 0 : i32
      %dma_wait3A_139 = tpu.memref_slice %arg3[%add3A_137, %dma_wait3A_138] : memref<327680x128xf32, #tpu.memory_space<hbm>> -> memref<128x128xf32, #tpu.memory_space<hbm>>
      %dma_wait3A_140 = arith.constant 0 : i32
      %dma_wait3A_141 = tpu.memref_slice %arg3[%add3A_137, %dma_wait3A_140] : memref<327680x128xf32, #tpu.memory_space<hbm>> -> memref<128x128xf32, #tpu.memory_space<hbm>>
      tpu.wait_dma2 semaphore(%arg20 : memref<!tpu.dma_semaphore, #tpu.memory_space<semaphore_mem>>) src(%dma_wait3A_141 : memref<128x128xf32, #tpu.memory_space<hbm>>) dst(%arg12 : memref<128x128xf32, #tpu.memory_space<vmem>>)
      %dma_wait3A_142 = arith.constant 0 : i32
      %dma_wait3A_143 = arith.constant 0 : i32
      %dma_wait3A_144 = tpu.memref_slice %arg2[%dma_wait3A_142, %dma_wait3A_143] : memref<20000x128xf32, #tpu.memory_space<hbm>> -> memref<20000x128xf32, #tpu.memory_space<hbm>>
      tpu.wait_indirect_dma semaphore(%arg18 : memref<!tpu.dma_semaphore, #tpu.memory_space<semaphore_mem>>) src(%dma_wait3A_144 : memref<20000x128xf32, #tpu.memory_space<hbm>>) dst(%arg10 : memref<128x128xf32, #tpu.memory_space<vmem>>)
      %mul3A_145 = arith.constant 128 : i32
      %mul3A_146 = arith.muli %add3A_112, %mul3A_145 : i32
      %add3A_147 = arith.addi %mul3A_2, %mul3A_146 : i32
      "tpu.region"() ({
        %run_scoped3A = tpu.sem_alloc : memref<!tpu.dma_semaphore, #tpu.memory_space<semaphore_mem>>
        %dma_start3A_198 = tpu.memref_slice %arg5[%add3A_147] : memref<163840xi32, #tpu.memory_space<hbm>> -> memref<128xi32, #tpu.memory_space<hbm>>
        %dma_start3A_199 = tpu.memref_slice %arg5[%add3A_147] : memref<163840xi32, #tpu.memory_space<hbm>> -> memref<128xi32, #tpu.memory_space<hbm>>
        tpu.enqueue_dma source(%dma_start3A_199 : memref<128xi32, #tpu.memory_space<hbm>>) target(%arg9 : memref<128xi32, #tpu.memory_space<vmem>>) target_semaphore(%run_scoped3A : memref<!tpu.dma_semaphore, #tpu.memory_space<semaphore_mem>>)
        %dma_wait3A_200 = tpu.memref_slice %arg5[%add3A_147] : memref<163840xi32, #tpu.memory_space<hbm>> -> memref<128xi32, #tpu.memory_space<hbm>>
        %dma_wait3A_201 = tpu.memref_slice %arg5[%add3A_147] : memref<163840xi32, #tpu.memory_space<hbm>> -> memref<128xi32, #tpu.memory_space<hbm>>
        tpu.wait_dma2 semaphore(%run_scoped3A : memref<!tpu.dma_semaphore, #tpu.memory_space<semaphore_mem>>) src(%dma_wait3A_201 : memref<128xi32, #tpu.memory_space<hbm>>) dst(%arg9 : memref<128xi32, #tpu.memory_space<vmem>>)
        tpu.yield
      }) : () -> ()
      %scan3A_148 = arith.constant 0 : i32
      %scan3A_149 = arith.constant 128 : i32
      %scan3A_150 = arith.addi %scan3A_148, %scan3A_149 : i32
      %scan3A_151 = arith.constant 4 : i32
      scf.for %scan3A_198 = %scan3A_148 to %scan3A_150 step %scan3A_151  : i32 {
        %mul3A_199 = arith.constant 1 : i32
        %mul3A_200 = arith.muli %scan3A_198, %mul3A_199 : i32
        %add3A_201 = arith.constant 0 : i32
        %add3A_202 = arith.addi %add3A_201, %mul3A_200 : i32
        %get3A = arith.index_cast %add3A_202 : i32 to index
        %get3A_203 = arith.constant 64 : index
        %get3A_204 = tpu.vector_load %arg10[%get3A, %get3A_203] {strides = array<i32>} : memref<128x128xf32, #tpu.memory_space<vmem>>, vector<1x16xf32>,
        %get3A_205 = vector.shape_cast %get3A_204 : vector<1x16xf32> to vector<16xf32>
        %get3A_206 = arith.index_cast %add3A_202 : i32 to index
        %get3A_207 = arith.constant 64 : index
        %get3A_208 = tpu.vector_load %arg12[%get3A_206, %get3A_207] {strides = array<i32>} : memref<128x128xf32, #tpu.memory_space<vmem>>, vector<1x16xf32>,
        %get3A_209 = vector.shape_cast %get3A_208 : vector<1x16xf32> to vector<16xf32>
        %mul3A_210 = arith.mulf %get3A_205, %get3A_209 : vector<16xf32>
        %swap3A = arith.index_cast %add3A_202 : i32 to index
        %swap3A_211 = arith.constant 0 : index
        %swap3A_212 = tpu.vector_load %arg14[%swap3A, %swap3A_211] {strides = array<i32>} : memref<128x64xf32, #tpu.memory_space<vmem>>, vector<1x16xf32>,
        %swap3A_213 = vector.shape_cast %swap3A_212 : vector<1x16xf32> to vector<16xf32>
        %swap3A_214 = vector.shape_cast %mul3A_210 : vector<16xf32> to vector<1x16xf32>
        tpu.vector_store %arg14[%swap3A, %swap3A_211], %swap3A_214 {strides = array<i32>} : memref<128x64xf32, #tpu.memory_space<vmem>>, vector<1x16xf32>,
        %get3A_215 = arith.index_cast %add3A_202 : i32 to index
        %get3A_216 = arith.constant 80 : index
        %get3A_217 = tpu.vector_load %arg10[%get3A_215, %get3A_216] {strides = array<i32>} : memref<128x128xf32, #tpu.memory_space<vmem>>, vector<1x16xf32>,
        %get3A_218 = vector.shape_cast %get3A_217 : vector<1x16xf32> to vector<16xf32>
        %get3A_219 = arith.index_cast %add3A_202 : i32 to index
        %get3A_220 = arith.constant 80 : index
        %get3A_221 = tpu.vector_load %arg12[%get3A_219, %get3A_220] {strides = array<i32>} : memref<128x128xf32, #tpu.memory_space<vmem>>, vector<1x16xf32>,
        %get3A_222 = vector.shape_cast %get3A_221 : vector<1x16xf32> to vector<16xf32>
        %mul3A_223 = arith.mulf %get3A_218, %get3A_222 : vector<16xf32>
        %swap3A_224 = arith.index_cast %add3A_202 : i32 to index
        %swap3A_225 = arith.constant 16 : index
        %swap3A_226 = tpu.vector_load %arg14[%swap3A_224, %swap3A_225] {strides = array<i32>} : memref<128x64xf32, #tpu.memory_space<vmem>>, vector<1x16xf32>,
        %swap3A_227 = vector.shape_cast %swap3A_226 : vector<1x16xf32> to vector<16xf32>
        %swap3A_228 = vector.shape_cast %mul3A_223 : vector<16xf32> to vector<1x16xf32>
        tpu.vector_store %arg14[%swap3A_224, %swap3A_225], %swap3A_228 {strides = array<i32>} : memref<128x64xf32, #tpu.memory_space<vmem>>, vector<1x16xf32>,
        %get3A_229 = arith.index_cast %add3A_202 : i32 to index
        %get3A_230 = arith.constant 96 : index
        %get3A_231 = tpu.vector_load %arg10[%get3A_229, %get3A_230] {strides = array<i32>} : memref<128x128xf32, #tpu.memory_space<vmem>>, vector<1x16xf32>,
        %get3A_232 = vector.shape_cast %get3A_231 : vector<1x16xf32> to vector<16xf32>
        %get3A_233 = arith.index_cast %add3A_202 : i32 to index
        %get3A_234 = arith.constant 96 : index
        %get3A_235 = tpu.vector_load %arg12[%get3A_233, %get3A_234] {strides = array<i32>} : memref<128x128xf32, #tpu.memory_space<vmem>>, vector<1x16xf32>,
        %get3A_236 = vector.shape_cast %get3A_235 : vector<1x16xf32> to vector<16xf32>
        %mul3A_237 = arith.mulf %get3A_232, %get3A_236 : vector<16xf32>
        %swap3A_238 = arith.index_cast %add3A_202 : i32 to index
        %swap3A_239 = arith.constant 32 : index
        %swap3A_240 = tpu.vector_load %arg14[%swap3A_238, %swap3A_239] {strides = array<i32>} : memref<128x64xf32, #tpu.memory_space<vmem>>, vector<1x16xf32>,
        %swap3A_241 = vector.shape_cast %swap3A_240 : vector<1x16xf32> to vector<16xf32>
        %swap3A_242 = vector.shape_cast %mul3A_237 : vector<16xf32> to vector<1x16xf32>
        tpu.vector_store %arg14[%swap3A_238, %swap3A_239], %swap3A_242 {strides = array<i32>} : memref<128x64xf32, #tpu.memory_space<vmem>>, vector<1x16xf32>,
        %get3A_243 = arith.index_cast %add3A_202 : i32 to index
        %get3A_244 = arith.constant 112 : index
        %get3A_245 = tpu.vector_load %arg10[%get3A_243, %get3A_244] {strides = array<i32>} : memref<128x128xf32, #tpu.memory_space<vmem>>, vector<1x16xf32>,
        %get3A_246 = vector.shape_cast %get3A_245 : vector<1x16xf32> to vector<16xf32>
        %get3A_247 = arith.index_cast %add3A_202 : i32 to index
        %get3A_248 = arith.constant 112 : index
        %get3A_249 = tpu.vector_load %arg12[%get3A_247, %get3A_248] {strides = array<i32>} : memref<128x128xf32, #tpu.memory_space<vmem>>, vector<1x16xf32>,
        %get3A_250 = vector.shape_cast %get3A_249 : vector<1x16xf32> to vector<16xf32>
        %mul3A_251 = arith.mulf %get3A_246, %get3A_250 : vector<16xf32>
        %swap3A_252 = arith.index_cast %add3A_202 : i32 to index
        %swap3A_253 = arith.constant 48 : index
        %swap3A_254 = tpu.vector_load %arg14[%swap3A_252, %swap3A_253] {strides = array<i32>} : memref<128x64xf32, #tpu.memory_space<vmem>>, vector<1x16xf32>,
        %swap3A_255 = vector.shape_cast %swap3A_254 : vector<1x16xf32> to vector<16xf32>
        %swap3A_256 = vector.shape_cast %mul3A_251 : vector<16xf32> to vector<1x16xf32>
        tpu.vector_store %arg14[%swap3A_252, %swap3A_253], %swap3A_256 {strides = array<i32>} : memref<128x64xf32, #tpu.memory_space<vmem>>, vector<1x16xf32>,
        %scan3A_257 = arith.constant 1 : i32
        %scan3A_258 = arith.addi %scan3A_198, %scan3A_257 : i32
        %mul3A_259 = arith.constant 1 : i32
        %mul3A_260 = arith.muli %scan3A_258, %mul3A_259 : i32
        %add3A_261 = arith.constant 0 : i32
        %add3A_262 = arith.addi %add3A_261, %mul3A_260 : i32
        %get3A_263 = arith.index_cast %add3A_262 : i32 to index
        %get3A_264 = arith.constant 64 : index
        %get3A_265 = tpu.vector_load %arg10[%get3A_263, %get3A_264] {strides = array<i32>} : memref<128x128xf32, #tpu.memory_space<vmem>>, vector<1x16xf32>,
        %get3A_266 = vector.shape_cast %get3A_265 : vector<1x16xf32> to vector<16xf32>
        %get3A_267 = arith.index_cast %add3A_262 : i32 to index
        %get3A_268 = arith.constant 64 : index
        %get3A_269 = tpu.vector_load %arg12[%get3A_267, %get3A_268] {strides = array<i32>} : memref<128x128xf32, #tpu.memory_space<vmem>>, vector<1x16xf32>,
        %get3A_270 = vector.shape_cast %get3A_269 : vector<1x16xf32> to vector<16xf32>
        %mul3A_271 = arith.mulf %get3A_266, %get3A_270 : vector<16xf32>
        %swap3A_272 = arith.index_cast %add3A_262 : i32 to index
        %swap3A_273 = arith.constant 0 : index
        %swap3A_274 = tpu.vector_load %arg14[%swap3A_272, %swap3A_273] {strides = array<i32>} : memref<128x64xf32, #tpu.memory_space<vmem>>, vector<1x16xf32>,
        %swap3A_275 = vector.shape_cast %swap3A_274 : vector<1x16xf32> to vector<16xf32>
        %swap3A_276 = vector.shape_cast %mul3A_271 : vector<16xf32> to vector<1x16xf32>
        tpu.vector_store %arg14[%swap3A_272, %swap3A_273], %swap3A_276 {strides = array<i32>} : memref<128x64xf32, #tpu.memory_space<vmem>>, vector<1x16xf32>,
        %get3A_277 = arith.index_cast %add3A_262 : i32 to index
        %get3A_278 = arith.constant 80 : index
        %get3A_279 = tpu.vector_load %arg10[%get3A_277, %get3A_278] {strides = array<i32>} : memref<128x128xf32, #tpu.memory_space<vmem>>, vector<1x16xf32>,
        %get3A_280 = vector.shape_cast %get3A_279 : vector<1x16xf32> to vector<16xf32>
        %get3A_281 = arith.index_cast %add3A_262 : i32 to index
        %get3A_282 = arith.constant 80 : index
        %get3A_283 = tpu.vector_load %arg12[%get3A_281, %get3A_282] {strides = array<i32>} : memref<128x128xf32, #tpu.memory_space<vmem>>, vector<1x16xf32>,
        %get3A_284 = vector.shape_cast %get3A_283 : vector<1x16xf32> to vector<16xf32>
        %mul3A_285 = arith.mulf %get3A_280, %get3A_284 : vector<16xf32>
        %swap3A_286 = arith.index_cast %add3A_262 : i32 to index
        %swap3A_287 = arith.constant 16 : index
        %swap3A_288 = tpu.vector_load %arg14[%swap3A_286, %swap3A_287] {strides = array<i32>} : memref<128x64xf32, #tpu.memory_space<vmem>>, vector<1x16xf32>,
        %swap3A_289 = vector.shape_cast %swap3A_288 : vector<1x16xf32> to vector<16xf32>
        %swap3A_290 = vector.shape_cast %mul3A_285 : vector<16xf32> to vector<1x16xf32>
        tpu.vector_store %arg14[%swap3A_286, %swap3A_287], %swap3A_290 {strides = array<i32>} : memref<128x64xf32, #tpu.memory_space<vmem>>, vector<1x16xf32>,
        %get3A_291 = arith.index_cast %add3A_262 : i32 to index
        %get3A_292 = arith.constant 96 : index
        %get3A_293 = tpu.vector_load %arg10[%get3A_291, %get3A_292] {strides = array<i32>} : memref<128x128xf32, #tpu.memory_space<vmem>>, vector<1x16xf32>,
        %get3A_294 = vector.shape_cast %get3A_293 : vector<1x16xf32> to vector<16xf32>
        %get3A_295 = arith.index_cast %add3A_262 : i32 to index
        %get3A_296 = arith.constant 96 : index
        %get3A_297 = tpu.vector_load %arg12[%get3A_295, %get3A_296] {strides = array<i32>} : memref<128x128xf32, #tpu.memory_space<vmem>>, vector<1x16xf32>,
        %get3A_298 = vector.shape_cast %get3A_297 : vector<1x16xf32> to vector<16xf32>
        %mul3A_299 = arith.mulf %get3A_294, %get3A_298 : vector<16xf32>
        %swap3A_300 = arith.index_cast %add3A_262 : i32 to index
        %swap3A_301 = arith.constant 32 : index
        %swap3A_302 = tpu.vector_load %arg14[%swap3A_300, %swap3A_301] {strides = array<i32>} : memref<128x64xf32, #tpu.memory_space<vmem>>, vector<1x16xf32>,
        %swap3A_303 = vector.shape_cast %swap3A_302 : vector<1x16xf32> to vector<16xf32>
        %swap3A_304 = vector.shape_cast %mul3A_299 : vector<16xf32> to vector<1x16xf32>
        tpu.vector_store %arg14[%swap3A_300, %swap3A_301], %swap3A_304 {strides = array<i32>} : memref<128x64xf32, #tpu.memory_space<vmem>>, vector<1x16xf32>,
        %get3A_305 = arith.index_cast %add3A_262 : i32 to index
        %get3A_306 = arith.constant 112 : index
        %get3A_307 = tpu.vector_load %arg10[%get3A_305, %get3A_306] {strides = array<i32>} : memref<128x128xf32, #tpu.memory_space<vmem>>, vector<1x16xf32>,
        %get3A_308 = vector.shape_cast %get3A_307 : vector<1x16xf32> to vector<16xf32>
        %get3A_309 = arith.index_cast %add3A_262 : i32 to index
        %get3A_310 = arith.constant 112 : index
        %get3A_311 = tpu.vector_load %arg12[%get3A_309, %get3A_310] {strides = array<i32>} : memref<128x128xf32, #tpu.memory_space<vmem>>, vector<1x16xf32>,
        %get3A_312 = vector.shape_cast %get3A_311 : vector<1x16xf32> to vector<16xf32>
        %mul3A_313 = arith.mulf %get3A_308, %get3A_312 : vector<16xf32>
        %swap3A_314 = arith.index_cast %add3A_262 : i32 to index
        %swap3A_315 = arith.constant 48 : index
        %swap3A_316 = tpu.vector_load %arg14[%swap3A_314, %swap3A_315] {strides = array<i32>} : memref<128x64xf32, #tpu.memory_space<vmem>>, vector<1x16xf32>,
        %swap3A_317 = vector.shape_cast %swap3A_316 : vector<1x16xf32> to vector<16xf32>
        %swap3A_318 = vector.shape_cast %mul3A_313 : vector<16xf32> to vector<1x16xf32>
        tpu.vector_store %arg14[%swap3A_314, %swap3A_315], %swap3A_318 {strides = array<i32>} : memref<128x64xf32, #tpu.memory_space<vmem>>, vector<1x16xf32>,
        %scan3A_319 = arith.constant 2 : i32
        %scan3A_320 = arith.addi %scan3A_198, %scan3A_319 : i32
        %mul3A_321 = arith.constant 1 : i32
        %mul3A_322 = arith.muli %scan3A_320, %mul3A_321 : i32
        %add3A_323 = arith.constant 0 : i32
        %add3A_324 = arith.addi %add3A_323, %mul3A_322 : i32
        %get3A_325 = arith.index_cast %add3A_324 : i32 to index
        %get3A_326 = arith.constant 64 : index
        %get3A_327 = tpu.vector_load %arg10[%get3A_325, %get3A_326] {strides = array<i32>} : memref<128x128xf32, #tpu.memory_space<vmem>>, vector<1x16xf32>,
        %get3A_328 = vector.shape_cast %get3A_327 : vector<1x16xf32> to vector<16xf32>
        %get3A_329 = arith.index_cast %add3A_324 : i32 to index
        %get3A_330 = arith.constant 64 : index
        %get3A_331 = tpu.vector_load %arg12[%get3A_329, %get3A_330] {strides = array<i32>} : memref<128x128xf32, #tpu.memory_space<vmem>>, vector<1x16xf32>,
        %get3A_332 = vector.shape_cast %get3A_331 : vector<1x16xf32> to vector<16xf32>
        %mul3A_333 = arith.mulf %get3A_328, %get3A_332 : vector<16xf32>
        %swap3A_334 = arith.index_cast %add3A_324 : i32 to index
        %swap3A_335 = arith.constant 0 : index
        %swap3A_336 = tpu.vector_load %arg14[%swap3A_334, %swap3A_335] {strides = array<i32>} : memref<128x64xf32, #tpu.memory_space<vmem>>, vector<1x16xf32>,
        %swap3A_337 = vector.shape_cast %swap3A_336 : vector<1x16xf32> to vector<16xf32>
        %swap3A_338 = vector.shape_cast %mul3A_333 : vector<16xf32> to vector<1x16xf32>
        tpu.vector_store %arg14[%swap3A_334, %swap3A_335], %swap3A_338 {strides = array<i32>} : memref<128x64xf32, #tpu.memory_space<vmem>>, vector<1x16xf32>,
        %get3A_339 = arith.index_cast %add3A_324 : i32 to index
        %get3A_340 = arith.constant 80 : index
        %get3A_341 = tpu.vector_load %arg10[%get3A_339, %get3A_340] {strides = array<i32>} : memref<128x128xf32, #tpu.memory_space<vmem>>, vector<1x16xf32>,
        %get3A_342 = vector.shape_cast %get3A_341 : vector<1x16xf32> to vector<16xf32>
        %get3A_343 = arith.index_cast %add3A_324 : i32 to index
        %get3A_344 = arith.constant 80 : index
        %get3A_345 = tpu.vector_load %arg12[%get3A_343, %get3A_344] {strides = array<i32>} : memref<128x128xf32, #tpu.memory_space<vmem>>, vector<1x16xf32>,
        %get3A_346 = vector.shape_cast %get3A_345 : vector<1x16xf32> to vector<16xf32>
        %mul3A_347 = arith.mulf %get3A_342, %get3A_346 : vector<16xf32>
        %swap3A_348 = arith.index_cast %add3A_324 : i32 to index
        %swap3A_349 = arith.constant 16 : index
        %swap3A_350 = tpu.vector_load %arg14[%swap3A_348, %swap3A_349] {strides = array<i32>} : memref<128x64xf32, #tpu.memory_space<vmem>>, vector<1x16xf32>,
        %swap3A_351 = vector.shape_cast %swap3A_350 : vector<1x16xf32> to vector<16xf32>
        %swap3A_352 = vector.shape_cast %mul3A_347 : vector<16xf32> to vector<1x16xf32>
        tpu.vector_store %arg14[%swap3A_348, %swap3A_349], %swap3A_352 {strides = array<i32>} : memref<128x64xf32, #tpu.memory_space<vmem>>, vector<1x16xf32>,
        %get3A_353 = arith.index_cast %add3A_324 : i32 to index
        %get3A_354 = arith.constant 96 : index
        %get3A_355 = tpu.vector_load %arg10[%get3A_353, %get3A_354] {strides = array<i32>} : memref<128x128xf32, #tpu.memory_space<vmem>>, vector<1x16xf32>,
        %get3A_356 = vector.shape_cast %get3A_355 : vector<1x16xf32> to vector<16xf32>
        %get3A_357 = arith.index_cast %add3A_324 : i32 to index
        %get3A_358 = arith.constant 96 : index
        %get3A_359 = tpu.vector_load %arg12[%get3A_357, %get3A_358] {strides = array<i32>} : memref<128x128xf32, #tpu.memory_space<vmem>>, vector<1x16xf32>,
        %get3A_360 = vector.shape_cast %get3A_359 : vector<1x16xf32> to vector<16xf32>
        %mul3A_361 = arith.mulf %get3A_356, %get3A_360 : vector<16xf32>
        %swap3A_362 = arith.index_cast %add3A_324 : i32 to index
        %swap3A_363 = arith.constant 32 : index
        %swap3A_364 = tpu.vector_load %arg14[%swap3A_362, %swap3A_363] {strides = array<i32>} : memref<128x64xf32, #tpu.memory_space<vmem>>, vector<1x16xf32>,
        %swap3A_365 = vector.shape_cast %swap3A_364 : vector<1x16xf32> to vector<16xf32>
        %swap3A_366 = vector.shape_cast %mul3A_361 : vector<16xf32> to vector<1x16xf32>
        tpu.vector_store %arg14[%swap3A_362, %swap3A_363], %swap3A_366 {strides = array<i32>} : memref<128x64xf32, #tpu.memory_space<vmem>>, vector<1x16xf32>,
        %get3A_367 = arith.index_cast %add3A_324 : i32 to index
        %get3A_368 = arith.constant 112 : index
        %get3A_369 = tpu.vector_load %arg10[%get3A_367, %get3A_368] {strides = array<i32>} : memref<128x128xf32, #tpu.memory_space<vmem>>, vector<1x16xf32>,
        %get3A_370 = vector.shape_cast %get3A_369 : vector<1x16xf32> to vector<16xf32>
        %get3A_371 = arith.index_cast %add3A_324 : i32 to index
        %get3A_372 = arith.constant 112 : index
        %get3A_373 = tpu.vector_load %arg12[%get3A_371, %get3A_372] {strides = array<i32>} : memref<128x128xf32, #tpu.memory_space<vmem>>, vector<1x16xf32>,
        %get3A_374 = vector.shape_cast %get3A_373 : vector<1x16xf32> to vector<16xf32>
        %mul3A_375 = arith.mulf %get3A_370, %get3A_374 : vector<16xf32>
        %swap3A_376 = arith.index_cast %add3A_324 : i32 to index
        %swap3A_377 = arith.constant 48 : index
        %swap3A_378 = tpu.vector_load %arg14[%swap3A_376, %swap3A_377] {strides = array<i32>} : memref<128x64xf32, #tpu.memory_space<vmem>>, vector<1x16xf32>,
        %swap3A_379 = vector.shape_cast %swap3A_378 : vector<1x16xf32> to vector<16xf32>
        %swap3A_380 = vector.shape_cast %mul3A_375 : vector<16xf32> to vector<1x16xf32>
        tpu.vector_store %arg14[%swap3A_376, %swap3A_377], %swap3A_380 {strides = array<i32>} : memref<128x64xf32, #tpu.memory_space<vmem>>, vector<1x16xf32>,
        %scan3A_381 = arith.constant 3 : i32
        %scan3A_382 = arith.addi %scan3A_198, %scan3A_381 : i32
        %mul3A_383 = arith.constant 1 : i32
        %mul3A_384 = arith.muli %scan3A_382, %mul3A_383 : i32
        %add3A_385 = arith.constant 0 : i32
        %add3A_386 = arith.addi %add3A_385, %mul3A_384 : i32
        %get3A_387 = arith.index_cast %add3A_386 : i32 to index
        %get3A_388 = arith.constant 64 : index
        %get3A_389 = tpu.vector_load %arg10[%get3A_387, %get3A_388] {strides = array<i32>} : memref<128x128xf32, #tpu.memory_space<vmem>>, vector<1x16xf32>,
        %get3A_390 = vector.shape_cast %get3A_389 : vector<1x16xf32> to vector<16xf32>
        %get3A_391 = arith.index_cast %add3A_386 : i32 to index
        %get3A_392 = arith.constant 64 : index
        %get3A_393 = tpu.vector_load %arg12[%get3A_391, %get3A_392] {strides = array<i32>} : memref<128x128xf32, #tpu.memory_space<vmem>>, vector<1x16xf32>,
        %get3A_394 = vector.shape_cast %get3A_393 : vector<1x16xf32> to vector<16xf32>
        %mul3A_395 = arith.mulf %get3A_390, %get3A_394 : vector<16xf32>
        %swap3A_396 = arith.index_cast %add3A_386 : i32 to index
        %swap3A_397 = arith.constant 0 : index
        %swap3A_398 = tpu.vector_load %arg14[%swap3A_396, %swap3A_397] {strides = array<i32>} : memref<128x64xf32, #tpu.memory_space<vmem>>, vector<1x16xf32>,
        %swap3A_399 = vector.shape_cast %swap3A_398 : vector<1x16xf32> to vector<16xf32>
        %swap3A_400 = vector.shape_cast %mul3A_395 : vector<16xf32> to vector<1x16xf32>
        tpu.vector_store %arg14[%swap3A_396, %swap3A_397], %swap3A_400 {strides = array<i32>} : memref<128x64xf32, #tpu.memory_space<vmem>>, vector<1x16xf32>,
        %get3A_401 = arith.index_cast %add3A_386 : i32 to index
        %get3A_402 = arith.constant 80 : index
        %get3A_403 = tpu.vector_load %arg10[%get3A_401, %get3A_402] {strides = array<i32>} : memref<128x128xf32, #tpu.memory_space<vmem>>, vector<1x16xf32>,
        %get3A_404 = vector.shape_cast %get3A_403 : vector<1x16xf32> to vector<16xf32>
        %get3A_405 = arith.index_cast %add3A_386 : i32 to index
        %get3A_406 = arith.constant 80 : index
        %get3A_407 = tpu.vector_load %arg12[%get3A_405, %get3A_406] {strides = array<i32>} : memref<128x128xf32, #tpu.memory_space<vmem>>, vector<1x16xf32>,
        %get3A_408 = vector.shape_cast %get3A_407 : vector<1x16xf32> to vector<16xf32>
        %mul3A_409 = arith.mulf %get3A_404, %get3A_408 : vector<16xf32>
        %swap3A_410 = arith.index_cast %add3A_386 : i32 to index
        %swap3A_411 = arith.constant 16 : index
        %swap3A_412 = tpu.vector_load %arg14[%swap3A_410, %swap3A_411] {strides = array<i32>} : memref<128x64xf32, #tpu.memory_space<vmem>>, vector<1x16xf32>,
        %swap3A_413 = vector.shape_cast %swap3A_412 : vector<1x16xf32> to vector<16xf32>
        %swap3A_414 = vector.shape_cast %mul3A_409 : vector<16xf32> to vector<1x16xf32>
        tpu.vector_store %arg14[%swap3A_410, %swap3A_411], %swap3A_414 {strides = array<i32>} : memref<128x64xf32, #tpu.memory_space<vmem>>, vector<1x16xf32>,
        %get3A_415 = arith.index_cast %add3A_386 : i32 to index
        %get3A_416 = arith.constant 96 : index
        %get3A_417 = tpu.vector_load %arg10[%get3A_415, %get3A_416] {strides = array<i32>} : memref<128x128xf32, #tpu.memory_space<vmem>>, vector<1x16xf32>,
        %get3A_418 = vector.shape_cast %get3A_417 : vector<1x16xf32> to vector<16xf32>
        %get3A_419 = arith.index_cast %add3A_386 : i32 to index
        %get3A_420 = arith.constant 96 : index
        %get3A_421 = tpu.vector_load %arg12[%get3A_419, %get3A_420] {strides = array<i32>} : memref<128x128xf32, #tpu.memory_space<vmem>>, vector<1x16xf32>,
        %get3A_422 = vector.shape_cast %get3A_421 : vector<1x16xf32> to vector<16xf32>
        %mul3A_423 = arith.mulf %get3A_418, %get3A_422 : vector<16xf32>
        %swap3A_424 = arith.index_cast %add3A_386 : i32 to index
        %swap3A_425 = arith.constant 32 : index
        %swap3A_426 = tpu.vector_load %arg14[%swap3A_424, %swap3A_425] {strides = array<i32>} : memref<128x64xf32, #tpu.memory_space<vmem>>, vector<1x16xf32>,
        %swap3A_427 = vector.shape_cast %swap3A_426 : vector<1x16xf32> to vector<16xf32>
        %swap3A_428 = vector.shape_cast %mul3A_423 : vector<16xf32> to vector<1x16xf32>
        tpu.vector_store %arg14[%swap3A_424, %swap3A_425], %swap3A_428 {strides = array<i32>} : memref<128x64xf32, #tpu.memory_space<vmem>>, vector<1x16xf32>,
        %get3A_429 = arith.index_cast %add3A_386 : i32 to index
        %get3A_430 = arith.constant 112 : index
        %get3A_431 = tpu.vector_load %arg10[%get3A_429, %get3A_430] {strides = array<i32>} : memref<128x128xf32, #tpu.memory_space<vmem>>, vector<1x16xf32>,
        %get3A_432 = vector.shape_cast %get3A_431 : vector<1x16xf32> to vector<16xf32>
        %get3A_433 = arith.index_cast %add3A_386 : i32 to index
        %get3A_434 = arith.constant 112 : index
        %get3A_435 = tpu.vector_load %arg12[%get3A_433, %get3A_434] {strides = array<i32>} : memref<128x128xf32, #tpu.memory_space<vmem>>, vector<1x16xf32>,
        %get3A_436 = vector.shape_cast %get3A_435 : vector<1x16xf32> to vector<16xf32>
        %mul3A_437 = arith.mulf %get3A_432, %get3A_436 : vector<16xf32>
        %swap3A_438 = arith.index_cast %add3A_386 : i32 to index
        %swap3A_439 = arith.constant 48 : index
        %swap3A_440 = tpu.vector_load %arg14[%swap3A_438, %swap3A_439] {strides = array<i32>} : memref<128x64xf32, #tpu.memory_space<vmem>>, vector<1x16xf32>,
        %swap3A_441 = vector.shape_cast %swap3A_440 : vector<1x16xf32> to vector<16xf32>
        %swap3A_442 = vector.shape_cast %mul3A_437 : vector<16xf32> to vector<1x16xf32>
        tpu.vector_store %arg14[%swap3A_438, %swap3A_439], %swap3A_442 {strides = array<i32>} : memref<128x64xf32, #tpu.memory_space<vmem>>, vector<1x16xf32>,
      }
      %scan3A_152 = arith.constant 128 : i32
      "tpu.region"() ({
        %run_scoped3A = tpu.sem_alloc : memref<!tpu.dma_semaphore, #tpu.memory_space<semaphore_mem>>
        %dma_start3A_198 = arith.constant 0 : i32
        %dma_start3A_199 = arith.constant 0 : i32
        %dma_start3A_200 = tpu.memref_slice %arg17[%dma_start3A_198, %dma_start3A_199] : memref<10240x64xf32, #tpu.memory_space<vmem_shared>> -> memref<10240x64xf32, #tpu.memory_space<vmem_shared>>
        tpu.enqueue_indirect_dma source(%arg14 : memref<128x64xf32, #tpu.memory_space<vmem>>) target(%dma_start3A_200 : memref<10240x64xf32, #tpu.memory_space<vmem_shared>>) offsets(%arg9 : memref<128xi32, #tpu.memory_space<vmem>>) semaphore(%run_scoped3A : memref<!tpu.dma_semaphore, #tpu.memory_space<semaphore_mem>>) {add = true}
        %dma_wait3A_201 = arith.constant 0 : i32
        %dma_wait3A_202 = arith.constant 0 : i32
        %dma_wait3A_203 = tpu.memref_slice %arg17[%dma_wait3A_201, %dma_wait3A_202] : memref<10240x64xf32, #tpu.memory_space<vmem_shared>> -> memref<10240x64xf32, #tpu.memory_space<vmem_shared>>
        tpu.wait_indirect_dma semaphore(%run_scoped3A : memref<!tpu.dma_semaphore, #tpu.memory_space<semaphore_mem>>) src(%arg14 : memref<128x64xf32, #tpu.memory_space<vmem>>) dst(%dma_wait3A_203 : memref<10240x64xf32, #tpu.memory_space<vmem_shared>>)
        tpu.yield
      }) : () -> ()
      %mul3A_153 = arith.constant 2 : i32
      %mul3A_154 = arith.muli %add3A_108, %mul3A_153 : i32
      %add3A_155 = arith.constant 1 : i32
      %add3A_156 = arith.addi %mul3A_154, %add3A_155 : i32
      %add3A_157 = arith.constant 1 : i32
      %add3A_158 = arith.addi %add3A_156, %add3A_157 : i32
      %min3A_159 = arith.constant 79 : i32
      %min3A_160 = arith.minsi %add3A_158, %min3A_159 : i32
      %mul3A_161 = arith.constant 128 : i32
      %mul3A_162 = arith.muli %min3A_160, %mul3A_161 : i32
      %add3A_163 = arith.addi %mul3A_2, %mul3A_162 : i32
      %mul3A_164 = arith.constant 163840 : i32
      %mul3A_165 = arith.muli %arg0, %mul3A_164 : i32
      %add3A_166 = arith.addi %mul3A_165, %add3A_163 : i32
      "tpu.region"() ({
        %run_scoped3A = tpu.sem_alloc : memref<!tpu.dma_semaphore, #tpu.memory_space<semaphore_mem>>
        %dma_start3A_198 = tpu.memref_slice %arg4[%add3A_166] : memref<327680xi32, #tpu.memory_space<hbm>> -> memref<128xi32, #tpu.memory_space<hbm>>
        %dma_start3A_199 = tpu.memref_slice %arg4[%add3A_166] : memref<327680xi32, #tpu.memory_space<hbm>> -> memref<128xi32, #tpu.memory_space<hbm>>
        tpu.enqueue_dma source(%dma_start3A_199 : memref<128xi32, #tpu.memory_space<hbm>>) target(%arg7 : memref<128xi32, #tpu.memory_space<vmem>>) target_semaphore(%run_scoped3A : memref<!tpu.dma_semaphore, #tpu.memory_space<semaphore_mem>>)
        %dma_wait3A_200 = tpu.memref_slice %arg4[%add3A_166] : memref<327680xi32, #tpu.memory_space<hbm>> -> memref<128xi32, #tpu.memory_space<hbm>>
        %dma_wait3A_201 = tpu.memref_slice %arg4[%add3A_166] : memref<327680xi32, #tpu.memory_space<hbm>> -> memref<128xi32, #tpu.memory_space<hbm>>
        tpu.wait_dma2 semaphore(%run_scoped3A : memref<!tpu.dma_semaphore, #tpu.memory_space<semaphore_mem>>) src(%dma_wait3A_201 : memref<128xi32, #tpu.memory_space<hbm>>) dst(%arg7 : memref<128xi32, #tpu.memory_space<vmem>>)
        tpu.yield
      }) : () -> ()
      %mul3A_167 = arith.constant 163840 : i32
      %mul3A_168 = arith.muli %arg0, %mul3A_167 : i32
      %add3A_169 = arith.addi %mul3A_168, %add3A_163 : i32
      %dma_start3A_170 = arith.constant 0 : i32
      %dma_start3A_171 = tpu.memref_slice %arg3[%add3A_169, %dma_start3A_170] : memref<327680x128xf32, #tpu.memory_space<hbm>> -> memref<128x128xf32, #tpu.memory_space<hbm>>
      %dma_start3A_172 = arith.constant 0 : i32
      %dma_start3A_173 = tpu.memref_slice %arg3[%add3A_169, %dma_start3A_172] : memref<327680x128xf32, #tpu.memory_space<hbm>> -> memref<128x128xf32, #tpu.memory_space<hbm>>
      tpu.enqueue_dma source(%dma_start3A_173 : memref<128x128xf32, #tpu.memory_space<hbm>>) target(%arg12 : memref<128x128xf32, #tpu.memory_space<vmem>>) target_semaphore(%arg20 : memref<!tpu.dma_semaphore, #tpu.memory_space<semaphore_mem>>)
      %dma_start3A_174 = arith.constant 0 : i32
      %dma_start3A_175 = arith.constant 0 : i32
      %dma_start3A_176 = tpu.memref_slice %arg2[%dma_start3A_174, %dma_start3A_175] : memref<20000x128xf32, #tpu.memory_space<hbm>> -> memref<20000x128xf32, #tpu.memory_space<hbm>>
      tpu.enqueue_indirect_dma source(%dma_start3A_176 : memref<20000x128xf32, #tpu.memory_space<hbm>>) target(%arg10 : memref<128x128xf32, #tpu.memory_space<vmem>>) offsets(%arg7 : memref<128xi32, #tpu.memory_space<vmem>>) semaphore(%arg18 : memref<!tpu.dma_semaphore, #tpu.memory_space<semaphore_mem>>)
      %mul3A_177 = arith.constant 128 : i32
      %mul3A_178 = arith.muli %add3A_156, %mul3A_177 : i32
      %add3A_179 = arith.addi %mul3A_2, %mul3A_178 : i32
      %mul3A_180 = arith.constant 163840 : i32
      %mul3A_181 = arith.muli %arg0, %mul3A_180 : i32
      %add3A_182 = arith.addi %mul3A_181, %add3A_179 : i32
      %dma_wait3A_183 = arith.constant 0 : i32
      %dma_wait3A_184 = tpu.memref_slice %arg3[%add3A_182, %dma_wait3A_183] : memref<327680x128xf32, #tpu.memory_space<hbm>> -> memref<128x128xf32, #tpu.memory_space<hbm>>
      %dma_wait3A_185 = arith.constant 0 : i32
      %dma_wait3A_186 = tpu.memref_slice %arg3[%add3A_182, %dma_wait3A_185] : memref<327680x128xf32, #tpu.memory_space<hbm>> -> memref<128x128xf32, #tpu.memory_space<hbm>>
      tpu.wait_dma2 semaphore(%arg21 : memref<!tpu.dma_semaphore, #tpu.memory_space<semaphore_mem>>) src(%dma_wait3A_186 : memref<128x128xf32, #tpu.memory_space<hbm>>) dst(%arg13 : memref<128x128xf32, #tpu.memory_space<vmem>>)
      %dma_wait3A_187 = arith.constant 0 : i32
      %dma_wait3A_188 = arith.constant 0 : i32
      %dma_wait3A_189 = tpu.memref_slice %arg2[%dma_wait3A_187, %dma_wait3A_188] : memref<20000x128xf32, #tpu.memory_space<hbm>> -> memref<20000x128xf32, #tpu.memory_space<hbm>>
      tpu.wait_indirect_dma semaphore(%arg19 : memref<!tpu.dma_semaphore, #tpu.memory_space<semaphore_mem>>) src(%dma_wait3A_189 : memref<20000x128xf32, #tpu.memory_space<hbm>>) dst(%arg11 : memref<128x128xf32, #tpu.memory_space<vmem>>)
      %mul3A_190 = arith.constant 128 : i32
      %mul3A_191 = arith.muli %add3A_156, %mul3A_190 : i32
      %add3A_192 = arith.addi %mul3A_2, %mul3A_191 : i32
      "tpu.region"() ({
        %run_scoped3A = tpu.sem_alloc : memref<!tpu.dma_semaphore, #tpu.memory_space<semaphore_mem>>
        %dma_start3A_198 = tpu.memref_slice %arg5[%add3A_192] : memref<163840xi32, #tpu.memory_space<hbm>> -> memref<128xi32, #tpu.memory_space<hbm>>
        %dma_start3A_199 = tpu.memref_slice %arg5[%add3A_192] : memref<163840xi32, #tpu.memory_space<hbm>> -> memref<128xi32, #tpu.memory_space<hbm>>
        tpu.enqueue_dma source(%dma_start3A_199 : memref<128xi32, #tpu.memory_space<hbm>>) target(%arg9 : memref<128xi32, #tpu.memory_space<vmem>>) target_semaphore(%run_scoped3A : memref<!tpu.dma_semaphore, #tpu.memory_space<semaphore_mem>>)
        %dma_wait3A_200 = tpu.memref_slice %arg5[%add3A_192] : memref<163840xi32, #tpu.memory_space<hbm>> -> memref<128xi32, #tpu.memory_space<hbm>>
        %dma_wait3A_201 = tpu.memref_slice %arg5[%add3A_192] : memref<163840xi32, #tpu.memory_space<hbm>> -> memref<128xi32, #tpu.memory_space<hbm>>
        tpu.wait_dma2 semaphore(%run_scoped3A : memref<!tpu.dma_semaphore, #tpu.memory_space<semaphore_mem>>) src(%dma_wait3A_201 : memref<128xi32, #tpu.memory_space<hbm>>) dst(%arg9 : memref<128xi32, #tpu.memory_space<vmem>>)
        tpu.yield
      }) : () -> ()
      %scan3A_193 = arith.constant 0 : i32
      %scan3A_194 = arith.constant 128 : i32
      %scan3A_195 = arith.addi %scan3A_193, %scan3A_194 : i32
      %scan3A_196 = arith.constant 4 : i32
      scf.for %scan3A_198 = %scan3A_193 to %scan3A_195 step %scan3A_196  : i32 {
        %mul3A_199 = arith.constant 1 : i32
        %mul3A_200 = arith.muli %scan3A_198, %mul3A_199 : i32
        %add3A_201 = arith.constant 0 : i32
        %add3A_202 = arith.addi %add3A_201, %mul3A_200 : i32
        %get3A = arith.index_cast %add3A_202 : i32 to index
        %get3A_203 = arith.constant 64 : index
        %get3A_204 = tpu.vector_load %arg11[%get3A, %get3A_203] {strides = array<i32>} : memref<128x128xf32, #tpu.memory_space<vmem>>, vector<1x16xf32>,
        %get3A_205 = vector.shape_cast %get3A_204 : vector<1x16xf32> to vector<16xf32>
        %get3A_206 = arith.index_cast %add3A_202 : i32 to index
        %get3A_207 = arith.constant 64 : index
        %get3A_208 = tpu.vector_load %arg13[%get3A_206, %get3A_207] {strides = array<i32>} : memref<128x128xf32, #tpu.memory_space<vmem>>, vector<1x16xf32>,
        %get3A_209 = vector.shape_cast %get3A_208 : vector<1x16xf32> to vector<16xf32>
        %mul3A_210 = arith.mulf %get3A_205, %get3A_209 : vector<16xf32>
        %swap3A = arith.index_cast %add3A_202 : i32 to index
        %swap3A_211 = arith.constant 0 : index
        %swap3A_212 = tpu.vector_load %arg14[%swap3A, %swap3A_211] {strides = array<i32>} : memref<128x64xf32, #tpu.memory_space<vmem>>, vector<1x16xf32>,
        %swap3A_213 = vector.shape_cast %swap3A_212 : vector<1x16xf32> to vector<16xf32>
        %swap3A_214 = vector.shape_cast %mul3A_210 : vector<16xf32> to vector<1x16xf32>
        tpu.vector_store %arg14[%swap3A, %swap3A_211], %swap3A_214 {strides = array<i32>} : memref<128x64xf32, #tpu.memory_space<vmem>>, vector<1x16xf32>,
        %get3A_215 = arith.index_cast %add3A_202 : i32 to index
        %get3A_216 = arith.constant 80 : index
        %get3A_217 = tpu.vector_load %arg11[%get3A_215, %get3A_216] {strides = array<i32>} : memref<128x128xf32, #tpu.memory_space<vmem>>, vector<1x16xf32>,
        %get3A_218 = vector.shape_cast %get3A_217 : vector<1x16xf32> to vector<16xf32>
        %get3A_219 = arith.index_cast %add3A_202 : i32 to index
        %get3A_220 = arith.constant 80 : index
        %get3A_221 = tpu.vector_load %arg13[%get3A_219, %get3A_220] {strides = array<i32>} : memref<128x128xf32, #tpu.memory_space<vmem>>, vector<1x16xf32>,
        %get3A_222 = vector.shape_cast %get3A_221 : vector<1x16xf32> to vector<16xf32>
        %mul3A_223 = arith.mulf %get3A_218, %get3A_222 : vector<16xf32>
        %swap3A_224 = arith.index_cast %add3A_202 : i32 to index
        %swap3A_225 = arith.constant 16 : index
        %swap3A_226 = tpu.vector_load %arg14[%swap3A_224, %swap3A_225] {strides = array<i32>} : memref<128x64xf32, #tpu.memory_space<vmem>>, vector<1x16xf32>,
        %swap3A_227 = vector.shape_cast %swap3A_226 : vector<1x16xf32> to vector<16xf32>
        %swap3A_228 = vector.shape_cast %mul3A_223 : vector<16xf32> to vector<1x16xf32>
        tpu.vector_store %arg14[%swap3A_224, %swap3A_225], %swap3A_228 {strides = array<i32>} : memref<128x64xf32, #tpu.memory_space<vmem>>, vector<1x16xf32>,
        %get3A_229 = arith.index_cast %add3A_202 : i32 to index
        %get3A_230 = arith.constant 96 : index
        %get3A_231 = tpu.vector_load %arg11[%get3A_229, %get3A_230] {strides = array<i32>} : memref<128x128xf32, #tpu.memory_space<vmem>>, vector<1x16xf32>,
        %get3A_232 = vector.shape_cast %get3A_231 : vector<1x16xf32> to vector<16xf32>
        %get3A_233 = arith.index_cast %add3A_202 : i32 to index
        %get3A_234 = arith.constant 96 : index
        %get3A_235 = tpu.vector_load %arg13[%get3A_233, %get3A_234] {strides = array<i32>} : memref<128x128xf32, #tpu.memory_space<vmem>>, vector<1x16xf32>,
        %get3A_236 = vector.shape_cast %get3A_235 : vector<1x16xf32> to vector<16xf32>
        %mul3A_237 = arith.mulf %get3A_232, %get3A_236 : vector<16xf32>
        %swap3A_238 = arith.index_cast %add3A_202 : i32 to index
        %swap3A_239 = arith.constant 32 : index
        %swap3A_240 = tpu.vector_load %arg14[%swap3A_238, %swap3A_239] {strides = array<i32>} : memref<128x64xf32, #tpu.memory_space<vmem>>, vector<1x16xf32>,
        %swap3A_241 = vector.shape_cast %swap3A_240 : vector<1x16xf32> to vector<16xf32>
        %swap3A_242 = vector.shape_cast %mul3A_237 : vector<16xf32> to vector<1x16xf32>
        tpu.vector_store %arg14[%swap3A_238, %swap3A_239], %swap3A_242 {strides = array<i32>} : memref<128x64xf32, #tpu.memory_space<vmem>>, vector<1x16xf32>,
        %get3A_243 = arith.index_cast %add3A_202 : i32 to index
        %get3A_244 = arith.constant 112 : index
        %get3A_245 = tpu.vector_load %arg11[%get3A_243, %get3A_244] {strides = array<i32>} : memref<128x128xf32, #tpu.memory_space<vmem>>, vector<1x16xf32>,
        %get3A_246 = vector.shape_cast %get3A_245 : vector<1x16xf32> to vector<16xf32>
        %get3A_247 = arith.index_cast %add3A_202 : i32 to index
        %get3A_248 = arith.constant 112 : index
        %get3A_249 = tpu.vector_load %arg13[%get3A_247, %get3A_248] {strides = array<i32>} : memref<128x128xf32, #tpu.memory_space<vmem>>, vector<1x16xf32>,
        %get3A_250 = vector.shape_cast %get3A_249 : vector<1x16xf32> to vector<16xf32>
        %mul3A_251 = arith.mulf %get3A_246, %get3A_250 : vector<16xf32>
        %swap3A_252 = arith.index_cast %add3A_202 : i32 to index
        %swap3A_253 = arith.constant 48 : index
        %swap3A_254 = tpu.vector_load %arg14[%swap3A_252, %swap3A_253] {strides = array<i32>} : memref<128x64xf32, #tpu.memory_space<vmem>>, vector<1x16xf32>,
        %swap3A_255 = vector.shape_cast %swap3A_254 : vector<1x16xf32> to vector<16xf32>
        %swap3A_256 = vector.shape_cast %mul3A_251 : vector<16xf32> to vector<1x16xf32>
        tpu.vector_store %arg14[%swap3A_252, %swap3A_253], %swap3A_256 {strides = array<i32>} : memref<128x64xf32, #tpu.memory_space<vmem>>, vector<1x16xf32>,
        %scan3A_257 = arith.constant 1 : i32
        %scan3A_258 = arith.addi %scan3A_198, %scan3A_257 : i32
        %mul3A_259 = arith.constant 1 : i32
        %mul3A_260 = arith.muli %scan3A_258, %mul3A_259 : i32
        %add3A_261 = arith.constant 0 : i32
        %add3A_262 = arith.addi %add3A_261, %mul3A_260 : i32
        %get3A_263 = arith.index_cast %add3A_262 : i32 to index
        %get3A_264 = arith.constant 64 : index
        %get3A_265 = tpu.vector_load %arg11[%get3A_263, %get3A_264] {strides = array<i32>} : memref<128x128xf32, #tpu.memory_space<vmem>>, vector<1x16xf32>,
        %get3A_266 = vector.shape_cast %get3A_265 : vector<1x16xf32> to vector<16xf32>
        %get3A_267 = arith.index_cast %add3A_262 : i32 to index
        %get3A_268 = arith.constant 64 : index
        %get3A_269 = tpu.vector_load %arg13[%get3A_267, %get3A_268] {strides = array<i32>} : memref<128x128xf32, #tpu.memory_space<vmem>>, vector<1x16xf32>,
        %get3A_270 = vector.shape_cast %get3A_269 : vector<1x16xf32> to vector<16xf32>
        %mul3A_271 = arith.mulf %get3A_266, %get3A_270 : vector<16xf32>
        %swap3A_272 = arith.index_cast %add3A_262 : i32 to index
        %swap3A_273 = arith.constant 0 : index
        %swap3A_274 = tpu.vector_load %arg14[%swap3A_272, %swap3A_273] {strides = array<i32>} : memref<128x64xf32, #tpu.memory_space<vmem>>, vector<1x16xf32>,
        %swap3A_275 = vector.shape_cast %swap3A_274 : vector<1x16xf32> to vector<16xf32>
        %swap3A_276 = vector.shape_cast %mul3A_271 : vector<16xf32> to vector<1x16xf32>
        tpu.vector_store %arg14[%swap3A_272, %swap3A_273], %swap3A_276 {strides = array<i32>} : memref<128x64xf32, #tpu.memory_space<vmem>>, vector<1x16xf32>,
        %get3A_277 = arith.index_cast %add3A_262 : i32 to index
        %get3A_278 = arith.constant 80 : index
        %get3A_279 = tpu.vector_load %arg11[%get3A_277, %get3A_278] {strides = array<i32>} : memref<128x128xf32, #tpu.memory_space<vmem>>, vector<1x16xf32>,
        %get3A_280 = vector.shape_cast %get3A_279 : vector<1x16xf32> to vector<16xf32>
        %get3A_281 = arith.index_cast %add3A_262 : i32 to index
        %get3A_282 = arith.constant 80 : index
        %get3A_283 = tpu.vector_load %arg13[%get3A_281, %get3A_282] {strides = array<i32>} : memref<128x128xf32, #tpu.memory_space<vmem>>, vector<1x16xf32>,
        %get3A_284 = vector.shape_cast %get3A_283 : vector<1x16xf32> to vector<16xf32>
        %mul3A_285 = arith.mulf %get3A_280, %get3A_284 : vector<16xf32>
        %swap3A_286 = arith.index_cast %add3A_262 : i32 to index
        %swap3A_287 = arith.constant 16 : index
        %swap3A_288 = tpu.vector_load %arg14[%swap3A_286, %swap3A_287] {strides = array<i32>} : memref<128x64xf32, #tpu.memory_space<vmem>>, vector<1x16xf32>,
        %swap3A_289 = vector.shape_cast %swap3A_288 : vector<1x16xf32> to vector<16xf32>
        %swap3A_290 = vector.shape_cast %mul3A_285 : vector<16xf32> to vector<1x16xf32>
        tpu.vector_store %arg14[%swap3A_286, %swap3A_287], %swap3A_290 {strides = array<i32>} : memref<128x64xf32, #tpu.memory_space<vmem>>, vector<1x16xf32>,
        %get3A_291 = arith.index_cast %add3A_262 : i32 to index
        %get3A_292 = arith.constant 96 : index
        %get3A_293 = tpu.vector_load %arg11[%get3A_291, %get3A_292] {strides = array<i32>} : memref<128x128xf32, #tpu.memory_space<vmem>>, vector<1x16xf32>,
        %get3A_294 = vector.shape_cast %get3A_293 : vector<1x16xf32> to vector<16xf32>
        %get3A_295 = arith.index_cast %add3A_262 : i32 to index
        %get3A_296 = arith.constant 96 : index
        %get3A_297 = tpu.vector_load %arg13[%get3A_295, %get3A_296] {strides = array<i32>} : memref<128x128xf32, #tpu.memory_space<vmem>>, vector<1x16xf32>,
        %get3A_298 = vector.shape_cast %get3A_297 : vector<1x16xf32> to vector<16xf32>
        %mul3A_299 = arith.mulf %get3A_294, %get3A_298 : vector<16xf32>
        %swap3A_300 = arith.index_cast %add3A_262 : i32 to index
        %swap3A_301 = arith.constant 32 : index
        %swap3A_302 = tpu.vector_load %arg14[%swap3A_300, %swap3A_301] {strides = array<i32>} : memref<128x64xf32, #tpu.memory_space<vmem>>, vector<1x16xf32>,
        %swap3A_303 = vector.shape_cast %swap3A_302 : vector<1x16xf32> to vector<16xf32>
        %swap3A_304 = vector.shape_cast %mul3A_299 : vector<16xf32> to vector<1x16xf32>
        tpu.vector_store %arg14[%swap3A_300, %swap3A_301], %swap3A_304 {strides = array<i32>} : memref<128x64xf32, #tpu.memory_space<vmem>>, vector<1x16xf32>,
        %get3A_305 = arith.index_cast %add3A_262 : i32 to index
        %get3A_306 = arith.constant 112 : index
        %get3A_307 = tpu.vector_load %arg11[%get3A_305, %get3A_306] {strides = array<i32>} : memref<128x128xf32, #tpu.memory_space<vmem>>, vector<1x16xf32>,
        %get3A_308 = vector.shape_cast %get3A_307 : vector<1x16xf32> to vector<16xf32>
        %get3A_309 = arith.index_cast %add3A_262 : i32 to index
        %get3A_310 = arith.constant 112 : index
        %get3A_311 = tpu.vector_load %arg13[%get3A_309, %get3A_310] {strides = array<i32>} : memref<128x128xf32, #tpu.memory_space<vmem>>, vector<1x16xf32>,
        %get3A_312 = vector.shape_cast %get3A_311 : vector<1x16xf32> to vector<16xf32>
        %mul3A_313 = arith.mulf %get3A_308, %get3A_312 : vector<16xf32>
        %swap3A_314 = arith.index_cast %add3A_262 : i32 to index
        %swap3A_315 = arith.constant 48 : index
        %swap3A_316 = tpu.vector_load %arg14[%swap3A_314, %swap3A_315] {strides = array<i32>} : memref<128x64xf32, #tpu.memory_space<vmem>>, vector<1x16xf32>,
        %swap3A_317 = vector.shape_cast %swap3A_316 : vector<1x16xf32> to vector<16xf32>
        %swap3A_318 = vector.shape_cast %mul3A_313 : vector<16xf32> to vector<1x16xf32>
        tpu.vector_store %arg14[%swap3A_314, %swap3A_315], %swap3A_318 {strides = array<i32>} : memref<128x64xf32, #tpu.memory_space<vmem>>, vector<1x16xf32>,
        %scan3A_319 = arith.constant 2 : i32
        %scan3A_320 = arith.addi %scan3A_198, %scan3A_319 : i32
        %mul3A_321 = arith.constant 1 : i32
        %mul3A_322 = arith.muli %scan3A_320, %mul3A_321 : i32
        %add3A_323 = arith.constant 0 : i32
        %add3A_324 = arith.addi %add3A_323, %mul3A_322 : i32
        %get3A_325 = arith.index_cast %add3A_324 : i32 to index
        %get3A_326 = arith.constant 64 : index
        %get3A_327 = tpu.vector_load %arg11[%get3A_325, %get3A_326] {strides = array<i32>} : memref<128x128xf32, #tpu.memory_space<vmem>>, vector<1x16xf32>,
        %get3A_328 = vector.shape_cast %get3A_327 : vector<1x16xf32> to vector<16xf32>
        %get3A_329 = arith.index_cast %add3A_324 : i32 to index
        %get3A_330 = arith.constant 64 : index
        %get3A_331 = tpu.vector_load %arg13[%get3A_329, %get3A_330] {strides = array<i32>} : memref<128x128xf32, #tpu.memory_space<vmem>>, vector<1x16xf32>,
        %get3A_332 = vector.shape_cast %get3A_331 : vector<1x16xf32> to vector<16xf32>
        %mul3A_333 = arith.mulf %get3A_328, %get3A_332 : vector<16xf32>
        %swap3A_334 = arith.index_cast %add3A_324 : i32 to index
        %swap3A_335 = arith.constant 0 : index
        %swap3A_336 = tpu.vector_load %arg14[%swap3A_334, %swap3A_335] {strides = array<i32>} : memref<128x64xf32, #tpu.memory_space<vmem>>, vector<1x16xf32>,
        %swap3A_337 = vector.shape_cast %swap3A_336 : vector<1x16xf32> to vector<16xf32>
        %swap3A_338 = vector.shape_cast %mul3A_333 : vector<16xf32> to vector<1x16xf32>
        tpu.vector_store %arg14[%swap3A_334, %swap3A_335], %swap3A_338 {strides = array<i32>} : memref<128x64xf32, #tpu.memory_space<vmem>>, vector<1x16xf32>,
        %get3A_339 = arith.index_cast %add3A_324 : i32 to index
        %get3A_340 = arith.constant 80 : index
        %get3A_341 = tpu.vector_load %arg11[%get3A_339, %get3A_340] {strides = array<i32>} : memref<128x128xf32, #tpu.memory_space<vmem>>, vector<1x16xf32>,
        %get3A_342 = vector.shape_cast %get3A_341 : vector<1x16xf32> to vector<16xf32>
        %get3A_343 = arith.index_cast %add3A_324 : i32 to index
        %get3A_344 = arith.constant 80 : index
        %get3A_345 = tpu.vector_load %arg13[%get3A_343, %get3A_344] {strides = array<i32>} : memref<128x128xf32, #tpu.memory_space<vmem>>, vector<1x16xf32>,
        %get3A_346 = vector.shape_cast %get3A_345 : vector<1x16xf32> to vector<16xf32>
        %mul3A_347 = arith.mulf %get3A_342, %get3A_346 : vector<16xf32>
        %swap3A_348 = arith.index_cast %add3A_324 : i32 to index
        %swap3A_349 = arith.constant 16 : index
        %swap3A_350 = tpu.vector_load %arg14[%swap3A_348, %swap3A_349] {strides = array<i32>} : memref<128x64xf32, #tpu.memory_space<vmem>>, vector<1x16xf32>,
        %swap3A_351 = vector.shape_cast %swap3A_350 : vector<1x16xf32> to vector<16xf32>
        %swap3A_352 = vector.shape_cast %mul3A_347 : vector<16xf32> to vector<1x16xf32>
        tpu.vector_store %arg14[%swap3A_348, %swap3A_349], %swap3A_352 {strides = array<i32>} : memref<128x64xf32, #tpu.memory_space<vmem>>, vector<1x16xf32>,
        %get3A_353 = arith.index_cast %add3A_324 : i32 to index
        %get3A_354 = arith.constant 96 : index
        %get3A_355 = tpu.vector_load %arg11[%get3A_353, %get3A_354] {strides = array<i32>} : memref<128x128xf32, #tpu.memory_space<vmem>>, vector<1x16xf32>,
        %get3A_356 = vector.shape_cast %get3A_355 : vector<1x16xf32> to vector<16xf32>
        %get3A_357 = arith.index_cast %add3A_324 : i32 to index
        %get3A_358 = arith.constant 96 : index
        %get3A_359 = tpu.vector_load %arg13[%get3A_357, %get3A_358] {strides = array<i32>} : memref<128x128xf32, #tpu.memory_space<vmem>>, vector<1x16xf32>,
        %get3A_360 = vector.shape_cast %get3A_359 : vector<1x16xf32> to vector<16xf32>
        %mul3A_361 = arith.mulf %get3A_356, %get3A_360 : vector<16xf32>
        %swap3A_362 = arith.index_cast %add3A_324 : i32 to index
        %swap3A_363 = arith.constant 32 : index
        %swap3A_364 = tpu.vector_load %arg14[%swap3A_362, %swap3A_363] {strides = array<i32>} : memref<128x64xf32, #tpu.memory_space<vmem>>, vector<1x16xf32>,
        %swap3A_365 = vector.shape_cast %swap3A_364 : vector<1x16xf32> to vector<16xf32>
        %swap3A_366 = vector.shape_cast %mul3A_361 : vector<16xf32> to vector<1x16xf32>
        tpu.vector_store %arg14[%swap3A_362, %swap3A_363], %swap3A_366 {strides = array<i32>} : memref<128x64xf32, #tpu.memory_space<vmem>>, vector<1x16xf32>,
        %get3A_367 = arith.index_cast %add3A_324 : i32 to index
        %get3A_368 = arith.constant 112 : index
        %get3A_369 = tpu.vector_load %arg11[%get3A_367, %get3A_368] {strides = array<i32>} : memref<128x128xf32, #tpu.memory_space<vmem>>, vector<1x16xf32>,
        %get3A_370 = vector.shape_cast %get3A_369 : vector<1x16xf32> to vector<16xf32>
        %get3A_371 = arith.index_cast %add3A_324 : i32 to index
        %get3A_372 = arith.constant 112 : index
        %get3A_373 = tpu.vector_load %arg13[%get3A_371, %get3A_372] {strides = array<i32>} : memref<128x128xf32, #tpu.memory_space<vmem>>, vector<1x16xf32>,
        %get3A_374 = vector.shape_cast %get3A_373 : vector<1x16xf32> to vector<16xf32>
        %mul3A_375 = arith.mulf %get3A_370, %get3A_374 : vector<16xf32>
        %swap3A_376 = arith.index_cast %add3A_324 : i32 to index
        %swap3A_377 = arith.constant 48 : index
        %swap3A_378 = tpu.vector_load %arg14[%swap3A_376, %swap3A_377] {strides = array<i32>} : memref<128x64xf32, #tpu.memory_space<vmem>>, vector<1x16xf32>,
        %swap3A_379 = vector.shape_cast %swap3A_378 : vector<1x16xf32> to vector<16xf32>
        %swap3A_380 = vector.shape_cast %mul3A_375 : vector<16xf32> to vector<1x16xf32>
        tpu.vector_store %arg14[%swap3A_376, %swap3A_377], %swap3A_380 {strides = array<i32>} : memref<128x64xf32, #tpu.memory_space<vmem>>, vector<1x16xf32>,
        %scan3A_381 = arith.constant 3 : i32
        %scan3A_382 = arith.addi %scan3A_198, %scan3A_381 : i32
        %mul3A_383 = arith.constant 1 : i32
        %mul3A_384 = arith.muli %scan3A_382, %mul3A_383 : i32
        %add3A_385 = arith.constant 0 : i32
        %add3A_386 = arith.addi %add3A_385, %mul3A_384 : i32
        %get3A_387 = arith.index_cast %add3A_386 : i32 to index
        %get3A_388 = arith.constant 64 : index
        %get3A_389 = tpu.vector_load %arg11[%get3A_387, %get3A_388] {strides = array<i32>} : memref<128x128xf32, #tpu.memory_space<vmem>>, vector<1x16xf32>,
        %get3A_390 = vector.shape_cast %get3A_389 : vector<1x16xf32> to vector<16xf32>
        %get3A_391 = arith.index_cast %add3A_386 : i32 to index
        %get3A_392 = arith.constant 64 : index
        %get3A_393 = tpu.vector_load %arg13[%get3A_391, %get3A_392] {strides = array<i32>} : memref<128x128xf32, #tpu.memory_space<vmem>>, vector<1x16xf32>,
        %get3A_394 = vector.shape_cast %get3A_393 : vector<1x16xf32> to vector<16xf32>
        %mul3A_395 = arith.mulf %get3A_390, %get3A_394 : vector<16xf32>
        %swap3A_396 = arith.index_cast %add3A_386 : i32 to index
        %swap3A_397 = arith.constant 0 : index
        %swap3A_398 = tpu.vector_load %arg14[%swap3A_396, %swap3A_397] {strides = array<i32>} : memref<128x64xf32, #tpu.memory_space<vmem>>, vector<1x16xf32>,
        %swap3A_399 = vector.shape_cast %swap3A_398 : vector<1x16xf32> to vector<16xf32>
        %swap3A_400 = vector.shape_cast %mul3A_395 : vector<16xf32> to vector<1x16xf32>
        tpu.vector_store %arg14[%swap3A_396, %swap3A_397], %swap3A_400 {strides = array<i32>} : memref<128x64xf32, #tpu.memory_space<vmem>>, vector<1x16xf32>,
        %get3A_401 = arith.index_cast %add3A_386 : i32 to index
        %get3A_402 = arith.constant 80 : index
        %get3A_403 = tpu.vector_load %arg11[%get3A_401, %get3A_402] {strides = array<i32>} : memref<128x128xf32, #tpu.memory_space<vmem>>, vector<1x16xf32>,
        %get3A_404 = vector.shape_cast %get3A_403 : vector<1x16xf32> to vector<16xf32>
        %get3A_405 = arith.index_cast %add3A_386 : i32 to index
        %get3A_406 = arith.constant 80 : index
        %get3A_407 = tpu.vector_load %arg13[%get3A_405, %get3A_406] {strides = array<i32>} : memref<128x128xf32, #tpu.memory_space<vmem>>, vector<1x16xf32>,
        %get3A_408 = vector.shape_cast %get3A_407 : vector<1x16xf32> to vector<16xf32>
        %mul3A_409 = arith.mulf %get3A_404, %get3A_408 : vector<16xf32>
        %swap3A_410 = arith.index_cast %add3A_386 : i32 to index
        %swap3A_411 = arith.constant 16 : index
        %swap3A_412 = tpu.vector_load %arg14[%swap3A_410, %swap3A_411] {strides = array<i32>} : memref<128x64xf32, #tpu.memory_space<vmem>>, vector<1x16xf32>,
        %swap3A_413 = vector.shape_cast %swap3A_412 : vector<1x16xf32> to vector<16xf32>
        %swap3A_414 = vector.shape_cast %mul3A_409 : vector<16xf32> to vector<1x16xf32>
        tpu.vector_store %arg14[%swap3A_410, %swap3A_411], %swap3A_414 {strides = array<i32>} : memref<128x64xf32, #tpu.memory_space<vmem>>, vector<1x16xf32>,
        %get3A_415 = arith.index_cast %add3A_386 : i32 to index
        %get3A_416 = arith.constant 96 : index
        %get3A_417 = tpu.vector_load %arg11[%get3A_415, %get3A_416] {strides = array<i32>} : memref<128x128xf32, #tpu.memory_space<vmem>>, vector<1x16xf32>,
        %get3A_418 = vector.shape_cast %get3A_417 : vector<1x16xf32> to vector<16xf32>
        %get3A_419 = arith.index_cast %add3A_386 : i32 to index
        %get3A_420 = arith.constant 96 : index
        %get3A_421 = tpu.vector_load %arg13[%get3A_419, %get3A_420] {strides = array<i32>} : memref<128x128xf32, #tpu.memory_space<vmem>>, vector<1x16xf32>,
        %get3A_422 = vector.shape_cast %get3A_421 : vector<1x16xf32> to vector<16xf32>
        %mul3A_423 = arith.mulf %get3A_418, %get3A_422 : vector<16xf32>
        %swap3A_424 = arith.index_cast %add3A_386 : i32 to index
        %swap3A_425 = arith.constant 32 : index
        %swap3A_426 = tpu.vector_load %arg14[%swap3A_424, %swap3A_425] {strides = array<i32>} : memref<128x64xf32, #tpu.memory_space<vmem>>, vector<1x16xf32>,
        %swap3A_427 = vector.shape_cast %swap3A_426 : vector<1x16xf32> to vector<16xf32>
        %swap3A_428 = vector.shape_cast %mul3A_423 : vector<16xf32> to vector<1x16xf32>
        tpu.vector_store %arg14[%swap3A_424, %swap3A_425], %swap3A_428 {strides = array<i32>} : memref<128x64xf32, #tpu.memory_space<vmem>>, vector<1x16xf32>,
        %get3A_429 = arith.index_cast %add3A_386 : i32 to index
        %get3A_430 = arith.constant 112 : index
        %get3A_431 = tpu.vector_load %arg11[%get3A_429, %get3A_430] {strides = array<i32>} : memref<128x128xf32, #tpu.memory_space<vmem>>, vector<1x16xf32>,
        %get3A_432 = vector.shape_cast %get3A_431 : vector<1x16xf32> to vector<16xf32>
        %get3A_433 = arith.index_cast %add3A_386 : i32 to index
        %get3A_434 = arith.constant 112 : index
        %get3A_435 = tpu.vector_load %arg13[%get3A_433, %get3A_434] {strides = array<i32>} : memref<128x128xf32, #tpu.memory_space<vmem>>, vector<1x16xf32>,
        %get3A_436 = vector.shape_cast %get3A_435 : vector<1x16xf32> to vector<16xf32>
        %mul3A_437 = arith.mulf %get3A_432, %get3A_436 : vector<16xf32>
        %swap3A_438 = arith.index_cast %add3A_386 : i32 to index
        %swap3A_439 = arith.constant 48 : index
        %swap3A_440 = tpu.vector_load %arg14[%swap3A_438, %swap3A_439] {strides = array<i32>} : memref<128x64xf32, #tpu.memory_space<vmem>>, vector<1x16xf32>,
        %swap3A_441 = vector.shape_cast %swap3A_440 : vector<1x16xf32> to vector<16xf32>
        %swap3A_442 = vector.shape_cast %mul3A_437 : vector<16xf32> to vector<1x16xf32>
        tpu.vector_store %arg14[%swap3A_438, %swap3A_439], %swap3A_442 {strides = array<i32>} : memref<128x64xf32, #tpu.memory_space<vmem>>, vector<1x16xf32>,
      }
      %scan3A_197 = arith.constant 128 : i32
      "tpu.region"() ({
        %run_scoped3A = tpu.sem_alloc : memref<!tpu.dma_semaphore, #tpu.memory_space<semaphore_mem>>
        %dma_start3A_198 = arith.constant 0 : i32
        %dma_start3A_199 = arith.constant 0 : i32
        %dma_start3A_200 = tpu.memref_slice %arg17[%dma_start3A_198, %dma_start3A_199] : memref<10240x64xf32, #tpu.memory_space<vmem_shared>> -> memref<10240x64xf32, #tpu.memory_space<vmem_shared>>
        tpu.enqueue_indirect_dma source(%arg14 : memref<128x64xf32, #tpu.memory_space<vmem>>) target(%dma_start3A_200 : memref<10240x64xf32, #tpu.memory_space<vmem_shared>>) offsets(%arg9 : memref<128xi32, #tpu.memory_space<vmem>>) semaphore(%run_scoped3A : memref<!tpu.dma_semaphore, #tpu.memory_space<semaphore_mem>>) {add = true}
        %dma_wait3A_201 = arith.constant 0 : i32
        %dma_wait3A_202 = arith.constant 0 : i32
        %dma_wait3A_203 = tpu.memref_slice %arg17[%dma_wait3A_201, %dma_wait3A_202] : memref<10240x64xf32, #tpu.memory_space<vmem_shared>> -> memref<10240x64xf32, #tpu.memory_space<vmem_shared>>
        tpu.wait_indirect_dma semaphore(%run_scoped3A : memref<!tpu.dma_semaphore, #tpu.memory_space<semaphore_mem>>) src(%arg14 : memref<128x64xf32, #tpu.memory_space<vmem>>) dst(%dma_wait3A_203 : memref<10240x64xf32, #tpu.memory_space<vmem_shared>>)
        tpu.yield
      }) : () -> ()
    }
    %scan3A_84 = arith.constant 40 : i32
    %add3A_85 = arith.constant 10112 : i32
    %add3A_86 = arith.addi %mul3A_2, %add3A_85 : i32
    %mul3A_87 = arith.constant 163840 : i32
    %mul3A_88 = arith.muli %arg0, %mul3A_87 : i32
    %add3A_89 = arith.addi %mul3A_88, %add3A_86 : i32
    %dma_wait3A_90 = arith.constant 0 : i32
    %dma_wait3A_91 = tpu.memref_slice %arg3[%add3A_89, %dma_wait3A_90] : memref<327680x128xf32, #tpu.memory_space<hbm>> -> memref<128x128xf32, #tpu.memory_space<hbm>>
    %dma_wait3A_92 = arith.constant 0 : i32
    %dma_wait3A_93 = tpu.memref_slice %arg3[%add3A_89, %dma_wait3A_92] : memref<327680x128xf32, #tpu.memory_space<hbm>> -> memref<128x128xf32, #tpu.memory_space<hbm>>
    tpu.wait_dma2 semaphore(%arg20 : memref<!tpu.dma_semaphore, #tpu.memory_space<semaphore_mem>>) src(%dma_wait3A_93 : memref<128x128xf32, #tpu.memory_space<hbm>>) dst(%arg12 : memref<128x128xf32, #tpu.memory_space<vmem>>)
    %dma_wait3A_94 = arith.constant 0 : i32
    %dma_wait3A_95 = arith.constant 0 : i32
    %dma_wait3A_96 = tpu.memref_slice %arg2[%dma_wait3A_94, %dma_wait3A_95] : memref<20000x128xf32, #tpu.memory_space<hbm>> -> memref<20000x128xf32, #tpu.memory_space<hbm>>
    tpu.wait_indirect_dma semaphore(%arg18 : memref<!tpu.dma_semaphore, #tpu.memory_space<semaphore_mem>>) src(%dma_wait3A_96 : memref<20000x128xf32, #tpu.memory_space<hbm>>) dst(%arg10 : memref<128x128xf32, #tpu.memory_space<vmem>>)
    %barrier3A_97 = arith.constant 0 : index
    tpu.barrier barrier_id(%barrier3A_97)
    %scan3A_98 = arith.constant 0 : i32
    %scan3A_99 = arith.constant 0 : i32
    %scan3A_100 = arith.constant 10 : i32
    %scan3A_101 = arith.addi %scan3A_99, %scan3A_100 : i32
    %scan3A_102 = arith.constant 1 : i32
    scf.for %scan3A_104 = %scan3A_99 to %scan3A_101 step %scan3A_102  : i32 {
      %mul3A_105 = arith.constant 64 : i32
      %mul3A_106 = arith.muli %scan3A_104, %mul3A_105 : i32
      %add3A_107 = arith.addi %mul3A_0, %mul3A_106 : i32
      "tpu.region"() ({
        %run_scoped3A = tpu.sem_alloc : memref<!tpu.dma_semaphore, #tpu.memory_space<semaphore_mem>>
        %dma_start3A_108 = arith.constant 0 : i32
        %dma_start3A_109 = tpu.memref_slice %arg17[%add3A_107, %dma_start3A_108] : memref<10240x64xf32, #tpu.memory_space<vmem_shared>> -> memref<64x64xf32, #tpu.memory_space<vmem_shared>>
        %dma_start3A_110 = arith.constant 0 : i32
        %dma_start3A_111 = tpu.memref_slice %arg17[%add3A_107, %dma_start3A_110] : memref<10240x64xf32, #tpu.memory_space<vmem_shared>> -> memref<64x64xf32, #tpu.memory_space<vmem_shared>>
        tpu.enqueue_dma source(%dma_start3A_111 : memref<64x64xf32, #tpu.memory_space<vmem_shared>>) target(%arg16 : memref<64x64xf32, #tpu.memory_space<vmem>>) target_semaphore(%run_scoped3A : memref<!tpu.dma_semaphore, #tpu.memory_space<semaphore_mem>>)
        %dma_wait3A_112 = arith.constant 0 : i32
        %dma_wait3A_113 = tpu.memref_slice %arg17[%add3A_107, %dma_wait3A_112] : memref<10240x64xf32, #tpu.memory_space<vmem_shared>> -> memref<64x64xf32, #tpu.memory_space<vmem_shared>>
        %dma_wait3A_114 = arith.constant 0 : i32
        %dma_wait3A_115 = tpu.memref_slice %arg17[%add3A_107, %dma_wait3A_114] : memref<10240x64xf32, #tpu.memory_space<vmem_shared>> -> memref<64x64xf32, #tpu.memory_space<vmem_shared>>
        tpu.wait_dma2 semaphore(%run_scoped3A : memref<!tpu.dma_semaphore, #tpu.memory_space<semaphore_mem>>) src(%dma_wait3A_115 : memref<64x64xf32, #tpu.memory_space<vmem_shared>>) dst(%arg16 : memref<64x64xf32, #tpu.memory_space<vmem>>)
        tpu.yield
      }) : () -> ()
      "tpu.region"() ({
        %run_scoped3A = tpu.sem_alloc : memref<!tpu.dma_semaphore, #tpu.memory_space<semaphore_mem>>
        %dma_start3A_108 = arith.constant 64 : i32
        %dma_start3A_109 = tpu.memref_slice %arg6[%arg0, %add3A_107, %dma_start3A_108] : memref<2x10240x128xf32, #tpu.memory_space<hbm>> -> memref<1x64x64xf32, #tpu.memory_space<hbm>>
        %dma_start3A_110 = tpu.memref_squeeze %dma_start3A_109 : memref<1x64x64xf32, #tpu.memory_space<hbm>> -> memref<64x64xf32, #tpu.memory_space<hbm>>
        %dma_start3A_111 = arith.constant 64 : i32
        %dma_start3A_112 = tpu.memref_slice %arg6[%arg0, %add3A_107, %dma_start3A_111] : memref<2x10240x128xf32, #tpu.memory_space<hbm>> -> memref<1x64x64xf32, #tpu.memory_space<hbm>>
        %dma_start3A_113 = tpu.memref_squeeze %dma_start3A_112 : memref<1x64x64xf32, #tpu.memory_space<hbm>> -> memref<64x64xf32, #tpu.memory_space<hbm>>
        tpu.enqueue_dma source(%arg16 : memref<64x64xf32, #tpu.memory_space<vmem>>) target(%dma_start3A_113 : memref<64x64xf32, #tpu.memory_space<hbm>>) target_semaphore(%run_scoped3A : memref<!tpu.dma_semaphore, #tpu.memory_space<semaphore_mem>>)
        %dma_wait3A_114 = arith.constant 64 : i32
        %dma_wait3A_115 = tpu.memref_slice %arg6[%arg0, %add3A_107, %dma_wait3A_114] : memref<2x10240x128xf32, #tpu.memory_space<hbm>> -> memref<1x64x64xf32, #tpu.memory_space<hbm>>
        %dma_wait3A_116 = tpu.memref_squeeze %dma_wait3A_115 : memref<1x64x64xf32, #tpu.memory_space<hbm>> -> memref<64x64xf32, #tpu.memory_space<hbm>>
        %dma_wait3A_117 = arith.constant 64 : i32
        %dma_wait3A_118 = tpu.memref_slice %arg6[%arg0, %add3A_107, %dma_wait3A_117] : memref<2x10240x128xf32, #tpu.memory_space<hbm>> -> memref<1x64x64xf32, #tpu.memory_space<hbm>>
        %dma_wait3A_119 = tpu.memref_squeeze %dma_wait3A_118 : memref<1x64x64xf32, #tpu.memory_space<hbm>> -> memref<64x64xf32, #tpu.memory_space<hbm>>
        tpu.wait_dma2 semaphore(%run_scoped3A : memref<!tpu.dma_semaphore, #tpu.memory_space<semaphore_mem>>) src(%arg16 : memref<64x64xf32, #tpu.memory_space<vmem>>) dst(%dma_wait3A_119 : memref<64x64xf32, #tpu.memory_space<hbm>>)
        tpu.yield
      }) : () -> ()
    }
    %scan3A_103 = arith.constant 10 : i32
    return
  }
}

module attributes {stable_mosaic.version = 14 : i64} {
  func.func @_filter_body(%arg0: i32, %arg1: memref<2000x16xf32, #tpu.memory_space<vmem>>, %arg2: memref<16x256xf32, #tpu.memory_space<vmem>>, %arg3: memref<2000x1xf32, #tpu.memory_space<vmem>>, %arg4: memref<2x2000x128xf32, #tpu.memory_space<vmem>>) attributes {dimension_semantics = [#tpu.dimension_semantics<arbitrary>], iteration_bounds = array<i64: 81>, scalar_prefetch = 0 : i64, scratch_operands = 0 : i64, tpu.core_type = #tpu.core_type<tc>, window_params = [{transform_indices = @transform_0, window_bounds = array<i64: 2000, 16>}, {pipeline_mode = #tpu.pipeline_mode<synchronous>, transform_indices = @transform_1, window_bounds = array<i64: 16, 256>}, {transform_indices = @transform_2, window_bounds = array<i64: 2000, 1>}, {transform_indices = @transform_3, window_bounds = array<i64: 2, 2000, 128>}]} {
    %get3A = arith.constant 0 : index
    %get3A_0 = arith.constant 0 : index
    %get3A_1 = vector.load %arg1[%get3A, %get3A_0] : memref<2000x16xf32, #tpu.memory_space<vmem>>, vector<2000x16xf32>
    %get3A_2 = arith.constant 0 : index
    %get3A_3 = arith.constant 0 : index
    %get3A_4 = vector.load %arg2[%get3A_2, %get3A_3] : memref<16x256xf32, #tpu.memory_space<vmem>>, vector<16x256xf32>
    %dot_general3A = arith.constant dense<0.000000e+00> : vector<2000x256xf32>
    %dot_general3A_5 = tpu.matmul %get3A_1, %get3A_4, %dot_general3A {dimension_numbers = #tpu.dot_dimension_numbers<[1], [0], [0], [1], [0, 0, 1, 1], [], []>, transpose_lhs_hint = false} : vector<2000x16xf32>, vector<16x256xf32>, vector<2000x256xf32> -> vector<2000x256xf32>
    %get3A_6 = arith.constant 0 : index
    %get3A_7 = arith.constant 0 : index
    %get3A_8 = vector.load %arg3[%get3A_6, %get3A_7] : memref<2000x1xf32, #tpu.memory_space<vmem>>, vector<2000x1xf32>
    %mul3A = vector.broadcast %get3A_8 : vector<2000x1xf32> to vector<2000x256xf32>
    %mul3A_9 = arith.mulf %dot_general3A_5, %mul3A : vector<2000x256xf32>
    %slice3A = vector.extract_strided_slice %mul3A_9 {offsets = [0, 0], sizes = [2000, 128], strides = [1, 1]} : vector<2000x256xf32> to vector<2000x128xf32>
    %swap3A = arith.constant 0 : index
    %swap3A_10 = arith.constant 0 : index
    %swap3A_11 = arith.constant 0 : index
    %swap3A_12 = vector.load %arg4[%swap3A, %swap3A_10, %swap3A_11] : memref<2x2000x128xf32, #tpu.memory_space<vmem>>, vector<1x2000x128xf32>
    %swap3A_13 = vector.shape_cast %swap3A_12 : vector<1x2000x128xf32> to vector<2000x128xf32>
    %swap3A_14 = vector.shape_cast %slice3A : vector<2000x128xf32> to vector<1x2000x128xf32>
    tpu.vector_store %arg4[%swap3A, %swap3A_10, %swap3A_11], %swap3A_14 {strides = array<i32>} : memref<2x2000x128xf32, #tpu.memory_space<vmem>>, vector<1x2000x128xf32>,
    %slice3A_15 = vector.extract_strided_slice %mul3A_9 {offsets = [0, 128], sizes = [2000, 128], strides = [1, 1]} : vector<2000x256xf32> to vector<2000x128xf32>
    %swap3A_16 = arith.constant 1 : index
    %swap3A_17 = arith.constant 0 : index
    %swap3A_18 = arith.constant 0 : index
    %swap3A_19 = vector.load %arg4[%swap3A_16, %swap3A_17, %swap3A_18] : memref<2x2000x128xf32, #tpu.memory_space<vmem>>, vector<1x2000x128xf32>
    %swap3A_20 = vector.shape_cast %swap3A_19 : vector<1x2000x128xf32> to vector<2000x128xf32>
    %swap3A_21 = vector.shape_cast %slice3A_15 : vector<2000x128xf32> to vector<1x2000x128xf32>
    tpu.vector_store %arg4[%swap3A_16, %swap3A_17, %swap3A_18], %swap3A_21 {strides = array<i32>} : memref<2x2000x128xf32, #tpu.memory_space<vmem>>, vector<1x2000x128xf32>,
    return
  }
  func.func @transform_0(%arg0: i32) -> (i32, i32) {
    %c0_i32 = arith.constant 0 : i32
    %c0_i32_0 = arith.constant 0 : i32
    return %arg0, %c0_i32 : i32, i32
  }
  func.func @transform_1(%arg0: i32) -> (i32, i32) {
    %c0_i32 = arith.constant 0 : i32
    %c0_i32_0 = arith.constant 0 : i32
    %c0_i32_1 = arith.constant 0 : i32
    return %c0_i32, %c0_i32_0 : i32, i32
  }
  func.func @transform_2(%arg0: i32) -> (i32, i32) {
    %c0_i32 = arith.constant 0 : i32
    %c0_i32_0 = arith.constant 0 : i32
    return %arg0, %c0_i32 : i32, i32
  }
  func.func @transform_3(%arg0: i32) -> (i32, i32, i32) {
    %c0_i32 = arith.constant 0 : i32
    %c0_i32_0 = arith.constant 0 : i32
    %c0_i32_1 = arith.constant 0 : i32
    return %c0_i32, %arg0, %c0_i32_0 : i32, i32, i32
  }
}

module attributes {stable_mosaic.version = 14 : i64} {
  func.func @_emb_body(%arg0: i32, %arg1: memref<1000x256xf32, #tpu.memory_space<vmem>>, %arg2: memref<2x256x256xf32, #tpu.memory_space<vmem>>, %arg3: memref<2x1x256xf32, #tpu.memory_space<vmem>>, %arg4: memref<2x256x256xf32, #tpu.memory_space<vmem>>, %arg5: memref<2x1x256xf32, #tpu.memory_space<vmem>>, %arg6: memref<1000x256xf32, #tpu.memory_space<vmem>>, %arg7: memref<2x1000x128xf32, #tpu.memory_space<vmem>>) attributes {dimension_semantics = [#tpu.dimension_semantics<arbitrary>], iteration_bounds = array<i64: 10>, scalar_prefetch = 0 : i64, scratch_operands = 0 : i64, tpu.core_type = #tpu.core_type<tc>, window_params = [{transform_indices = @transform_0, window_bounds = array<i64: 1000, 256>}, {pipeline_mode = #tpu.pipeline_mode<synchronous>, transform_indices = @transform_1, window_bounds = array<i64: 2, 256, 256>}, {pipeline_mode = #tpu.pipeline_mode<synchronous>, transform_indices = @transform_2, window_bounds = array<i64: 2, 1, 256>}, {pipeline_mode = #tpu.pipeline_mode<synchronous>, transform_indices = @transform_3, window_bounds = array<i64: 2, 256, 256>}, {pipeline_mode = #tpu.pipeline_mode<synchronous>, transform_indices = @transform_4, window_bounds = array<i64: 2, 1, 256>}, {transform_indices = @transform_5, window_bounds = array<i64: 1000, 256>}, {transform_indices = @transform_6, window_bounds = array<i64: 2, 1000, 128>}]} {
    %get3A = arith.constant 0 : index
    %get3A_0 = arith.constant 0 : index
    %get3A_1 = vector.load %arg1[%get3A, %get3A_0] : memref<1000x256xf32, #tpu.memory_space<vmem>>, vector<1000x256xf32>
    %get3A_2 = arith.constant 0 : index
    %get3A_3 = arith.constant 0 : index
    %get3A_4 = arith.constant 0 : index
    %get3A_5 = vector.load %arg2[%get3A_2, %get3A_3, %get3A_4] : memref<2x256x256xf32, #tpu.memory_space<vmem>>, vector<1x256x256xf32>
    %get3A_6 = vector.shape_cast %get3A_5 : vector<1x256x256xf32> to vector<256x256xf32>
    %get3A_7 = arith.constant 0 : index
    %get3A_8 = arith.constant 0 : index
    %get3A_9 = arith.constant 0 : index
    %get3A_10 = vector.load %arg3[%get3A_7, %get3A_8, %get3A_9] : memref<2x1x256xf32, #tpu.memory_space<vmem>>, vector<1x1x256xf32>
    %get3A_11 = vector.shape_cast %get3A_10 : vector<1x1x256xf32> to vector<1x256xf32>
    %get3A_12 = arith.constant 1 : index
    %get3A_13 = arith.constant 0 : index
    %get3A_14 = arith.constant 0 : index
    %get3A_15 = vector.load %arg2[%get3A_12, %get3A_13, %get3A_14] : memref<2x256x256xf32, #tpu.memory_space<vmem>>, vector<1x256x256xf32>
    %get3A_16 = vector.shape_cast %get3A_15 : vector<1x256x256xf32> to vector<256x256xf32>
    %get3A_17 = arith.constant 1 : index
    %get3A_18 = arith.constant 0 : index
    %get3A_19 = arith.constant 0 : index
    %get3A_20 = vector.load %arg3[%get3A_17, %get3A_18, %get3A_19] : memref<2x1x256xf32, #tpu.memory_space<vmem>>, vector<1x1x256xf32>
    %get3A_21 = vector.shape_cast %get3A_20 : vector<1x1x256xf32> to vector<1x256xf32>
    %dot_general3A = arith.constant dense<0.000000e+00> : vector<1000x256xf32>
    %dot_general3A_22 = tpu.matmul %get3A_1, %get3A_6, %dot_general3A {dimension_numbers = #tpu.dot_dimension_numbers<[1], [0], [0], [1], [0, 0, 1, 1], [], []>, transpose_lhs_hint = false} : vector<1000x256xf32>, vector<256x256xf32>, vector<1000x256xf32> -> vector<1000x256xf32>
    %add3A = vector.broadcast %get3A_11 : vector<1x256xf32> to vector<1000x256xf32>
    %add3A_23 = arith.addf %dot_general3A_22, %add3A : vector<1000x256xf32>
    %neg3A = arith.constant 0.000000e+00 : f32
    %neg3A_24 = vector.broadcast %neg3A : f32 to vector<1000x256xf32>
    %neg3A_25 = arith.subf %neg3A_24, %add3A_23 : vector<1000x256xf32>
    %exp3A = math.exp %neg3A_25 : vector<1000x256xf32>
    %add3A_26 = arith.constant 1.000000e+00 : f32
    %add3A_27 = vector.broadcast %add3A_26 : f32 to vector<1000x256xf32>
    %add3A_28 = arith.addf %add3A_27, %exp3A : vector<1000x256xf32>
    %div3A = arith.constant 1.000000e+00 : f32
    %div3A_29 = vector.broadcast %div3A : f32 to vector<1000x256xf32>
    %div3A_30 = arith.divf %div3A_29, %add3A_28 : vector<1000x256xf32>
    %mul3A = arith.mulf %add3A_23, %div3A_30 : vector<1000x256xf32>
    %dot_general3A_31 = arith.constant dense<0.000000e+00> : vector<1000x256xf32>
    %dot_general3A_32 = tpu.matmul %mul3A, %get3A_16, %dot_general3A_31 {dimension_numbers = #tpu.dot_dimension_numbers<[1], [0], [0], [1], [0, 0, 1, 1], [], []>, transpose_lhs_hint = false} : vector<1000x256xf32>, vector<256x256xf32>, vector<1000x256xf32> -> vector<1000x256xf32>
    %add3A_33 = vector.broadcast %get3A_21 : vector<1x256xf32> to vector<1000x256xf32>
    %add3A_34 = arith.addf %dot_general3A_32, %add3A_33 : vector<1000x256xf32>
    %neg3A_35 = arith.constant 0.000000e+00 : f32
    %neg3A_36 = vector.broadcast %neg3A_35 : f32 to vector<1000x256xf32>
    %neg3A_37 = arith.subf %neg3A_36, %add3A_34 : vector<1000x256xf32>
    %exp3A_38 = math.exp %neg3A_37 : vector<1000x256xf32>
    %add3A_39 = arith.constant 1.000000e+00 : f32
    %add3A_40 = vector.broadcast %add3A_39 : f32 to vector<1000x256xf32>
    %add3A_41 = arith.addf %add3A_40, %exp3A_38 : vector<1000x256xf32>
    %div3A_42 = arith.constant 1.000000e+00 : f32
    %div3A_43 = vector.broadcast %div3A_42 : f32 to vector<1000x256xf32>
    %div3A_44 = arith.divf %div3A_43, %add3A_41 : vector<1000x256xf32>
    %mul3A_45 = arith.mulf %add3A_34, %div3A_44 : vector<1000x256xf32>
    %add3A_46 = arith.addf %get3A_1, %mul3A_45 : vector<1000x256xf32>
    %swap3A = arith.constant 0 : index
    %swap3A_47 = arith.constant 0 : index
    %swap3A_48 = vector.load %arg6[%swap3A, %swap3A_47] : memref<1000x256xf32, #tpu.memory_space<vmem>>, vector<1000x256xf32>
    tpu.vector_store %arg6[%swap3A, %swap3A_47], %add3A_46 {strides = array<i32>} : memref<1000x256xf32, #tpu.memory_space<vmem>>, vector<1000x256xf32>,
    %get3A_49 = arith.constant 0 : index
    %get3A_50 = arith.constant 0 : index
    %get3A_51 = arith.constant 0 : index
    %get3A_52 = vector.load %arg4[%get3A_49, %get3A_50, %get3A_51] : memref<2x256x256xf32, #tpu.memory_space<vmem>>, vector<1x256x256xf32>
    %get3A_53 = vector.shape_cast %get3A_52 : vector<1x256x256xf32> to vector<256x256xf32>
    %get3A_54 = arith.constant 0 : index
    %get3A_55 = arith.constant 0 : index
    %get3A_56 = arith.constant 0 : index
    %get3A_57 = vector.load %arg5[%get3A_54, %get3A_55, %get3A_56] : memref<2x1x256xf32, #tpu.memory_space<vmem>>, vector<1x1x256xf32>
    %get3A_58 = vector.shape_cast %get3A_57 : vector<1x1x256xf32> to vector<1x256xf32>
    %get3A_59 = arith.constant 1 : index
    %get3A_60 = arith.constant 0 : index
    %get3A_61 = arith.constant 0 : index
    %get3A_62 = vector.load %arg4[%get3A_59, %get3A_60, %get3A_61] : memref<2x256x256xf32, #tpu.memory_space<vmem>>, vector<1x256x256xf32>
    %get3A_63 = vector.shape_cast %get3A_62 : vector<1x256x256xf32> to vector<256x256xf32>
    %get3A_64 = arith.constant 1 : index
    %get3A_65 = arith.constant 0 : index
    %get3A_66 = arith.constant 0 : index
    %get3A_67 = vector.load %arg5[%get3A_64, %get3A_65, %get3A_66] : memref<2x1x256xf32, #tpu.memory_space<vmem>>, vector<1x1x256xf32>
    %get3A_68 = vector.shape_cast %get3A_67 : vector<1x1x256xf32> to vector<1x256xf32>
    %dot_general3A_69 = arith.constant dense<0.000000e+00> : vector<1000x256xf32>
    %dot_general3A_70 = tpu.matmul %get3A_1, %get3A_53, %dot_general3A_69 {dimension_numbers = #tpu.dot_dimension_numbers<[1], [0], [0], [1], [0, 0, 1, 1], [], []>, transpose_lhs_hint = false} : vector<1000x256xf32>, vector<256x256xf32>, vector<1000x256xf32> -> vector<1000x256xf32>
    %add3A_71 = vector.broadcast %get3A_58 : vector<1x256xf32> to vector<1000x256xf32>
    %add3A_72 = arith.addf %dot_general3A_70, %add3A_71 : vector<1000x256xf32>
    %neg3A_73 = arith.constant 0.000000e+00 : f32
    %neg3A_74 = vector.broadcast %neg3A_73 : f32 to vector<1000x256xf32>
    %neg3A_75 = arith.subf %neg3A_74, %add3A_72 : vector<1000x256xf32>
    %exp3A_76 = math.exp %neg3A_75 : vector<1000x256xf32>
    %add3A_77 = arith.constant 1.000000e+00 : f32
    %add3A_78 = vector.broadcast %add3A_77 : f32 to vector<1000x256xf32>
    %add3A_79 = arith.addf %add3A_78, %exp3A_76 : vector<1000x256xf32>
    %div3A_80 = arith.constant 1.000000e+00 : f32
    %div3A_81 = vector.broadcast %div3A_80 : f32 to vector<1000x256xf32>
    %div3A_82 = arith.divf %div3A_81, %add3A_79 : vector<1000x256xf32>
    %mul3A_83 = arith.mulf %add3A_72, %div3A_82 : vector<1000x256xf32>
    %dot_general3A_84 = arith.constant dense<0.000000e+00> : vector<1000x256xf32>
    %dot_general3A_85 = tpu.matmul %mul3A_83, %get3A_63, %dot_general3A_84 {dimension_numbers = #tpu.dot_dimension_numbers<[1], [0], [0], [1], [0, 0, 1, 1], [], []>, transpose_lhs_hint = false} : vector<1000x256xf32>, vector<256x256xf32>, vector<1000x256xf32> -> vector<1000x256xf32>
    %add3A_86 = vector.broadcast %get3A_68 : vector<1x256xf32> to vector<1000x256xf32>
    %add3A_87 = arith.addf %dot_general3A_85, %add3A_86 : vector<1000x256xf32>
    %neg3A_88 = arith.constant 0.000000e+00 : f32
    %neg3A_89 = vector.broadcast %neg3A_88 : f32 to vector<1000x256xf32>
    %neg3A_90 = arith.subf %neg3A_89, %add3A_87 : vector<1000x256xf32>
    %exp3A_91 = math.exp %neg3A_90 : vector<1000x256xf32>
    %add3A_92 = arith.constant 1.000000e+00 : f32
    %add3A_93 = vector.broadcast %add3A_92 : f32 to vector<1000x256xf32>
    %add3A_94 = arith.addf %add3A_93, %exp3A_91 : vector<1000x256xf32>
    %div3A_95 = arith.constant 1.000000e+00 : f32
    %div3A_96 = vector.broadcast %div3A_95 : f32 to vector<1000x256xf32>
    %div3A_97 = arith.divf %div3A_96, %add3A_94 : vector<1000x256xf32>
    %mul3A_98 = arith.mulf %add3A_87, %div3A_97 : vector<1000x256xf32>
    %add3A_99 = arith.addf %get3A_1, %mul3A_98 : vector<1000x256xf32>
    %slice3A = vector.extract_strided_slice %add3A_99 {offsets = [0, 0], sizes = [1000, 128], strides = [1, 1]} : vector<1000x256xf32> to vector<1000x128xf32>
    %swap3A_100 = arith.constant 0 : index
    %swap3A_101 = arith.constant 0 : index
    %swap3A_102 = arith.constant 0 : index
    %swap3A_103 = vector.load %arg7[%swap3A_100, %swap3A_101, %swap3A_102] : memref<2x1000x128xf32, #tpu.memory_space<vmem>>, vector<1x1000x128xf32>
    %swap3A_104 = vector.shape_cast %swap3A_103 : vector<1x1000x128xf32> to vector<1000x128xf32>
    %swap3A_105 = vector.shape_cast %slice3A : vector<1000x128xf32> to vector<1x1000x128xf32>
    tpu.vector_store %arg7[%swap3A_100, %swap3A_101, %swap3A_102], %swap3A_105 {strides = array<i32>} : memref<2x1000x128xf32, #tpu.memory_space<vmem>>, vector<1x1000x128xf32>,
    %slice3A_106 = vector.extract_strided_slice %add3A_99 {offsets = [0, 128], sizes = [1000, 128], strides = [1, 1]} : vector<1000x256xf32> to vector<1000x128xf32>
    %swap3A_107 = arith.constant 1 : index
    %swap3A_108 = arith.constant 0 : index
    %swap3A_109 = arith.constant 0 : index
    %swap3A_110 = vector.load %arg7[%swap3A_107, %swap3A_108, %swap3A_109] : memref<2x1000x128xf32, #tpu.memory_space<vmem>>, vector<1x1000x128xf32>
    %swap3A_111 = vector.shape_cast %swap3A_110 : vector<1x1000x128xf32> to vector<1000x128xf32>
    %swap3A_112 = vector.shape_cast %slice3A_106 : vector<1000x128xf32> to vector<1x1000x128xf32>
    tpu.vector_store %arg7[%swap3A_107, %swap3A_108, %swap3A_109], %swap3A_112 {strides = array<i32>} : memref<2x1000x128xf32, #tpu.memory_space<vmem>>, vector<1x1000x128xf32>,
    return
  }
  func.func @transform_0(%arg0: i32) -> (i32, i32) {
    %c0_i32 = arith.constant 0 : i32
    %c0_i32_0 = arith.constant 0 : i32
    return %arg0, %c0_i32 : i32, i32
  }
  func.func @transform_1(%arg0: i32) -> (i32, i32, i32) {
    %c0_i32 = arith.constant 0 : i32
    %c0_i32_0 = arith.constant 0 : i32
    %c0_i32_1 = arith.constant 0 : i32
    %c0_i32_2 = arith.constant 0 : i32
    return %c0_i32, %c0_i32_0, %c0_i32_1 : i32, i32, i32
  }
  func.func @transform_2(%arg0: i32) -> (i32, i32, i32) {
    %c0_i32 = arith.constant 0 : i32
    %c0_i32_0 = arith.constant 0 : i32
    %c0_i32_1 = arith.constant 0 : i32
    %c0_i32_2 = arith.constant 0 : i32
    return %c0_i32, %c0_i32_0, %c0_i32_1 : i32, i32, i32
  }
  func.func @transform_3(%arg0: i32) -> (i32, i32, i32) {
    %c0_i32 = arith.constant 0 : i32
    %c0_i32_0 = arith.constant 0 : i32
    %c0_i32_1 = arith.constant 0 : i32
    %c0_i32_2 = arith.constant 0 : i32
    return %c0_i32, %c0_i32_0, %c0_i32_1 : i32, i32, i32
  }
  func.func @transform_4(%arg0: i32) -> (i32, i32, i32) {
    %c0_i32 = arith.constant 0 : i32
    %c0_i32_0 = arith.constant 0 : i32
    %c0_i32_1 = arith.constant 0 : i32
    %c0_i32_2 = arith.constant 0 : i32
    return %c0_i32, %c0_i32_0, %c0_i32_1 : i32, i32, i32
  }
  func.func @transform_5(%arg0: i32) -> (i32, i32) {
    %c0_i32 = arith.constant 0 : i32
    %c0_i32_0 = arith.constant 0 : i32
    return %arg0, %c0_i32 : i32, i32
  }
  func.func @transform_6(%arg0: i32) -> (i32, i32, i32) {
    %c0_i32 = arith.constant 0 : i32
    %c0_i32_0 = arith.constant 0 : i32
    %c0_i32_1 = arith.constant 0 : i32
    return %c0_i32, %arg0, %c0_i32_0 : i32, i32, i32
  }
}

module attributes {stable_mosaic.version = 14 : i64} {
  func.func @_post_body(%arg0: i32, %arg1: memref<2x1000x128xf32, #tpu.memory_space<vmem>>, %arg2: memref<1000x256xf32, #tpu.memory_space<vmem>>, %arg3: memref<1x1xf32, #tpu.memory_space<vmem>>, %arg4: memref<2x2x256x256xf32, #tpu.memory_space<vmem>>, %arg5: memref<2x2x1x256xf32, #tpu.memory_space<vmem>>, %arg6: memref<2x2x256x256xf32, #tpu.memory_space<vmem>>, %arg7: memref<2x2x1x256xf32, #tpu.memory_space<vmem>>, %arg8: memref<1000x256xf32, #tpu.memory_space<vmem>>) attributes {dimension_semantics = [#tpu.dimension_semantics<arbitrary>], iteration_bounds = array<i64: 10>, scalar_prefetch = 0 : i64, scratch_operands = 0 : i64, tpu.core_type = #tpu.core_type<tc>, window_params = [{transform_indices = @transform_0, window_bounds = array<i64: 2, 1000, 128>}, {transform_indices = @transform_1, window_bounds = array<i64: 1000, 256>}, {pipeline_mode = #tpu.pipeline_mode<synchronous>, transform_indices = @transform_2, window_bounds = array<i64: 1, 1>}, {pipeline_mode = #tpu.pipeline_mode<synchronous>, transform_indices = @transform_3, window_bounds = array<i64: 2, 2, 256, 256>}, {pipeline_mode = #tpu.pipeline_mode<synchronous>, transform_indices = @transform_4, window_bounds = array<i64: 2, 2, 1, 256>}, {pipeline_mode = #tpu.pipeline_mode<synchronous>, transform_indices = @transform_5, window_bounds = array<i64: 2, 2, 256, 256>}, {pipeline_mode = #tpu.pipeline_mode<synchronous>, transform_indices = @transform_6, window_bounds = array<i64: 2, 2, 1, 256>}, {transform_indices = @transform_7, window_bounds = array<i64: 1000, 256>}]} {
    %get3A = arith.constant 0 : index
    %get3A_0 = arith.constant 0 : index
    %get3A_1 = arith.constant 0 : index
    %get3A_2 = vector.load %arg1[%get3A, %get3A_0, %get3A_1] : memref<2x1000x128xf32, #tpu.memory_space<vmem>>, vector<1x1000x128xf32>
    %get3A_3 = vector.shape_cast %get3A_2 : vector<1x1000x128xf32> to vector<1000x128xf32>
    %get3A_4 = arith.constant 1 : index
    %get3A_5 = arith.constant 0 : index
    %get3A_6 = arith.constant 0 : index
    %get3A_7 = vector.load %arg1[%get3A_4, %get3A_5, %get3A_6] : memref<2x1000x128xf32, #tpu.memory_space<vmem>>, vector<1x1000x128xf32>
    %get3A_8 = vector.shape_cast %get3A_7 : vector<1x1000x128xf32> to vector<1000x128xf32>
    %concatenate3A = tpu.concatenate %get3A_3, %get3A_8 in 1 : vector<1000x128xf32>, vector<1000x128xf32> -> vector<1000x256xf32>
    %get3A_9 = arith.constant 0 : index
    %get3A_10 = arith.constant 0 : index
    %get3A_11 = vector.load %arg3[%get3A_9, %get3A_10] : memref<1x1xf32, #tpu.memory_space<vmem>>, vector<1x1xf32>
    %get3A_12 = vector.extract %get3A_11[0, 0] : f32 from vector<1x1xf32>
    %mul3A = vector.broadcast %get3A_12 : f32 to vector<1000x256xf32>
    %mul3A_13 = arith.mulf %concatenate3A, %mul3A : vector<1000x256xf32>
    %get3A_14 = arith.constant 0 : index
    %get3A_15 = arith.constant 0 : index
    %get3A_16 = arith.constant 0 : index
    %get3A_17 = arith.constant 0 : index
    %get3A_18 = vector.load %arg4[%get3A_14, %get3A_15, %get3A_16, %get3A_17] : memref<2x2x256x256xf32, #tpu.memory_space<vmem>>, vector<1x1x256x256xf32>
    %get3A_19 = vector.shape_cast %get3A_18 : vector<1x1x256x256xf32> to vector<256x256xf32>
    %get3A_20 = arith.constant 0 : index
    %get3A_21 = arith.constant 0 : index
    %get3A_22 = arith.constant 0 : index
    %get3A_23 = arith.constant 0 : index
    %get3A_24 = vector.load %arg5[%get3A_20, %get3A_21, %get3A_22, %get3A_23] : memref<2x2x1x256xf32, #tpu.memory_space<vmem>>, vector<1x1x1x256xf32>
    %get3A_25 = vector.shape_cast %get3A_24 : vector<1x1x1x256xf32> to vector<1x256xf32>
    %get3A_26 = arith.constant 0 : index
    %get3A_27 = arith.constant 1 : index
    %get3A_28 = arith.constant 0 : index
    %get3A_29 = arith.constant 0 : index
    %get3A_30 = vector.load %arg4[%get3A_26, %get3A_27, %get3A_28, %get3A_29] : memref<2x2x256x256xf32, #tpu.memory_space<vmem>>, vector<1x1x256x256xf32>
    %get3A_31 = vector.shape_cast %get3A_30 : vector<1x1x256x256xf32> to vector<256x256xf32>
    %get3A_32 = arith.constant 0 : index
    %get3A_33 = arith.constant 1 : index
    %get3A_34 = arith.constant 0 : index
    %get3A_35 = arith.constant 0 : index
    %get3A_36 = vector.load %arg5[%get3A_32, %get3A_33, %get3A_34, %get3A_35] : memref<2x2x1x256xf32, #tpu.memory_space<vmem>>, vector<1x1x1x256xf32>
    %get3A_37 = vector.shape_cast %get3A_36 : vector<1x1x1x256xf32> to vector<1x256xf32>
    %dot_general3A = arith.constant dense<0.000000e+00> : vector<1000x256xf32>
    %dot_general3A_38 = tpu.matmul %mul3A_13, %get3A_19, %dot_general3A {dimension_numbers = #tpu.dot_dimension_numbers<[1], [0], [0], [1], [0, 0, 1, 1], [], []>, transpose_lhs_hint = false} : vector<1000x256xf32>, vector<256x256xf32>, vector<1000x256xf32> -> vector<1000x256xf32>
    %add3A = vector.broadcast %get3A_25 : vector<1x256xf32> to vector<1000x256xf32>
    %add3A_39 = arith.addf %dot_general3A_38, %add3A : vector<1000x256xf32>
    %neg3A = arith.constant 0.000000e+00 : f32
    %neg3A_40 = vector.broadcast %neg3A : f32 to vector<1000x256xf32>
    %neg3A_41 = arith.subf %neg3A_40, %add3A_39 : vector<1000x256xf32>
    %exp3A = math.exp %neg3A_41 : vector<1000x256xf32>
    %add3A_42 = arith.constant 1.000000e+00 : f32
    %add3A_43 = vector.broadcast %add3A_42 : f32 to vector<1000x256xf32>
    %add3A_44 = arith.addf %add3A_43, %exp3A : vector<1000x256xf32>
    %div3A = arith.constant 1.000000e+00 : f32
    %div3A_45 = vector.broadcast %div3A : f32 to vector<1000x256xf32>
    %div3A_46 = arith.divf %div3A_45, %add3A_44 : vector<1000x256xf32>
    %mul3A_47 = arith.mulf %add3A_39, %div3A_46 : vector<1000x256xf32>
    %dot_general3A_48 = arith.constant dense<0.000000e+00> : vector<1000x256xf32>
    %dot_general3A_49 = tpu.matmul %mul3A_47, %get3A_31, %dot_general3A_48 {dimension_numbers = #tpu.dot_dimension_numbers<[1], [0], [0], [1], [0, 0, 1, 1], [], []>, transpose_lhs_hint = false} : vector<1000x256xf32>, vector<256x256xf32>, vector<1000x256xf32> -> vector<1000x256xf32>
    %add3A_50 = vector.broadcast %get3A_37 : vector<1x256xf32> to vector<1000x256xf32>
    %add3A_51 = arith.addf %dot_general3A_49, %add3A_50 : vector<1000x256xf32>
    %neg3A_52 = arith.constant 0.000000e+00 : f32
    %neg3A_53 = vector.broadcast %neg3A_52 : f32 to vector<1000x256xf32>
    %neg3A_54 = arith.subf %neg3A_53, %add3A_51 : vector<1000x256xf32>
    %exp3A_55 = math.exp %neg3A_54 : vector<1000x256xf32>
    %add3A_56 = arith.constant 1.000000e+00 : f32
    %add3A_57 = vector.broadcast %add3A_56 : f32 to vector<1000x256xf32>
    %add3A_58 = arith.addf %add3A_57, %exp3A_55 : vector<1000x256xf32>
    %div3A_59 = arith.constant 1.000000e+00 : f32
    %div3A_60 = vector.broadcast %div3A_59 : f32 to vector<1000x256xf32>
    %div3A_61 = arith.divf %div3A_60, %add3A_58 : vector<1000x256xf32>
    %mul3A_62 = arith.mulf %add3A_51, %div3A_61 : vector<1000x256xf32>
    %add3A_63 = arith.addf %mul3A_13, %mul3A_62 : vector<1000x256xf32>
    %get3A_64 = arith.constant 1 : index
    %get3A_65 = arith.constant 0 : index
    %get3A_66 = arith.constant 0 : index
    %get3A_67 = arith.constant 0 : index
    %get3A_68 = vector.load %arg4[%get3A_64, %get3A_65, %get3A_66, %get3A_67] : memref<2x2x256x256xf32, #tpu.memory_space<vmem>>, vector<1x1x256x256xf32>
    %get3A_69 = vector.shape_cast %get3A_68 : vector<1x1x256x256xf32> to vector<256x256xf32>
    %get3A_70 = arith.constant 1 : index
    %get3A_71 = arith.constant 0 : index
    %get3A_72 = arith.constant 0 : index
    %get3A_73 = arith.constant 0 : index
    %get3A_74 = vector.load %arg5[%get3A_70, %get3A_71, %get3A_72, %get3A_73] : memref<2x2x1x256xf32, #tpu.memory_space<vmem>>, vector<1x1x1x256xf32>
    %get3A_75 = vector.shape_cast %get3A_74 : vector<1x1x1x256xf32> to vector<1x256xf32>
    %get3A_76 = arith.constant 1 : index
    %get3A_77 = arith.constant 1 : index
    %get3A_78 = arith.constant 0 : index
    %get3A_79 = arith.constant 0 : index
    %get3A_80 = vector.load %arg4[%get3A_76, %get3A_77, %get3A_78, %get3A_79] : memref<2x2x256x256xf32, #tpu.memory_space<vmem>>, vector<1x1x256x256xf32>
    %get3A_81 = vector.shape_cast %get3A_80 : vector<1x1x256x256xf32> to vector<256x256xf32>
    %get3A_82 = arith.constant 1 : index
    %get3A_83 = arith.constant 1 : index
    %get3A_84 = arith.constant 0 : index
    %get3A_85 = arith.constant 0 : index
    %get3A_86 = vector.load %arg5[%get3A_82, %get3A_83, %get3A_84, %get3A_85] : memref<2x2x1x256xf32, #tpu.memory_space<vmem>>, vector<1x1x1x256xf32>
    %get3A_87 = vector.shape_cast %get3A_86 : vector<1x1x1x256xf32> to vector<1x256xf32>
    %dot_general3A_88 = arith.constant dense<0.000000e+00> : vector<1000x256xf32>
    %dot_general3A_89 = tpu.matmul %add3A_63, %get3A_69, %dot_general3A_88 {dimension_numbers = #tpu.dot_dimension_numbers<[1], [0], [0], [1], [0, 0, 1, 1], [], []>, transpose_lhs_hint = false} : vector<1000x256xf32>, vector<256x256xf32>, vector<1000x256xf32> -> vector<1000x256xf32>
    %add3A_90 = vector.broadcast %get3A_75 : vector<1x256xf32> to vector<1000x256xf32>
    %add3A_91 = arith.addf %dot_general3A_89, %add3A_90 : vector<1000x256xf32>
    %neg3A_92 = arith.constant 0.000000e+00 : f32
    %neg3A_93 = vector.broadcast %neg3A_92 : f32 to vector<1000x256xf32>
    %neg3A_94 = arith.subf %neg3A_93, %add3A_91 : vector<1000x256xf32>
    %exp3A_95 = math.exp %neg3A_94 : vector<1000x256xf32>
    %add3A_96 = arith.constant 1.000000e+00 : f32
    %add3A_97 = vector.broadcast %add3A_96 : f32 to vector<1000x256xf32>
    %add3A_98 = arith.addf %add3A_97, %exp3A_95 : vector<1000x256xf32>
    %div3A_99 = arith.constant 1.000000e+00 : f32
    %div3A_100 = vector.broadcast %div3A_99 : f32 to vector<1000x256xf32>
    %div3A_101 = arith.divf %div3A_100, %add3A_98 : vector<1000x256xf32>
    %mul3A_102 = arith.mulf %add3A_91, %div3A_101 : vector<1000x256xf32>
    %dot_general3A_103 = arith.constant dense<0.000000e+00> : vector<1000x256xf32>
    %dot_general3A_104 = tpu.matmul %mul3A_102, %get3A_81, %dot_general3A_103 {dimension_numbers = #tpu.dot_dimension_numbers<[1], [0], [0], [1], [0, 0, 1, 1], [], []>, transpose_lhs_hint = false} : vector<1000x256xf32>, vector<256x256xf32>, vector<1000x256xf32> -> vector<1000x256xf32>
    %add3A_105 = vector.broadcast %get3A_87 : vector<1x256xf32> to vector<1000x256xf32>
    %add3A_106 = arith.addf %dot_general3A_104, %add3A_105 : vector<1000x256xf32>
    %neg3A_107 = arith.constant 0.000000e+00 : f32
    %neg3A_108 = vector.broadcast %neg3A_107 : f32 to vector<1000x256xf32>
    %neg3A_109 = arith.subf %neg3A_108, %add3A_106 : vector<1000x256xf32>
    %exp3A_110 = math.exp %neg3A_109 : vector<1000x256xf32>
    %add3A_111 = arith.constant 1.000000e+00 : f32
    %add3A_112 = vector.broadcast %add3A_111 : f32 to vector<1000x256xf32>
    %add3A_113 = arith.addf %add3A_112, %exp3A_110 : vector<1000x256xf32>
    %div3A_114 = arith.constant 1.000000e+00 : f32
    %div3A_115 = vector.broadcast %div3A_114 : f32 to vector<1000x256xf32>
    %div3A_116 = arith.divf %div3A_115, %add3A_113 : vector<1000x256xf32>
    %mul3A_117 = arith.mulf %add3A_106, %div3A_116 : vector<1000x256xf32>
    %add3A_118 = arith.addf %add3A_63, %mul3A_117 : vector<1000x256xf32>
    %get3A_119 = arith.constant 0 : index
    %get3A_120 = arith.constant 0 : index
    %get3A_121 = vector.load %arg2[%get3A_119, %get3A_120] : memref<1000x256xf32, #tpu.memory_space<vmem>>, vector<1000x256xf32>
    %mul3A_122 = arith.mulf %add3A_118, %get3A_121 : vector<1000x256xf32>
    %get3A_123 = arith.constant 0 : index
    %get3A_124 = arith.constant 0 : index
    %get3A_125 = arith.constant 0 : index
    %get3A_126 = arith.constant 0 : index
    %get3A_127 = vector.load %arg6[%get3A_123, %get3A_124, %get3A_125, %get3A_126] : memref<2x2x256x256xf32, #tpu.memory_space<vmem>>, vector<1x1x256x256xf32>
    %get3A_128 = vector.shape_cast %get3A_127 : vector<1x1x256x256xf32> to vector<256x256xf32>
    %get3A_129 = arith.constant 0 : index
    %get3A_130 = arith.constant 0 : index
    %get3A_131 = arith.constant 0 : index
    %get3A_132 = arith.constant 0 : index
    %get3A_133 = vector.load %arg7[%get3A_129, %get3A_130, %get3A_131, %get3A_132] : memref<2x2x1x256xf32, #tpu.memory_space<vmem>>, vector<1x1x1x256xf32>
    %get3A_134 = vector.shape_cast %get3A_133 : vector<1x1x1x256xf32> to vector<1x256xf32>
    %get3A_135 = arith.constant 0 : index
    %get3A_136 = arith.constant 1 : index
    %get3A_137 = arith.constant 0 : index
    %get3A_138 = arith.constant 0 : index
    %get3A_139 = vector.load %arg6[%get3A_135, %get3A_136, %get3A_137, %get3A_138] : memref<2x2x256x256xf32, #tpu.memory_space<vmem>>, vector<1x1x256x256xf32>
    %get3A_140 = vector.shape_cast %get3A_139 : vector<1x1x256x256xf32> to vector<256x256xf32>
    %get3A_141 = arith.constant 0 : index
    %get3A_142 = arith.constant 1 : index
    %get3A_143 = arith.constant 0 : index
    %get3A_144 = arith.constant 0 : index
    %get3A_145 = vector.load %arg7[%get3A_141, %get3A_142, %get3A_143, %get3A_144] : memref<2x2x1x256xf32, #tpu.memory_space<vmem>>, vector<1x1x1x256xf32>
    %get3A_146 = vector.shape_cast %get3A_145 : vector<1x1x1x256xf32> to vector<1x256xf32>
    %dot_general3A_147 = arith.constant dense<0.000000e+00> : vector<1000x256xf32>
    %dot_general3A_148 = tpu.matmul %mul3A_122, %get3A_128, %dot_general3A_147 {dimension_numbers = #tpu.dot_dimension_numbers<[1], [0], [0], [1], [0, 0, 1, 1], [], []>, transpose_lhs_hint = false} : vector<1000x256xf32>, vector<256x256xf32>, vector<1000x256xf32> -> vector<1000x256xf32>
    %add3A_149 = vector.broadcast %get3A_134 : vector<1x256xf32> to vector<1000x256xf32>
    %add3A_150 = arith.addf %dot_general3A_148, %add3A_149 : vector<1000x256xf32>
    %neg3A_151 = arith.constant 0.000000e+00 : f32
    %neg3A_152 = vector.broadcast %neg3A_151 : f32 to vector<1000x256xf32>
    %neg3A_153 = arith.subf %neg3A_152, %add3A_150 : vector<1000x256xf32>
    %exp3A_154 = math.exp %neg3A_153 : vector<1000x256xf32>
    %add3A_155 = arith.constant 1.000000e+00 : f32
    %add3A_156 = vector.broadcast %add3A_155 : f32 to vector<1000x256xf32>
    %add3A_157 = arith.addf %add3A_156, %exp3A_154 : vector<1000x256xf32>
    %div3A_158 = arith.constant 1.000000e+00 : f32
    %div3A_159 = vector.broadcast %div3A_158 : f32 to vector<1000x256xf32>
    %div3A_160 = arith.divf %div3A_159, %add3A_157 : vector<1000x256xf32>
    %mul3A_161 = arith.mulf %add3A_150, %div3A_160 : vector<1000x256xf32>
    %dot_general3A_162 = arith.constant dense<0.000000e+00> : vector<1000x256xf32>
    %dot_general3A_163 = tpu.matmul %mul3A_161, %get3A_140, %dot_general3A_162 {dimension_numbers = #tpu.dot_dimension_numbers<[1], [0], [0], [1], [0, 0, 1, 1], [], []>, transpose_lhs_hint = false} : vector<1000x256xf32>, vector<256x256xf32>, vector<1000x256xf32> -> vector<1000x256xf32>
    %add3A_164 = vector.broadcast %get3A_146 : vector<1x256xf32> to vector<1000x256xf32>
    %add3A_165 = arith.addf %dot_general3A_163, %add3A_164 : vector<1000x256xf32>
    %neg3A_166 = arith.constant 0.000000e+00 : f32
    %neg3A_167 = vector.broadcast %neg3A_166 : f32 to vector<1000x256xf32>
    %neg3A_168 = arith.subf %neg3A_167, %add3A_165 : vector<1000x256xf32>
    %exp3A_169 = math.exp %neg3A_168 : vector<1000x256xf32>
    %add3A_170 = arith.constant 1.000000e+00 : f32
    %add3A_171 = vector.broadcast %add3A_170 : f32 to vector<1000x256xf32>
    %add3A_172 = arith.addf %add3A_171, %exp3A_169 : vector<1000x256xf32>
    %div3A_173 = arith.constant 1.000000e+00 : f32
    %div3A_174 = vector.broadcast %div3A_173 : f32 to vector<1000x256xf32>
    %div3A_175 = arith.divf %div3A_174, %add3A_172 : vector<1000x256xf32>
    %mul3A_176 = arith.mulf %add3A_165, %div3A_175 : vector<1000x256xf32>
    %add3A_177 = arith.addf %mul3A_122, %mul3A_176 : vector<1000x256xf32>
    %get3A_178 = arith.constant 1 : index
    %get3A_179 = arith.constant 0 : index
    %get3A_180 = arith.constant 0 : index
    %get3A_181 = arith.constant 0 : index
    %get3A_182 = vector.load %arg6[%get3A_178, %get3A_179, %get3A_180, %get3A_181] : memref<2x2x256x256xf32, #tpu.memory_space<vmem>>, vector<1x1x256x256xf32>
    %get3A_183 = vector.shape_cast %get3A_182 : vector<1x1x256x256xf32> to vector<256x256xf32>
    %get3A_184 = arith.constant 1 : index
    %get3A_185 = arith.constant 0 : index
    %get3A_186 = arith.constant 0 : index
    %get3A_187 = arith.constant 0 : index
    %get3A_188 = vector.load %arg7[%get3A_184, %get3A_185, %get3A_186, %get3A_187] : memref<2x2x1x256xf32, #tpu.memory_space<vmem>>, vector<1x1x1x256xf32>
    %get3A_189 = vector.shape_cast %get3A_188 : vector<1x1x1x256xf32> to vector<1x256xf32>
    %get3A_190 = arith.constant 1 : index
    %get3A_191 = arith.constant 1 : index
    %get3A_192 = arith.constant 0 : index
    %get3A_193 = arith.constant 0 : index
    %get3A_194 = vector.load %arg6[%get3A_190, %get3A_191, %get3A_192, %get3A_193] : memref<2x2x256x256xf32, #tpu.memory_space<vmem>>, vector<1x1x256x256xf32>
    %get3A_195 = vector.shape_cast %get3A_194 : vector<1x1x256x256xf32> to vector<256x256xf32>
    %get3A_196 = arith.constant 1 : index
    %get3A_197 = arith.constant 1 : index
    %get3A_198 = arith.constant 0 : index
    %get3A_199 = arith.constant 0 : index
    %get3A_200 = vector.load %arg7[%get3A_196, %get3A_197, %get3A_198, %get3A_199] : memref<2x2x1x256xf32, #tpu.memory_space<vmem>>, vector<1x1x1x256xf32>
    %get3A_201 = vector.shape_cast %get3A_200 : vector<1x1x1x256xf32> to vector<1x256xf32>
    %dot_general3A_202 = arith.constant dense<0.000000e+00> : vector<1000x256xf32>
    %dot_general3A_203 = tpu.matmul %add3A_177, %get3A_183, %dot_general3A_202 {dimension_numbers = #tpu.dot_dimension_numbers<[1], [0], [0], [1], [0, 0, 1, 1], [], []>, transpose_lhs_hint = false} : vector<1000x256xf32>, vector<256x256xf32>, vector<1000x256xf32> -> vector<1000x256xf32>
    %add3A_204 = vector.broadcast %get3A_189 : vector<1x256xf32> to vector<1000x256xf32>
    %add3A_205 = arith.addf %dot_general3A_203, %add3A_204 : vector<1000x256xf32>
    %neg3A_206 = arith.constant 0.000000e+00 : f32
    %neg3A_207 = vector.broadcast %neg3A_206 : f32 to vector<1000x256xf32>
    %neg3A_208 = arith.subf %neg3A_207, %add3A_205 : vector<1000x256xf32>
    %exp3A_209 = math.exp %neg3A_208 : vector<1000x256xf32>
    %add3A_210 = arith.constant 1.000000e+00 : f32
    %add3A_211 = vector.broadcast %add3A_210 : f32 to vector<1000x256xf32>
    %add3A_212 = arith.addf %add3A_211, %exp3A_209 : vector<1000x256xf32>
    %div3A_213 = arith.constant 1.000000e+00 : f32
    %div3A_214 = vector.broadcast %div3A_213 : f32 to vector<1000x256xf32>
    %div3A_215 = arith.divf %div3A_214, %add3A_212 : vector<1000x256xf32>
    %mul3A_216 = arith.mulf %add3A_205, %div3A_215 : vector<1000x256xf32>
    %dot_general3A_217 = arith.constant dense<0.000000e+00> : vector<1000x256xf32>
    %dot_general3A_218 = tpu.matmul %mul3A_216, %get3A_195, %dot_general3A_217 {dimension_numbers = #tpu.dot_dimension_numbers<[1], [0], [0], [1], [0, 0, 1, 1], [], []>, transpose_lhs_hint = false} : vector<1000x256xf32>, vector<256x256xf32>, vector<1000x256xf32> -> vector<1000x256xf32>
    %add3A_219 = vector.broadcast %get3A_201 : vector<1x256xf32> to vector<1000x256xf32>
    %add3A_220 = arith.addf %dot_general3A_218, %add3A_219 : vector<1000x256xf32>
    %neg3A_221 = arith.constant 0.000000e+00 : f32
    %neg3A_222 = vector.broadcast %neg3A_221 : f32 to vector<1000x256xf32>
    %neg3A_223 = arith.subf %neg3A_222, %add3A_220 : vector<1000x256xf32>
    %exp3A_224 = math.exp %neg3A_223 : vector<1000x256xf32>
    %add3A_225 = arith.constant 1.000000e+00 : f32
    %add3A_226 = vector.broadcast %add3A_225 : f32 to vector<1000x256xf32>
    %add3A_227 = arith.addf %add3A_226, %exp3A_224 : vector<1000x256xf32>
    %div3A_228 = arith.constant 1.000000e+00 : f32
    %div3A_229 = vector.broadcast %div3A_228 : f32 to vector<1000x256xf32>
    %div3A_230 = arith.divf %div3A_229, %add3A_227 : vector<1000x256xf32>
    %mul3A_231 = arith.mulf %add3A_220, %div3A_230 : vector<1000x256xf32>
    %add3A_232 = arith.addf %add3A_177, %mul3A_231 : vector<1000x256xf32>
    %swap3A = arith.constant 0 : index
    %swap3A_233 = arith.constant 0 : index
    %swap3A_234 = vector.load %arg8[%swap3A, %swap3A_233] : memref<1000x256xf32, #tpu.memory_space<vmem>>, vector<1000x256xf32>
    tpu.vector_store %arg8[%swap3A, %swap3A_233], %add3A_232 {strides = array<i32>} : memref<1000x256xf32, #tpu.memory_space<vmem>>, vector<1000x256xf32>,
    return
  }
  func.func @transform_0(%arg0: i32) -> (i32, i32, i32) {
    %c0_i32 = arith.constant 0 : i32
    %c0_i32_0 = arith.constant 0 : i32
    %c0_i32_1 = arith.constant 0 : i32
    return %c0_i32, %arg0, %c0_i32_0 : i32, i32, i32
  }
  func.func @transform_1(%arg0: i32) -> (i32, i32) {
    %c0_i32 = arith.constant 0 : i32
    %c0_i32_0 = arith.constant 0 : i32
    return %arg0, %c0_i32 : i32, i32
  }
  func.func @transform_2(%arg0: i32) -> (i32, i32) {
    %c0_i32 = arith.constant 0 : i32
    %c0_i32_0 = arith.constant 0 : i32
    %c0_i32_1 = arith.constant 0 : i32
    return %c0_i32, %c0_i32_0 : i32, i32
  }
  func.func @transform_3(%arg0: i32) -> (i32, i32, i32, i32) {
    %c0_i32 = arith.constant 0 : i32
    %c0_i32_0 = arith.constant 0 : i32
    %c0_i32_1 = arith.constant 0 : i32
    %c0_i32_2 = arith.constant 0 : i32
    %c0_i32_3 = arith.constant 0 : i32
    return %c0_i32, %c0_i32_0, %c0_i32_1, %c0_i32_2 : i32, i32, i32, i32
  }
  func.func @transform_4(%arg0: i32) -> (i32, i32, i32, i32) {
    %c0_i32 = arith.constant 0 : i32
    %c0_i32_0 = arith.constant 0 : i32
    %c0_i32_1 = arith.constant 0 : i32
    %c0_i32_2 = arith.constant 0 : i32
    %c0_i32_3 = arith.constant 0 : i32
    return %c0_i32, %c0_i32_0, %c0_i32_1, %c0_i32_2 : i32, i32, i32, i32
  }
  func.func @transform_5(%arg0: i32) -> (i32, i32, i32, i32) {
    %c0_i32 = arith.constant 0 : i32
    %c0_i32_0 = arith.constant 0 : i32
    %c0_i32_1 = arith.constant 0 : i32
    %c0_i32_2 = arith.constant 0 : i32
    %c0_i32_3 = arith.constant 0 : i32
    return %c0_i32, %c0_i32_0, %c0_i32_1, %c0_i32_2 : i32, i32, i32, i32
  }
  func.func @transform_6(%arg0: i32) -> (i32, i32, i32, i32) {
    %c0_i32 = arith.constant 0 : i32
    %c0_i32_0 = arith.constant 0 : i32
    %c0_i32_1 = arith.constant 0 : i32
    %c0_i32_2 = arith.constant 0 : i32
    %c0_i32_3 = arith.constant 0 : i32
    return %c0_i32, %c0_i32_0, %c0_i32_1, %c0_i32_2 : i32, i32, i32, i32
  }
  func.func @transform_7(%arg0: i32) -> (i32, i32) {
    %c0_i32 = arith.constant 0 : i32
    %c0_i32_0 = arith.constant 0 : i32
    return %arg0, %c0_i32 : i32, i32
  }
}

</mosaic_0001>

<sc_bundles>
// kernel: kernel.6.cloned.1.call-start
scs
__scs_entry_jumppad:
0x0: {  	(pc) =	sbr.rel $0x88, $3  }
0x1: {  	(tag) =	ssettag $0x0;
	lr =	simm.s32 $0x1  }
0x2: {  	[smem:$0x3F95] =	sst lr;
	_ =	strace $0xD0000000  }
0x3: {  	_ = 	snop  }
0x4: {  	_ = 	snop  }
0x5: {  	_ = 	snop  }
0x6: {  	_ = 	snop  }
0x7: {  	_ = 	snop  }
__scs_overlays_trampoline_lowered:
0x8: {  	[smem:$0x3FA4] =	sst s0  }
0x9: {  	[smem:$0x3FA5] =	sst s1  }
0xa: {  	[smem:$0x3FA6] =	sst s2  }
0xb: {  	[smem:$0x3FA7] =	sst s3  }
0xc: {  	[smem:$0x3FA8] =	sst s4  }
0xd: {  	[smem:$0x3FA9] =	sst s5  }
0xe: {  	[smem:$0x3FAA] =	sst s6  }
0xf: {  	[smem:$0x3FAB] =	sst s7  }
0x10: {  	[smem:$0x3FAC] =	sst s8  }
0x11: {  	[smem:$0x3FAD] =	sst s9;
	s0 =	simm.s32 @!p0 $0x0  }
0x12: {  	s1 =	sld [smem:$0x3F93];
	s0 =	simm.s32 @p0 $0x1  }
0x13: {  	[smem:$0x3FAE] =	sst s0;
	s0 =	simm.s32 @!p1 $0x0  }
0x14: {  	s2 =	sld [smem:$0x3F92];
	s0 =	simm.s32 @p1 $0x1  }
0x15: {  	[smem:$0x3FAF] =	sst s0;
	s0 =	simm.s32 @!p2 $0x0  }
0x16: {  	s3 =	sld [smem:$0x3FDB];
	s0 =	simm.s32 @p2 $0x1  }
0x17: {  	s4 =	simm.s32 $0x1BF5;
	[smem:$0x3FB1] =	sst s0  }
0x18: {  	s0 =	sld [smem:$0x3F94];
	_ =	swait.ge [sflag:s4], $0x0  }
0x19: {  	s7 =	sld [smem:$0x3F95]  }
0x1a: {  	s8 =	sadd.s32 $0xFFFFE003, lr  }
0x1b: {  	s9 =	sadd.s32 $0xFFFFFEF7, lr;
	s5 =	simm.s32 $0xFFFFFFFF;
	p2 =	slt.u32 s8, $0xFFFFF086  }
0x1c: {  	p1 =	slt.u32 s9, $0xF7A;
	s5 =	simm.s32 @!p2 $0x0  }
0x1d: {  	s5 =	simm.s32 @p1 $0x1;
	p0 =	seq.s32 s7, s2  }
0x1e: {  	s7 =	smul.u32 @!p0 $0xF7A, s2;
	p2 =	seq.s32 @!p0 s5, $0x0  }
0x1f: {  	s9 =	smul.u32 $0xF7A, s1;
	s8 =	simm.s32 @!p0 $0x1BF5;
	p2 =	por !p2, p0  }
0x20: {  	[sflag:s8] =	ssyncset.s32 @!p0 $0xFFFFF086;
	s6 =	sadd.s32 @!p0 s3, s7;
	s7 =	simm.s32 @!p0 $0x108  }
0x21: {  	s3 =	sadd.s32 s3, s9;
	s6 =	sadd.s32 @!p0 $0x88, s6;
	s7 =	simm.s32 @p2 $0x1082  }
0x22: {  	[simem:s7], [sflag:s8] =	dma.local @!p0 [hbm:s6], $0xF7A  }
0x23: {  	s9 =	sor.u32 $0xD0000000, s2;
	s6 =	simm.s32 $0x108;
	_ =	swait.ge @!p0 [sflag:s8], $0x0  }
0x24: {  	s3 =	sadd.s32 $0x88, s3;
	s6 =	simm.s32 @!p1 $0x1082;
	[sflag:s4] =	ssyncset.s32 $0xFFFFF086  }
0x25: {  	[simem:s6], [sflag:s4] =	dma.local [hbm:s3], $0xF7A  }
0x26: {  	[smem:$0x3F95] =	sst s1;
	(tag) =	ssettag s2;
	_ =	strace s9  }
0x27: {  	s1 =	sld [smem:$0x3FA5]  }
0x28: {  	s2 =	sld [smem:$0x3FA6]  }
0x29: {  	s4 =	sld [smem:$0x3FA8]  }
0x2a: {  	p0 =	seq.s32 s5, $0x0;
	s5 =	sld [smem:$0x3FA9]  }
0x2b: {  	s6 =	sld [smem:$0x3FAA]  }
0x2c: {  	s7 =	sld [smem:$0x3FAB]  }
0x2d: {  	s3 =	simm.s32 $0x108;
	s8 =	sld [smem:$0x3FAC]  }
0x2e: {  	s3 =	simm.s32 @!p0 $0x1082;
	s9 =	sld [smem:$0x3FAD]  }
0x2f: {  	lr =	sadd.s32 s0, s3;
	s0 =	sld [smem:$0x3FA4]  }
0x30: {  	s3 =	sld [smem:$0x3FA7]  }
0x31: {  	[smem:$0x3FB0] =	sst s10  }
0x32: {  	s10 =	sld [smem:$0x3FAE];
	_ =	sdelay $0x3  }
0x33: {  	p0 =	seq.s32 s10, $0x1;
	s10 =	sld [smem:$0x3FB0];
	_ =	sdelay $0x3  }
0x34: {  	[smem:$0x3FB0] =	sst s10  }
0x35: {  	s10 =	sld [smem:$0x3FAF];
	_ =	sdelay $0x3  }
0x36: {  	p1 =	seq.s32 s10, $0x1;
	s10 =	sld [smem:$0x3FB0];
	_ =	sdelay $0x3  }
0x37: {  	[smem:$0x3FB0] =	sst s10  }
0x38: {  	s10 =	sld [smem:$0x3FB1]  }
0x39: {  	_ = 	snop;
	(pc) =	sbr.ind lr, $3  }
0x3a: {  	_ = 	snop  }
0x3b: {  	_ = 	snop  }
0x3c: {  	p2 =	seq.s32 s10, $0x1;
	s10 =	sld [smem:$0x3FB0]  }
0x3d: {  	_ =	shalt  }
0x3e: {  	_ =	shalt  }
0x3f: {  	_ =	shalt  }
0x40: {  	_ =	shalt  }
0x41: {  	_ =	shalt  }
0x42: {  	_ =	shalt  }
0x43: {  	_ =	shalt  }
0x44: {  	_ =	shalt  }
0x45: {  	_ =	shalt  }
0x46: {  	_ =	shalt  }
0x47: {  	_ =	shalt  }
0x48: {  	_ =	shalt  }
0x49: {  	_ =	shalt  }
0x4a: {  	_ =	shalt  }
0x4b: {  	_ =	shalt  }
0x4c: {  	_ =	shalt  }
0x4d: {  	_ =	shalt  }
0x4e: {  	_ =	shalt  }
0x4f: {  	_ =	shalt  }
0x50: {  	_ =	shalt  }
0x51: {  	_ =	shalt  }
0x52: {  	_ =	shalt  }
0x53: {  	_ =	shalt  }
0x54: {  	_ =	shalt  }
0x55: {  	_ =	shalt  }
0x56: {  	_ =	shalt  }
0x57: {  	_ =	shalt  }
0x58: {  	_ =	shalt  }
0x59: {  	_ =	shalt  }
0x5a: {  	_ =	shalt  }
0x5b: {  	_ =	shalt  }
0x5c: {  	_ =	shalt  }
0x5d: {  	_ =	shalt  }
0x5e: {  	_ =	shalt  }
0x5f: {  	_ =	shalt  }
0x60: {  	_ =	shalt  }
0x61: {  	_ =	shalt  }
0x62: {  	_ =	shalt  }
0x63: {  	_ =	shalt  }
0x64: {  	_ =	shalt  }
0x65: {  	_ =	shalt  }
0x66: {  	_ =	shalt  }
0x67: {  	_ =	shalt  }
0x68: {  	_ =	shalt  }
0x69: {  	_ =	shalt  }
0x6a: {  	_ =	shalt  }
0x6b: {  	_ =	shalt  }
0x6c: {  	_ =	shalt  }
0x6d: {  	_ =	shalt  }
0x6e: {  	_ =	shalt  }
0x6f: {  	_ =	shalt  }
0x70: {  	_ =	shalt  }
0x71: {  	_ =	shalt  }
0x72: {  	_ =	shalt  }
0x73: {  	_ =	shalt  }
0x74: {  	_ =	shalt  }
0x75: {  	_ =	shalt  }
0x76: {  	_ =	shalt  }
0x77: {  	_ =	shalt  }
0x78: {  	_ =	shalt  }
0x79: {  	_ =	shalt  }
0x7a: {  	_ =	shalt  }
0x7b: {  	_ =	shalt  }
0x7c: {  	_ =	shalt  }
0x7d: {  	_ =	shalt  }
0x7e: {  	_ =	shalt  }
0x7f: {  	_ =	shalt  }
0x80: {  	_ =	shalt  }
0x81: {  	_ =	shalt  }
0x82: {  	_ =	shalt  }
0x83: {  	_ =	shalt  }
0x84: {  	_ =	shalt  }
0x85: {  	_ =	shalt  }
0x86: {  	_ =	shalt  }
0x87: {  	_ =	shalt  }
.Lfunc_end0:
.L_simem_size_0:
called_computation_lowered:
.L_overlay_start_0:
0x88: {  	s2 =	sld [smem:$0x3FD9]  }
0x89: {  	s3 =	sld [smem:$0x3FFE];
	_ =	sdelay $0x1  }
0x8a: {  	s1 =	srdreg.scid  }
0x8b: {  	s0 =	sand.u32 $0x1, s1  }
0x8c: {  	s17 =	sshll.u32 s0, $0xA;
	s2 =	sadd.s32 s3, s2  }
0x8d: {  	s2 =	sadd.s32 s2, s17  }
0x8e: {  	[smem:$0x3FBC] =	sst s2  }
0x8f: {  	_ = 	snop  }
0x90: {  	s2 =	sld [smem:$0x3FD0];
	(tm) =	ssettm $0x1  }
0x91: {  	s18 =	sld [smem:$0x3FFB];
	_ =	sdelay $0x3  }
0x92: {  	_ =	strace s18  }
0x93: {  	s3 =	sld [smem:$0x3FFC];
	_ =	sdelay $0x3  }
0x94: {  	_ =	strace s3  }
0x95: {  	s3 =	sld [smem:$0x3FFD];
	_ =	sdelay $0x3  }
0x96: {  	_ =	strace s3  }
0x97: {  	_ =	strace $0x8FFFFFFF  }
0x98: {  	s19 =	sld [smem:$0x3FDB];
	_ =	sdelay $0x1  }
0x99: {  	s4 =	simm.s32 $_scs_section_size  }
0x9a: {  	s5 =	simm.s32 $_size__tile_overlayer_lowered;
	s6 =	simm.s32 $_tile_overlayer_lowered  }
0x9b: {  	s22 =	simm.s32 $0x1BFF;
	s21 =	sshll.u32 s6, $0x1;
	s3 =	sadd.s32 s4, s19  }
0x9c: {  	s7 =	simm.s32 $0x0;
	s20 =	sshll.u32 s5, $0x1;
	s5 =	sadd.s32 s21, s3  }
0x9d: {  	[timem:s7], [sflag:s22] =	dma.local [hbm:s5], s20  }
0x9e: {  	_ =	swait.ge [sflag:s22], s20  }
0x9f: {  	s4 =	ssub.s32 $0x0, s20;
	[sflag:s22] =	ssyncset.done $0x0  }
0xa0: {  	[sflag:s22] =	ssyncadd.s32 s4;
	_ =	sdelay $0x1  }
0xa1: {  	s23 =	simm.s32 $0x1B8B  }
0xa2: {  	_ =	swait.ge [sflag:s23], $0x1  }
0xa3: {  	[sflag:s23] =	ssyncset.done $0x0  }
0xa4: {  	s25 =	simm.s32 $0x1B8E;
	s24 =	sld [smem:$0x3FFE];
	[sflag:s23] =	ssyncadd.s32 $0xFFFFFFFF  }
0xa5: {  	s26 =	simm.s32 $execute0_lowered;
	[smem:$0x3FD2] =	sst s25  }
0xa6: {  	s5 =	sshll.u32 s26, $0x1;
	_ =	strace $0x80000046;
	[dreg:$0x1] =	wrdreg $0xFFFFFFFF  }
0xa7: {  	s28 =	simm.s32 $_size_execute0_lowered;
	s3 =	sadd.s32 s3, s5;
	[dreg:$0x0] =	wrdreg $0x0  }
0xa8: {  	s5 =	sshll.u32 s28, $0x1;
	[dreg:$0x2] =	wrdreg s3  }
0xa9: {  	[dreg:$0x3] =	wrdreg s5  }
0xaa: {  	[dreg:$0x4] =	wrdreg $0xC0  }
0xab: {  	_ =	task [dreg:s7], $0x5FFFF  }
0xac: {  	[dreg:$0x1] =	wrdreg $0xFFFFFFFF  }
0xad: {  	[dreg:$0x0] =	wrdreg $0x60  }
0xae: {  	[dreg:$0x2] =	wrdreg s2  }
0xaf: {  	[dreg:$0x3] =	wrdreg s24  }
0xb0: {  	[dreg:$0x4] =	wrdreg $0x141800  }
0xb1: {  	[dreg:$0x5] =	wrdreg $0x9  }
0xb2: {  	_ =	task.clear_ibuf [dreg:s7], $0x6FFFF;
	_ =	strace $0x90000046  }
0xb3: {  	s29 =	simm.s32 $0x9;
	_ =	strace $0x80000048  }
0xb4: {  	_ =	swait.ge [sflag:s29], $0x1  }
0xb5: {  	[sflag:s29] =	ssyncadd.s32 $0xFFFFFFFF  }
0xb6: {  	_ =	strace $0x90000048  }
0xb7: {  	_ =	sfence  }
0xb8: {  	s30 =	sld [smem:$0x0];
	_ =	sdelay $0x2  }
0xb9: {  	s31 =	sshll.u32 s1, $0xD;
	s1 =	sshrl.u32 s1, $0x2  }
0xba: {  	s3 =	sand.u32 $0x4000, s31;
	s1 =	sadd.s32 s1, s30  }
0xbb: {  	s0 =	sor.u32 s3, s0;
	s1 =	sshll.u32 s1, $0x11  }
0xbc: {  	s0 =	sor.u32 s1, s0  }
0xbd: {  	s0 =	sadd.s32 $0x8F2B, s0  }
0xbe: {  	[sflag:s0] =	ssyncadd.remote.s32 $0x1  }
0xbf: {  	_ =	sfence.sel $0xFFFF  }
0xc0: {  	[dreg:$0x0] =	wrdreg $0xFFFFFFFF;
	(pc) =	sbr.abs _section_cstart, $3  }
0xc1: {  	[dreg:$0x1] =	wrdreg $0xFFFFFFFF  }
0xc2: {  	_ =	task.clear_ibuf [dreg:s7], $0x2FFFF;
	_ =	strace $0x9FFFFFFF  }
0xc3: {  	(tm) =	ssettm $0x7FFFFFFF  }
tec
execute0_lowered:
.L_overlay_start_1:
0x0: {  	(tag) =	ssettag $0x1  }
0x1: {  	s1 =	rddreg [dreg:$0x0]  }
0x2: {  	s0 =	rddreg [dreg:$0x1]  }
0x3: {  	s2 =	srdreg.scid;
	s28 =	stileid.u32  }
0x4: {  	s3 =	rddreg [dreg:$0x2];
	s4 =	simm.s32 $0x0;
	s11 =	smul.u32 $0x280, s28  }
0x5: {  	s14 =	sand.u32 $0x1, s2;
	s5 =	smul.u32 $0x14000, s28;
	[smem:$0x7FF] =	sst s4  }
0x6: {  	s31 =	sadd.s32 $0x62E00, s0;
	s15 =	smul.u32 $0x140000, s14;
	s2 =	ssub.s32 $0x2, s14  }
0x7: {  	_ =	strace $0x80000047;
	s14 =	smul.u32 $0x28000, s14;
	s6 =	sshrl.u32 s2, $0x1  }
0x8: {  	s7 =	sadd.s32 $0x80, s11;
	s10 =	sadd.s32 $0x140, s11;
	s2 =	ssub.s32 s2, s6  }
0x9: {  	s16 =	sadd.s32 s15, s5;
	s6 =	sor.u32 $0x40, s11;
	s5 =	sadd.s32 $0xC0, s11  }
0xa: {  	s25 =	sshll.u32 s7, $0x7;
	s26 =	sshll.u32 s10, $0x7;
	s8 =	sshll.u32 s6, $0x7  }
0xb: {  	s9 =	sshll.u32 s5, $0x7;
	s18 =	sadd.s32 s15, s25;
	s21 =	sadd.s32 s15, s26  }
0xc: {  	s16 =	sshrl.u32 s16, $0x3;
	s26 =	sadd.s32 $0x62E08, s0;
	s5 =	sshll.u32 s5, $0x6  }
0xd: {  	s17 =	sadd.s32 s15, s8;
	s19 =	sadd.s32 s15, s9;
	s9 =	sadd.s32 $0x100, s11  }
0xe: {  	s8 =	sadd.s32 $0x180, s11;
	s18 =	sshrl.u32 s18, $0x3;
	s21 =	sshrl.u32 s21, $0x3  }
0xf: {  	s29 =	sadd.s32 s31, s16;
	s16 =	sadd.s32 s16, s26;
	s12 =	sshll.u32 s9, $0x7  }
0x10: {  	s13 =	sshll.u32 s8, $0x7;
	s17 =	sshrl.u32 s17, $0x3;
	[dreg:$0x4] =	wrdreg s29  }
0x11: {  	s19 =	sshrl.u32 s19, $0x3;
	[dreg:$0xe] =	wrdreg s16;
	s20 =	sadd.s32 s15, s12  }
0x12: {  	s22 =	sadd.s32 s15, s13;
	s12 =	sadd.s32 $0x1C0, s11;
	s13 =	sadd.s32 $0x200, s11  }
0x13: {  	s11 =	sadd.s32 $0x240, s11;
	s29 =	sadd.s32 s31, s17;
	s17 =	sadd.s32 s17, s26  }
0x14: {  	s23 =	sshll.u32 s12, $0x7;
	s24 =	sshll.u32 s13, $0x7;
	[dreg:$0x5] =	wrdreg s29  }
0x15: {  	s25 =	sshll.u32 s11, $0x7;
	s29 =	sadd.s32 s31, s18;
	[dreg:$0xf] =	wrdreg s17  }
0x16: {  	s20 =	sshrl.u32 s20, $0x3;
	s18 =	sadd.s32 s18, s26;
	[dreg:$0x6] =	wrdreg s29  }
0x17: {  	s22 =	sshrl.u32 s22, $0x3;
	s29 =	sadd.s32 s31, s19;
	[dreg:$0x10] =	wrdreg s18  }
0x18: {  	s23 =	sadd.s32 s15, s23;
	s19 =	sadd.s32 s19, s26;
	[dreg:$0x7] =	wrdreg s29  }
0x19: {  	s24 =	sadd.s32 s15, s24;
	s29 =	sadd.s32 s31, s20;
	[dreg:$0x11] =	wrdreg s19  }
0x1a: {  	s15 =	sadd.s32 s15, s25;
	s20 =	sadd.s32 s20, s26;
	[dreg:$0x8] =	wrdreg s29  }
0x1b: {  	s15 =	sshrl.u32 s15, $0x3;
	s29 =	sadd.s32 s31, s21;
	[dreg:$0x12] =	wrdreg s20  }
0x1c: {  	s12 =	sshll.u32 s12, $0x6;
	s25 =	sadd.s32 s31, s15;
	[dreg:$0x9] =	wrdreg s29  }
0x1d: {  	s24 =	sshrl.u32 s24, $0x3;
	s21 =	sadd.s32 s21, s26;
	[dreg:$0xd] =	wrdreg s25  }
0x1e: {  	s13 =	sshll.u32 s13, $0x6;
	s17 =	sadd.s32 s24, s26;
	[dreg:$0x13] =	wrdreg s21  }
0x1f: {  	s18 =	smul.u32 $0x28000, s28;
	s15 =	sadd.s32 s15, s26;
	[dreg:$0x16] =	wrdreg s17  }
0x20: {  	s23 =	sshrl.u32 s23, $0x3;
	s29 =	sadd.s32 s31, s22;
	[dreg:$0x17] =	wrdreg s15  }
0x21: {  	s19 =	sshrl.u32 s18, $0x2;
	s25 =	sadd.s32 s22, s26;
	[dreg:$0xa] =	wrdreg s29  }
0x22: {  	s16 =	sadd.s32 s19, s3;
	s15 =	sshll.u32 s11, $0x6;
	[dreg:$0x14] =	wrdreg s25  }
0x23: {  	s11 =	simm.s32 $0x1;
	s29 =	sadd.s32 s31, s23;
	[dreg:$0x18] =	wrdreg s16  }
0x24: {  	s25 =	sshll.u32 s6, $0x6;
	s17 =	sadd.s32 $0x1000, s16;
	[dreg:$0xb] =	wrdreg s29  }
0x25: {  	s6 =	sshll.u32 s9, $0x6;
	s18 =	sadd.s32 $0x2000, s16;
	[smem:$0x7F5] =	sst s17  }
0x26: {  	s19 =	sadd.s32 $0x3000, s16;
	s29 =	sadd.s32 s31, s24;
	[smem:$0x7F6] =	sst s18  }
0x27: {  	s31 =	sadd.s32 s23, s26;
	s24 =	smul.u32 $0x2800, s28;
	[smem:$0x7F7] =	sst s19  }
0x28: {  	s26 =	sadd.s32 $0x9E7C00, s0;
	s28 =	sadd.s32 $0x5C00, s0;
	[dreg:$0xc] =	wrdreg s29  }
0x29: {  	s23 =	smax.u32 s2, $0x1;
	s17 =	simm.s32 $0x0;
	[dreg:$0x15] =	wrdreg s31  }
0x2a: {  	s29 =	sadd.s32 $0xFC00, s0;
	[dreg:$0x1b] =	wrdreg s23;
	s0 =	sadd.s32 s25, s3  }
0x2b: {  	s31 =	sshll.u32 s7, $0x6;
	s23 =	sadd.s32 $0x7000, s16;
	[dreg:$0x1c] =	wrdreg s0  }
0x2c: {  	s7 =	sshll.u32 s10, $0x6;
	s25 =	sadd.s32 $0x8000, s16;
	[smem:$0x7FB] =	sst s23  }
0x2d: {  	s10 =	sshll.u32 s8, $0x6;
	s2 =	sadd.s32 s31, s3;
	[smem:$0x7FC] =	sst s25  }
0x2e: {  	s8 =	simm.s32 $0xC180;
	s0 =	sadd.s32 s5, s3;
	[dreg:$0x1d] =	wrdreg s2  }
0x2f: {  	s30 =	sadd.s32 s24, s14;
	s9 =	sadd.s32 s7, s3;
	[dreg:$0x1e] =	wrdreg s0  }
0x30: {  	s31 =	sadd.s32 $0x9000, s16;
	s7 =	simm.s32 $0x180;
	[smem:$0x7F0] =	sst s9  }
0x31: {  	s14 =	sshrl.u32 s30, $0x3;
	s0 =	sadd.s32 s6, s3;
	[smem:$0x7FD] =	sst s31  }
0x32: {  	s20 =	sshll.u32 s30, $0x4;
	s21 =	sadd.s32 s28, s14;
	[dreg:$0x1f] =	wrdreg s0  }
0x33: {  	s2 =	simm.s32 $0x5;
	s22 =	sadd.s32 s26, s20;
	[dreg:$0x19] =	wrdreg s21  }
0x34: {  	s6 =	simm.s32 $0x80;
	s0 =	sadd.s32 s10, s3;
	[dreg:$0x1a] =	wrdreg s22  }
0x35: {  	s9 =	simm.s32 $0x4180;
	s14 =	sadd.s32 s13, s3;
	[smem:$0x7F1] =	sst s0  }
0x36: {  	s20 =	sadd.s32 $0x4000, s16;
	s10 =	simm.s32 $0x3;
	[smem:$0x7F3] =	sst s14  }
0x37: {  	s13 =	simm.s32 $0x10180;
	s0 =	sadd.s32 s12, s3;
	[smem:$0x7F8] =	sst s20  }
0x38: {  	s21 =	sadd.s32 $0x5000, s16;
	s22 =	sadd.s32 $0x6000, s16;
	[smem:$0x7F2] =	sst s0  }
0x39: {  	s12 =	simm.s32 $0x100;
	s14 =	simm.s32 $0x4;
	[smem:$0x7F9] =	sst s21  }
0x3a: {  	s16 =	simm.s32 $0x2;
	s0 =	sadd.s32 s15, s3;
	[smem:$0x7FA] =	sst s22  }
0x3b: {  	v0 =	vimm.f32 $0.0e+00;
	s15 =	sor.u32 $0x100, s30;
	[smem:$0x7F4] =	sst s0;
	s0 =	simm.s32 $0x8180  }
.LBB2_1:
0x3c: {  	s5 =	sand.u32 $0x3F00, s4  }
0x3d: {  	[smem:$0x7EF] =	sst s17;
	s31 =	sand.u32 $0x30, s4;
	s18 =	sshrl.u32 s5, $0x2  }
0x3e: {  	s17 =	simm.s32 $0x0;
	s5 =	simm.s32 $0x40;
	s18 =	sor.u32 s31, s18  }
.LBB2_2:
0x3f: {  	p0 =	sne.s32 s5, $0x3FC0  }
0x40: {  	[tilespmem:s18+$0x12180] =	vst v0;
	s17 =	sadd.s32 $0x10, s17;
	s18 =	smov.u32 s5;
	s5 =	sadd.s32 $0x40, s5  }
.Ltmp0:
0x41: {  	(pc) =	sbr.rel @p0 .LBB2_2-.Ltmp0, $4  }
0x42: {  	_ = 	snop  }
0x43: {  	s18 =	sand.u32 $0x3F00, s18  }
0x44: {  	s19 =	sand.u32 $0x30, s17;
	s18 =	sshrl.u32 s18, $0x2  }
0x45: {  	s18 =	sor.u32 s19, s18  }
0x46: {  	[tilespmem:s18+$0x12180] =	vst v0;
	s5 =	rddreg [dreg:$0x18];
	s17 =	simm.s32 $0x12180  }
0x47: {  	[spmem:s5] =	stream.linear.scatter [tilespmem:s17], [sflag:$0x5], $0x1000, $0x38;
	[tilespmem:$0x1E180] =	vst v63  }
0x48: {  	_ =	swait.ge [sflag:s2], $0x1000  }
0x49: {  	s23 =	sld [smem:$0x7F5]  }
0x4a: {  	[sflag:s2] =	ssyncset.done $0x0  }
0x4b: {  	[sflag:s2] =	ssyncadd.s32 $0xFFFFF000  }
0x4c: {  	[spmem:s23] =	stream.linear.scatter [tilespmem:s17], [sflag:$0x5], $0x1000, $0x38;
	[tilespmem:$0x1E180] =	vst v63  }
0x4d: {  	_ =	swait.ge [sflag:s2], $0x1000  }
0x4e: {  	s25 =	sld [smem:$0x7F6]  }
0x4f: {  	[sflag:s2] =	ssyncset.done $0x0  }
0x50: {  	[sflag:s2] =	ssyncadd.s32 $0xFFFFF000  }
0x51: {  	[spmem:s25] =	stream.linear.scatter [tilespmem:s17], [sflag:$0x5], $0x1000, $0x38;
	[tilespmem:$0x1E180] =	vst v63  }
0x52: {  	_ =	swait.ge [sflag:s2], $0x1000  }
0x53: {  	s31 =	sld [smem:$0x7F7]  }
0x54: {  	[sflag:s2] =	ssyncset.done $0x0  }
0x55: {  	[sflag:s2] =	ssyncadd.s32 $0xFFFFF000  }
0x56: {  	[spmem:s31] =	stream.linear.scatter [tilespmem:s17], [sflag:$0x5], $0x1000, $0x38;
	[tilespmem:$0x1E180] =	vst v63  }
0x57: {  	_ =	swait.ge [sflag:s2], $0x1000  }
0x58: {  	s18 =	sld [smem:$0x7F8]  }
0x59: {  	[sflag:s2] =	ssyncset.done $0x0  }
0x5a: {  	[sflag:s2] =	ssyncadd.s32 $0xFFFFF000  }
0x5b: {  	[spmem:s18] =	stream.linear.scatter [tilespmem:s17], [sflag:$0x5], $0x1000, $0x38;
	[tilespmem:$0x1E180] =	vst v63  }
0x5c: {  	_ =	swait.ge [sflag:s2], $0x1000  }
0x5d: {  	s19 =	sld [smem:$0x7F9]  }
0x5e: {  	[sflag:s2] =	ssyncset.done $0x0  }
0x5f: {  	[sflag:s2] =	ssyncadd.s32 $0xFFFFF000  }
0x60: {  	[spmem:s19] =	stream.linear.scatter [tilespmem:s17], [sflag:$0x5], $0x1000, $0x38;
	[tilespmem:$0x1E180] =	vst v63  }
0x61: {  	_ =	swait.ge [sflag:s2], $0x1000  }
0x62: {  	s20 =	sld [smem:$0x7FA]  }
0x63: {  	[sflag:s2] =	ssyncset.done $0x0  }
0x64: {  	[sflag:s2] =	ssyncadd.s32 $0xFFFFF000  }
0x65: {  	[spmem:s20] =	stream.linear.scatter [tilespmem:s17], [sflag:$0x5], $0x1000, $0x38;
	[tilespmem:$0x1E180] =	vst v63  }
0x66: {  	_ =	swait.ge [sflag:s2], $0x1000  }
0x67: {  	s21 =	sld [smem:$0x7FB]  }
0x68: {  	[sflag:s2] =	ssyncset.done $0x0  }
0x69: {  	[sflag:s2] =	ssyncadd.s32 $0xFFFFF000  }
0x6a: {  	[spmem:s21] =	stream.linear.scatter [tilespmem:s17], [sflag:$0x5], $0x1000, $0x38;
	[tilespmem:$0x1E180] =	vst v63  }
0x6b: {  	_ =	swait.ge [sflag:s2], $0x1000  }
0x6c: {  	s22 =	sld [smem:$0x7FC]  }
0x6d: {  	[sflag:s2] =	ssyncset.done $0x0  }
0x6e: {  	[sflag:s2] =	ssyncadd.s32 $0xFFFFF000  }
0x6f: {  	[spmem:s22] =	stream.linear.scatter [tilespmem:s17], [sflag:$0x5], $0x1000, $0x38;
	[tilespmem:$0x1E180] =	vst v63  }
0x70: {  	_ =	swait.ge [sflag:s2], $0x1000  }
0x71: {  	s23 =	sld [smem:$0x7FD]  }
0x72: {  	[sflag:s2] =	ssyncset.done $0x0  }
0x73: {  	[sflag:s2] =	ssyncadd.s32 $0xFFFFF000  }
0x74: {  	[spmem:s23] =	stream.linear.scatter [tilespmem:s17], [sflag:$0x5], $0x1000, $0x38;
	[tilespmem:$0x1E180] =	vst v63  }
0x75: {  	_ =	swait.ge [sflag:s2], $0x1000  }
0x76: {  	[sflag:s2] =	ssyncset.done $0x0  }
0x77: {  	[sflag:s2] =	ssyncadd.s32 $0xFFFFF000  }
0x78: {  	[bflag:$0x0] =	sbarrier.arrive $0xFFFF  }
0x79: {  	s20 =	simm.s32 $0x0;
	s25 =	rddreg [dreg:$0x19]  }
0x7a: {  	[tilespmem:s20], [sflag:$0x5] =	stream.linear.gather [hbm4b:s25+s20], $0x80, $0x38;
	[tilespmem:$0x1E180] =	vst v63  }
0x7b: {  	_ =	swait.ge [sflag:s2], $0x80  }
0x7c: {  	[sflag:s2] =	ssyncset.done $0x0  }
0x7d: {  	s31 =	rddreg [dreg:$0x1a];
	[sflag:s2] =	ssyncadd.s32 $0xFFFFFF80  }
0x7e: {  	[tilespmem:s0], [sflag:$0x3] =	stream.linear.gather [hbm4b:s31+s20], $0x4000, $0x38;
	[tilespmem:$0x1E180] =	vst v63  }
0x7f: {  	_ = 	snop  }
0x80: {  	[tilespmem:s7], [sflag:$0x1] =	stream.indirect.gather [hbm4b:s1+s6], $0x80, s20, s6, $0xb8;
	[tilespmem:$0x1E180] =	vst v63  }
.LBB2_4:
0x81: {  	s5 =	sshll.u32 s20, $0x8  }
0x82: {  	s21 =	sor.u32 $0x80, s5  }
0x83: {  	s17 =	sadd.s32 s21, s30  }
0x84: {  	s18 =	sshrl.u32 s17, $0x3  }
0x85: {  	s18 =	sadd.s32 s28, s18  }
0x86: {  	[tilespmem:s6], [sflag:$0x5] =	stream.linear.gather [hbm4b:s18+s4], $0x80, $0x38;
	[tilespmem:$0x1E180] =	vst v63  }
0x87: {  	s17 =	sshll.u32 s17, $0x4;
	_ =	swait.ge [sflag:s2], $0x80  }
0x88: {  	s17 =	sand.u32 $0x1FFFF800, s17;
	[sflag:s2] =	ssyncset.done $0x0  }
0x89: {  	s17 =	sadd.s32 s26, s17;
	[sflag:s2] =	ssyncadd.s32 $0xFFFFFF80  }
0x8a: {  	[tilespmem:s8], [sflag:$0x4] =	stream.linear.gather [hbm4b:s17+s4], $0x4000, $0x38;
	[tilespmem:$0x1E180] =	vst v63  }
0x8b: {  	_ = 	snop  }
0x8c: {  	[tilespmem:s9], [sflag:$0x2] =	stream.indirect.gather [hbm4b:s1+s6], $0x80, s6, s6, $0xb8;
	[tilespmem:$0x1E180] =	vst v63  }
0x8d: {  	_ =	swait.ge [sflag:s10], $0x4000  }
0x8e: {  	[sflag:s10] =	ssyncset.done $0x0  }
0x8f: {  	[sflag:s10] =	ssyncadd.s32 $0xFFFFC000  }
0x90: {  	s5 =	sadd.s32 s24, s5;
	_ =	swait.ge [sflag:s11], $0x4000  }
0x91: {  	s5 =	sshrl.u32 s5, $0x3;
	[sflag:s11] =	ssyncset.done $0x0  }
0x92: {  	s5 =	sadd.s32 s29, s5;
	[sflag:s11] =	ssyncadd.s32 $0xFFFFC000  }
0x93: {  	[tilespmem:s12], [sflag:$0x5] =	stream.linear.gather [hbm4b:s5+s4], $0x80, $0x38;
	[tilespmem:$0x1E180] =	vst v63  }
0x94: {  	_ =	swait.ge [sflag:s2], $0x80  }
0x95: {  	[sflag:s2] =	ssyncset.done $0x0  }
0x96: {  	s23 =	simm.s32 $0x280;
	[sflag:s2] =	ssyncadd.s32 $0xFFFFFF80  }
0x97: {  	s25 =	simm.s32 $0x8280;
	v1 =	vld [tilespmem:s23+$0xFFFFFF00]  }
0x98: {  	v2 =	vld [tilespmem:s25+$0xFFFFFF00];
	_ =	sdelay $0x4  }
0x99: {  	v1 =	vmul.f32 v2, v1  }
0x9a: {  	s22 =	simm.s32 $0x10200  }
0x9b: {  	[tilespmem:s22+$0xFFFFFF80] =	vst v1  }
0x9c: {  	v1 =	vld [tilespmem:s25+$0xFFFFFF10]  }
0x9d: {  	v2 =	vld [tilespmem:s23+$0xFFFFFF10];
	_ =	sdelay $0x4  }
0x9e: {  	v1 =	vmul.f32 v1, v2;
	_ =	sdelay $0x1  }
0x9f: {  	[tilespmem:s22+$0xFFFFFF90] =	vst v1  }
0xa0: {  	v1 =	vld [tilespmem:s23+$0xFFFFFF20]  }
0xa1: {  	v2 =	vld [tilespmem:s25+$0xFFFFFF20];
	_ =	sdelay $0x4  }
0xa2: {  	v1 =	vmul.f32 v2, v1;
	_ =	sdelay $0x1  }
0xa3: {  	[tilespmem:s22+$0xFFFFFFA0] =	vst v1  }
0xa4: {  	v1 =	vld [tilespmem:s23+$0xFFFFFF30]  }
0xa5: {  	v2 =	vld [tilespmem:s25+$0xFFFFFF30];
	_ =	sdelay $0x4  }
0xa6: {  	v1 =	vmul.f32 v2, v1;
	_ =	sdelay $0x1  }
0xa7: {  	[tilespmem:s22+$0xFFFFFFB0] =	vst v1  }
0xa8: {  	v1 =	vld [tilespmem:s23+$0xFFFFFF80]  }
0xa9: {  	v2 =	vld [tilespmem:s25+$0xFFFFFF80];
	_ =	sdelay $0x4  }
0xaa: {  	v1 =	vmul.f32 v2, v1;
	_ =	sdelay $0x1  }
0xab: {  	[tilespmem:s22+$0xFFFFFFC0] =	vst v1  }
0xac: {  	v1 =	vld [tilespmem:s23+$0xFFFFFF90]  }
0xad: {  	v2 =	vld [tilespmem:s25+$0xFFFFFF90];
	_ =	sdelay $0x4  }
0xae: {  	v1 =	vmul.f32 v2, v1;
	_ =	sdelay $0x1  }
0xaf: {  	[tilespmem:s22+$0xFFFFFFD0] =	vst v1  }
0xb0: {  	v1 =	vld [tilespmem:s23+$0xFFFFFFA0]  }
0xb1: {  	v2 =	vld [tilespmem:s25+$0xFFFFFFA0];
	_ =	sdelay $0x4  }
0xb2: {  	v1 =	vmul.f32 v2, v1;
	_ =	sdelay $0x1  }
0xb3: {  	[tilespmem:s22+$0xFFFFFFE0] =	vst v1  }
0xb4: {  	v1 =	vld [tilespmem:s23+$0xFFFFFFB0]  }
0xb5: {  	v2 =	vld [tilespmem:s25+$0xFFFFFFB0];
	_ =	sdelay $0x4  }
0xb6: {  	v1 =	vmul.f32 v2, v1;
	_ =	sdelay $0x1  }
0xb7: {  	[tilespmem:s22+$0xFFFFFFF0] =	vst v1  }
0xb8: {  	v1 =	vld [tilespmem:s23+$0x0]  }
0xb9: {  	v2 =	vld [tilespmem:s25+$0x0];
	_ =	sdelay $0x4  }
0xba: {  	v1 =	vmul.f32 v2, v1;
	_ =	sdelay $0x1  }
0xbb: {  	[tilespmem:s22+$0x0] =	vst v1  }
0xbc: {  	v1 =	vld [tilespmem:s23+$0x10]  }
0xbd: {  	v2 =	vld [tilespmem:s25+$0x10];
	_ =	sdelay $0x4  }
0xbe: {  	v1 =	vmul.f32 v2, v1;
	_ =	sdelay $0x1  }
0xbf: {  	[tilespmem:s22+$0x10] =	vst v1  }
0xc0: {  	v1 =	vld [tilespmem:s23+$0x20]  }
0xc1: {  	v2 =	vld [tilespmem:s25+$0x20];
	_ =	sdelay $0x4  }
0xc2: {  	v1 =	vmul.f32 v2, v1;
	_ =	sdelay $0x1  }
0xc3: {  	[tilespmem:s22+$0x20] =	vst v1  }
0xc4: {  	v1 =	vld [tilespmem:s23+$0x30]  }
0xc5: {  	v2 =	vld [tilespmem:s25+$0x30];
	_ =	sdelay $0x4  }
0xc6: {  	v1 =	vmul.f32 v2, v1;
	_ =	sdelay $0x1  }
0xc7: {  	[tilespmem:s22+$0x30] =	vst v1  }
0xc8: {  	v1 =	vld [tilespmem:s23+$0x80]  }
0xc9: {  	v2 =	vld [tilespmem:s25+$0x80];
	_ =	sdelay $0x4  }
0xca: {  	v1 =	vmul.f32 v2, v1;
	_ =	sdelay $0x1  }
0xcb: {  	[tilespmem:s22+$0x40] =	vst v1  }
0xcc: {  	v1 =	vld [tilespmem:s23+$0x90]  }
0xcd: {  	v2 =	vld [tilespmem:s25+$0x90];
	_ =	sdelay $0x4  }
0xce: {  	v1 =	vmul.f32 v2, v1;
	_ =	sdelay $0x1  }
0xcf: {  	[tilespmem:s22+$0x50] =	vst v1  }
0xd0: {  	s31 =	sshll.u32 s20, $0x1;
	s19 =	simm.s32 $0x0;
	v1 =	vld [tilespmem:s23+$0xA0]  }
0xd1: {  	s18 =	simm.s32 $0x8280;
	s17 =	simm.s32 $0x10300;
	s5 =	simm.s32 $0x280;
	v2 =	vld [tilespmem:s25+$0xA0]  }
.LBB2_5:
0xd2: {  	s19 =	sadd.s32 $0x4, s19;
	s25 =	sadd.s32 $0x200, s25;
	s23 =	sadd.s32 $0x200, s23  }
0xd3: {  	p0 =	slt.u32 s19, $0x7C;
	_ =	sdelay $0x2  }
0xd4: {  	v1 =	vmul.f32 v2, v1;
	_ =	sdelay $0x1  }
0xd5: {  	[tilespmem:s22+$0x60] =	vst v1  }
0xd6: {  	v1 =	vld [tilespmem:s5+$0xB0];
	s5 =	smov.u32 s23  }
0xd7: {  	v2 =	vld [tilespmem:s18+$0xB0];
	s18 =	smov.u32 s25;
	_ =	sdelay $0x4  }
0xd8: {  	v1 =	vmul.f32 v2, v1;
	_ =	sdelay $0x1  }
0xd9: {  	[tilespmem:s22+$0x70] =	vst v1;
	s22 =	smov.u32 s17  }
0xda: {  	v1 =	vld [tilespmem:s23+$0xFFFFFF00]  }
0xdb: {  	v2 =	vld [tilespmem:s25+$0xFFFFFF00];
	_ =	sdelay $0x4  }
0xdc: {  	v1 =	vmul.f32 v2, v1;
	_ =	sdelay $0x1  }
0xdd: {  	[tilespmem:s17+$0xFFFFFF80] =	vst v1  }
0xde: {  	v1 =	vld [tilespmem:s25+$0xFFFFFF10]  }
0xdf: {  	v2 =	vld [tilespmem:s23+$0xFFFFFF10];
	_ =	sdelay $0x4  }
0xe0: {  	v1 =	vmul.f32 v1, v2;
	_ =	sdelay $0x1  }
0xe1: {  	[tilespmem:s17+$0xFFFFFF90] =	vst v1  }
0xe2: {  	v1 =	vld [tilespmem:s23+$0xFFFFFF20]  }
0xe3: {  	v2 =	vld [tilespmem:s25+$0xFFFFFF20];
	_ =	sdelay $0x4  }
0xe4: {  	v1 =	vmul.f32 v2, v1;
	_ =	sdelay $0x1  }
0xe5: {  	[tilespmem:s17+$0xFFFFFFA0] =	vst v1  }
0xe6: {  	v1 =	vld [tilespmem:s23+$0xFFFFFF30]  }
0xe7: {  	v2 =	vld [tilespmem:s25+$0xFFFFFF30];
	_ =	sdelay $0x4  }
0xe8: {  	v1 =	vmul.f32 v2, v1;
	_ =	sdelay $0x1  }
0xe9: {  	[tilespmem:s17+$0xFFFFFFB0] =	vst v1  }
0xea: {  	v1 =	vld [tilespmem:s23+$0xFFFFFF80]  }
0xeb: {  	v2 =	vld [tilespmem:s25+$0xFFFFFF80];
	_ =	sdelay $0x4  }
0xec: {  	v1 =	vmul.f32 v2, v1;
	_ =	sdelay $0x1  }
0xed: {  	[tilespmem:s17+$0xFFFFFFC0] =	vst v1  }
0xee: {  	v1 =	vld [tilespmem:s23+$0xFFFFFF90]  }
0xef: {  	v2 =	vld [tilespmem:s25+$0xFFFFFF90];
	_ =	sdelay $0x4  }
0xf0: {  	v1 =	vmul.f32 v2, v1;
	_ =	sdelay $0x1  }
0xf1: {  	[tilespmem:s17+$0xFFFFFFD0] =	vst v1  }
0xf2: {  	v1 =	vld [tilespmem:s23+$0xFFFFFFA0]  }
0xf3: {  	v2 =	vld [tilespmem:s25+$0xFFFFFFA0];
	_ =	sdelay $0x4  }
0xf4: {  	v1 =	vmul.f32 v2, v1;
	_ =	sdelay $0x1  }
0xf5: {  	[tilespmem:s17+$0xFFFFFFE0] =	vst v1  }
0xf6: {  	v1 =	vld [tilespmem:s23+$0xFFFFFFB0]  }
0xf7: {  	v2 =	vld [tilespmem:s25+$0xFFFFFFB0];
	_ =	sdelay $0x4  }
0xf8: {  	v1 =	vmul.f32 v2, v1;
	_ =	sdelay $0x1  }
0xf9: {  	[tilespmem:s17+$0xFFFFFFF0] =	vst v1  }
0xfa: {  	v1 =	vld [tilespmem:s23+$0x0]  }
0xfb: {  	v2 =	vld [tilespmem:s25+$0x0];
	_ =	sdelay $0x4  }
0xfc: {  	v1 =	vmul.f32 v2, v1;
	_ =	sdelay $0x1  }
0xfd: {  	[tilespmem:s17+$0x0] =	vst v1  }
0xfe: {  	v1 =	vld [tilespmem:s23+$0x10]  }
0xff: {  	v2 =	vld [tilespmem:s25+$0x10];
	_ =	sdelay $0x4  }
0x100: {  	v1 =	vmul.f32 v2, v1;
	_ =	sdelay $0x1  }
0x101: {  	[tilespmem:s17+$0x10] =	vst v1  }
0x102: {  	v1 =	vld [tilespmem:s23+$0x20]  }
0x103: {  	v2 =	vld [tilespmem:s25+$0x20];
	_ =	sdelay $0x4  }
0x104: {  	v1 =	vmul.f32 v2, v1;
	_ =	sdelay $0x1  }
0x105: {  	[tilespmem:s17+$0x20] =	vst v1  }
0x106: {  	v1 =	vld [tilespmem:s23+$0x30]  }
0x107: {  	v2 =	vld [tilespmem:s25+$0x30];
	_ =	sdelay $0x4  }
0x108: {  	v1 =	vmul.f32 v2, v1;
	_ =	sdelay $0x1  }
0x109: {  	[tilespmem:s17+$0x30] =	vst v1  }
0x10a: {  	v1 =	vld [tilespmem:s23+$0x80]  }
0x10b: {  	v2 =	vld [tilespmem:s25+$0x80];
	_ =	sdelay $0x4  }
0x10c: {  	v1 =	vmul.f32 v2, v1;
	_ =	sdelay $0x1  }
0x10d: {  	[tilespmem:s17+$0x40] =	vst v1  }
0x10e: {  	v1 =	vld [tilespmem:s23+$0x90]  }
0x10f: {  	v2 =	vld [tilespmem:s25+$0x90];
	_ =	sdelay $0x4  }
.Ltmp1:
0x110: {  	v1 =	vmul.f32 v2, v1;
	(pc) =	sbr.rel @p0 .LBB2_5-.Ltmp1, $4  }
0x111: {  	_ = 	snop  }
0x112: {  	[tilespmem:s17+$0x50] =	vst v1  }
0x113: {  	v1 =	vld [tilespmem:s23+$0xA0]  }
0x114: {  	s17 =	sadd.s32 $0x100, s17;
	v2 =	vld [tilespmem:s25+$0xA0]  }
0x115: {  	_ =	sdelay $0x3  }
0x116: {  	v1 =	vmul.f32 v2, v1;
	_ =	sdelay $0x1  }
0x117: {  	[tilespmem:s22+$0x60] =	vst v1  }
0x118: {  	v1 =	vld [tilespmem:s5+$0xB0]  }
0x119: {  	v2 =	vld [tilespmem:s18+$0xB0];
	_ =	sdelay $0x4  }
0x11a: {  	v1 =	vmul.f32 v2, v1  }
0x11b: {  	s25 =	smin.u32 s31, $0x4D  }
0x11c: {  	s5 =	sshll.u32 s25, $0x7;
	[tilespmem:s22+$0x70] =	vst v1  }
0x11d: {  	[spmem:s3] =	stream.indirect.scatter.add.f32 [tilespmem:s13], [sflag:$0x5], $0x40, s12, s6, $0xb8;
	[tilespmem:$0x1E180] =	vst v63  }
0x11e: {  	s5 =	sadd.s32 s5, s15;
	_ =	swait.ge [sflag:s2], $0x2000  }
0x11f: {  	s17 =	sshrl.u32 s5, $0x3;
	[sflag:s2] =	ssyncset.done $0x0  }
0x120: {  	s17 =	sadd.s32 s28, s17;
	[sflag:s2] =	ssyncadd.s32 $0xFFFFE000  }
0x121: {  	[tilespmem:s4], [sflag:$0x5] =	stream.linear.gather [hbm4b:s17+s4], $0x80, $0x38;
	[tilespmem:$0x1E180] =	vst v63  }
0x122: {  	s5 =	sshll.u32 s5, $0x4;
	_ =	swait.ge [sflag:s2], $0x80  }
0x123: {  	s5 =	sand.u32 $0xFFF800, s5;
	[sflag:s2] =	ssyncset.done $0x0  }
0x124: {  	s5 =	sadd.s32 s26, s5;
	[sflag:s2] =	ssyncadd.s32 $0xFFFFFF80  }
0x125: {  	[tilespmem:s0], [sflag:$0x3] =	stream.linear.gather [hbm4b:s5+s4], $0x4000, $0x38;
	[tilespmem:$0x1E180] =	vst v63  }
0x126: {  	_ = 	snop  }
0x127: {  	[tilespmem:s7], [sflag:$0x1] =	stream.indirect.gather [hbm4b:s1+s6], $0x80, s4, s6, $0xb8;
	[tilespmem:$0x1E180] =	vst v63  }
0x128: {  	_ =	swait.ge [sflag:s14], $0x4000  }
0x129: {  	[sflag:s14] =	ssyncset.done $0x0  }
0x12a: {  	[sflag:s14] =	ssyncadd.s32 $0xFFFFC000  }
0x12b: {  	s31 =	sadd.s32 s24, s21;
	_ =	swait.ge [sflag:s16], $0x4000  }
0x12c: {  	s5 =	sshrl.u32 s31, $0x3;
	[sflag:s16] =	ssyncset.done $0x0  }
0x12d: {  	s5 =	sadd.s32 s29, s5;
	[sflag:s16] =	ssyncadd.s32 $0xFFFFC000  }
0x12e: {  	[tilespmem:s12], [sflag:$0x5] =	stream.linear.gather [hbm4b:s5+s4], $0x80, $0x38;
	[tilespmem:$0x1E180] =	vst v63  }
0x12f: {  	_ =	swait.ge [sflag:s2], $0x80  }
0x130: {  	[sflag:s2] =	ssyncset.done $0x0  }
0x131: {  	s22 =	simm.s32 $0x4280;
	[sflag:s2] =	ssyncadd.s32 $0xFFFFFF80  }
0x132: {  	s23 =	simm.s32 $0xC280;
	v1 =	vld [tilespmem:s22+$0xFFFFFF00]  }
0x133: {  	v2 =	vld [tilespmem:s23+$0xFFFFFF00];
	_ =	sdelay $0x4  }
0x134: {  	v1 =	vmul.f32 v2, v1  }
0x135: {  	s21 =	simm.s32 $0x10200  }
0x136: {  	[tilespmem:s21+$0xFFFFFF80] =	vst v1  }
0x137: {  	v1 =	vld [tilespmem:s23+$0xFFFFFF10]  }
0x138: {  	v2 =	vld [tilespmem:s22+$0xFFFFFF10];
	_ =	sdelay $0x4  }
0x139: {  	v1 =	vmul.f32 v1, v2;
	_ =	sdelay $0x1  }
0x13a: {  	[tilespmem:s21+$0xFFFFFF90] =	vst v1  }
0x13b: {  	v1 =	vld [tilespmem:s22+$0xFFFFFF20]  }
0x13c: {  	v2 =	vld [tilespmem:s23+$0xFFFFFF20];
	_ =	sdelay $0x4  }
0x13d: {  	v1 =	vmul.f32 v2, v1;
	_ =	sdelay $0x1  }
0x13e: {  	[tilespmem:s21+$0xFFFFFFA0] =	vst v1  }
0x13f: {  	v1 =	vld [tilespmem:s22+$0xFFFFFF30]  }
0x140: {  	v2 =	vld [tilespmem:s23+$0xFFFFFF30];
	_ =	sdelay $0x4  }
0x141: {  	v1 =	vmul.f32 v2, v1;
	_ =	sdelay $0x1  }
0x142: {  	[tilespmem:s21+$0xFFFFFFB0] =	vst v1  }
0x143: {  	v1 =	vld [tilespmem:s22+$0xFFFFFF80]  }
0x144: {  	v2 =	vld [tilespmem:s23+$0xFFFFFF80];
	_ =	sdelay $0x4  }
0x145: {  	v1 =	vmul.f32 v2, v1;
	_ =	sdelay $0x1  }
0x146: {  	[tilespmem:s21+$0xFFFFFFC0] =	vst v1  }
0x147: {  	v1 =	vld [tilespmem:s22+$0xFFFFFF90]  }
0x148: {  	v2 =	vld [tilespmem:s23+$0xFFFFFF90];
	_ =	sdelay $0x4  }
0x149: {  	v1 =	vmul.f32 v2, v1;
	_ =	sdelay $0x1  }
0x14a: {  	[tilespmem:s21+$0xFFFFFFD0] =	vst v1  }
0x14b: {  	v1 =	vld [tilespmem:s22+$0xFFFFFFA0]  }
0x14c: {  	v2 =	vld [tilespmem:s23+$0xFFFFFFA0];
	_ =	sdelay $0x4  }
0x14d: {  	v1 =	vmul.f32 v2, v1;
	_ =	sdelay $0x1  }
0x14e: {  	[tilespmem:s21+$0xFFFFFFE0] =	vst v1  }
0x14f: {  	v1 =	vld [tilespmem:s22+$0xFFFFFFB0]  }
0x150: {  	v2 =	vld [tilespmem:s23+$0xFFFFFFB0];
	_ =	sdelay $0x4  }
0x151: {  	v1 =	vmul.f32 v2, v1;
	_ =	sdelay $0x1  }
0x152: {  	[tilespmem:s21+$0xFFFFFFF0] =	vst v1  }
0x153: {  	v1 =	vld [tilespmem:s22+$0x0]  }
0x154: {  	v2 =	vld [tilespmem:s23+$0x0];
	_ =	sdelay $0x4  }
0x155: {  	v1 =	vmul.f32 v2, v1;
	_ =	sdelay $0x1  }
0x156: {  	[tilespmem:s21+$0x0] =	vst v1  }
0x157: {  	v1 =	vld [tilespmem:s22+$0x10]  }
0x158: {  	v2 =	vld [tilespmem:s23+$0x10];
	_ =	sdelay $0x4  }
0x159: {  	v1 =	vmul.f32 v2, v1;
	_ =	sdelay $0x1  }
0x15a: {  	[tilespmem:s21+$0x10] =	vst v1  }
0x15b: {  	v1 =	vld [tilespmem:s22+$0x20]  }
0x15c: {  	v2 =	vld [tilespmem:s23+$0x20];
	_ =	sdelay $0x4  }
0x15d: {  	v1 =	vmul.f32 v2, v1;
	_ =	sdelay $0x1  }
0x15e: {  	[tilespmem:s21+$0x20] =	vst v1  }
0x15f: {  	v1 =	vld [tilespmem:s22+$0x30]  }
0x160: {  	v2 =	vld [tilespmem:s23+$0x30];
	_ =	sdelay $0x4  }
0x161: {  	v1 =	vmul.f32 v2, v1;
	_ =	sdelay $0x1  }
0x162: {  	[tilespmem:s21+$0x30] =	vst v1  }
0x163: {  	v1 =	vld [tilespmem:s22+$0x80]  }
0x164: {  	v2 =	vld [tilespmem:s23+$0x80];
	_ =	sdelay $0x4  }
0x165: {  	v1 =	vmul.f32 v2, v1;
	_ =	sdelay $0x1  }
0x166: {  	[tilespmem:s21+$0x40] =	vst v1  }
0x167: {  	v1 =	vld [tilespmem:s22+$0x90]  }
0x168: {  	v2 =	vld [tilespmem:s23+$0x90];
	_ =	sdelay $0x4  }
0x169: {  	v1 =	vmul.f32 v2, v1;
	_ =	sdelay $0x1  }
0x16a: {  	[tilespmem:s21+$0x50] =	vst v1  }
0x16b: {  	s19 =	simm.s32 $0x0;
	v1 =	vld [tilespmem:s22+$0xA0]  }
0x16c: {  	s18 =	simm.s32 $0xC280;
	s17 =	simm.s32 $0x10300;
	s5 =	simm.s32 $0x4280;
	v2 =	vld [tilespmem:s23+$0xA0]  }
.LBB2_7:
0x16d: {  	s19 =	sadd.s32 $0x4, s19;
	s23 =	sadd.s32 $0x200, s23;
	s22 =	sadd.s32 $0x200, s22  }
0x16e: {  	p0 =	slt.u32 s19, $0x7C;
	_ =	sdelay $0x2  }
0x16f: {  	v1 =	vmul.f32 v2, v1;
	_ =	sdelay $0x1  }
0x170: {  	[tilespmem:s21+$0x60] =	vst v1  }
0x171: {  	v1 =	vld [tilespmem:s5+$0xB0];
	s5 =	smov.u32 s22  }
0x172: {  	v2 =	vld [tilespmem:s18+$0xB0];
	s18 =	smov.u32 s23;
	_ =	sdelay $0x4  }
0x173: {  	v1 =	vmul.f32 v2, v1;
	_ =	sdelay $0x1  }
0x174: {  	[tilespmem:s21+$0x70] =	vst v1;
	s21 =	smov.u32 s17  }
0x175: {  	v1 =	vld [tilespmem:s22+$0xFFFFFF00]  }
0x176: {  	v2 =	vld [tilespmem:s23+$0xFFFFFF00];
	_ =	sdelay $0x4  }
0x177: {  	v1 =	vmul.f32 v2, v1;
	_ =	sdelay $0x1  }
0x178: {  	[tilespmem:s17+$0xFFFFFF80] =	vst v1  }
0x179: {  	v1 =	vld [tilespmem:s23+$0xFFFFFF10]  }
0x17a: {  	v2 =	vld [tilespmem:s22+$0xFFFFFF10];
	_ =	sdelay $0x4  }
0x17b: {  	v1 =	vmul.f32 v1, v2;
	_ =	sdelay $0x1  }
0x17c: {  	[tilespmem:s17+$0xFFFFFF90] =	vst v1  }
0x17d: {  	v1 =	vld [tilespmem:s22+$0xFFFFFF20]  }
0x17e: {  	v2 =	vld [tilespmem:s23+$0xFFFFFF20];
	_ =	sdelay $0x4  }
0x17f: {  	v1 =	vmul.f32 v2, v1;
	_ =	sdelay $0x1  }
0x180: {  	[tilespmem:s17+$0xFFFFFFA0] =	vst v1  }
0x181: {  	v1 =	vld [tilespmem:s22+$0xFFFFFF30]  }
0x182: {  	v2 =	vld [tilespmem:s23+$0xFFFFFF30];
	_ =	sdelay $0x4  }
0x183: {  	v1 =	vmul.f32 v2, v1;
	_ =	sdelay $0x1  }
0x184: {  	[tilespmem:s17+$0xFFFFFFB0] =	vst v1  }
0x185: {  	v1 =	vld [tilespmem:s22+$0xFFFFFF80]  }
0x186: {  	v2 =	vld [tilespmem:s23+$0xFFFFFF80];
	_ =	sdelay $0x4  }
0x187: {  	v1 =	vmul.f32 v2, v1;
	_ =	sdelay $0x1  }
0x188: {  	[tilespmem:s17+$0xFFFFFFC0] =	vst v1  }
0x189: {  	v1 =	vld [tilespmem:s22+$0xFFFFFF90]  }
0x18a: {  	v2 =	vld [tilespmem:s23+$0xFFFFFF90];
	_ =	sdelay $0x4  }
0x18b: {  	v1 =	vmul.f32 v2, v1;
	_ =	sdelay $0x1  }
0x18c: {  	[tilespmem:s17+$0xFFFFFFD0] =	vst v1  }
0x18d: {  	v1 =	vld [tilespmem:s22+$0xFFFFFFA0]  }
0x18e: {  	v2 =	vld [tilespmem:s23+$0xFFFFFFA0];
	_ =	sdelay $0x4  }
0x18f: {  	v1 =	vmul.f32 v2, v1;
	_ =	sdelay $0x1  }
0x190: {  	[tilespmem:s17+$0xFFFFFFE0] =	vst v1  }
0x191: {  	v1 =	vld [tilespmem:s22+$0xFFFFFFB0]  }
0x192: {  	v2 =	vld [tilespmem:s23+$0xFFFFFFB0];
	_ =	sdelay $0x4  }
0x193: {  	v1 =	vmul.f32 v2, v1;
	_ =	sdelay $0x1  }
0x194: {  	[tilespmem:s17+$0xFFFFFFF0] =	vst v1  }
0x195: {  	v1 =	vld [tilespmem:s22+$0x0]  }
0x196: {  	v2 =	vld [tilespmem:s23+$0x0];
	_ =	sdelay $0x4  }
0x197: {  	v1 =	vmul.f32 v2, v1;
	_ =	sdelay $0x1  }
0x198: {  	[tilespmem:s17+$0x0] =	vst v1  }
0x199: {  	v1 =	vld [tilespmem:s22+$0x10]  }
0x19a: {  	v2 =	vld [tilespmem:s23+$0x10];
	_ =	sdelay $0x4  }
0x19b: {  	v1 =	vmul.f32 v2, v1;
	_ =	sdelay $0x1  }
0x19c: {  	[tilespmem:s17+$0x10] =	vst v1  }
0x19d: {  	v1 =	vld [tilespmem:s22+$0x20]  }
0x19e: {  	v2 =	vld [tilespmem:s23+$0x20];
	_ =	sdelay $0x4  }
0x19f: {  	v1 =	vmul.f32 v2, v1;
	_ =	sdelay $0x1  }
0x1a0: {  	[tilespmem:s17+$0x20] =	vst v1  }
0x1a1: {  	v1 =	vld [tilespmem:s22+$0x30]  }
0x1a2: {  	v2 =	vld [tilespmem:s23+$0x30];
	_ =	sdelay $0x4  }
0x1a3: {  	v1 =	vmul.f32 v2, v1;
	_ =	sdelay $0x1  }
0x1a4: {  	[tilespmem:s17+$0x30] =	vst v1  }
0x1a5: {  	v1 =	vld [tilespmem:s22+$0x80]  }
0x1a6: {  	v2 =	vld [tilespmem:s23+$0x80];
	_ =	sdelay $0x4  }
0x1a7: {  	v1 =	vmul.f32 v2, v1;
	_ =	sdelay $0x1  }
0x1a8: {  	[tilespmem:s17+$0x40] =	vst v1  }
0x1a9: {  	v1 =	vld [tilespmem:s22+$0x90]  }
0x1aa: {  	v2 =	vld [tilespmem:s23+$0x90];
	_ =	sdelay $0x4  }
.Ltmp2:
0x1ab: {  	v1 =	vmul.f32 v2, v1;
	(pc) =	sbr.rel @p0 .LBB2_7-.Ltmp2, $4  }
0x1ac: {  	_ = 	snop  }
0x1ad: {  	[tilespmem:s17+$0x50] =	vst v1  }
0x1ae: {  	v1 =	vld [tilespmem:s22+$0xA0]  }
0x1af: {  	s17 =	sadd.s32 $0x100, s17;
	v2 =	vld [tilespmem:s23+$0xA0]  }
0x1b0: {  	_ =	sdelay $0x3  }
0x1b1: {  	v1 =	vmul.f32 v2, v1;
	_ =	sdelay $0x1  }
0x1b2: {  	[tilespmem:s21+$0x60] =	vst v1  }
0x1b3: {  	v1 =	vld [tilespmem:s5+$0xB0]  }
0x1b4: {  	v2 =	vld [tilespmem:s18+$0xB0];
	_ =	sdelay $0x4  }
0x1b5: {  	s20 =	sadd.s32 $0x1, s20;
	v1 =	vmul.f32 v2, v1  }
0x1b6: {  	p0 =	sne.s32 s20, $0x28  }
.Ltmp3:
0x1b7: {  	[tilespmem:s21+$0x70] =	vst v1;
	(pc) =	sbr.rel @p0 .LBB2_4-.Ltmp3, $4  }
0x1b8: {  	[spmem:s3] =	stream.indirect.scatter.add.f32 [tilespmem:s13], [sflag:$0x5], $0x40, s12, s6, $0xb8;
	[tilespmem:$0x1E180] =	vst v63  }
0x1b9: {  	_ =	swait.ge [sflag:s2], $0x2000  }
0x1ba: {  	[sflag:s2] =	ssyncset.done $0x0  }
0x1bb: {  	[sflag:s2] =	ssyncadd.s32 $0xFFFFE000  }
0x1bc: {  	_ =	swait.ge [sflag:s10], $0x4000  }
0x1bd: {  	[sflag:s10] =	ssyncset.done $0x0  }
0x1be: {  	[sflag:s10] =	ssyncadd.s32 $0xFFFFC000  }
0x1bf: {  	_ =	swait.ge [sflag:s11], $0x4000  }
0x1c0: {  	[sflag:s11] =	ssyncset.done $0x0  }
0x1c1: {  	[sflag:s11] =	ssyncadd.s32 $0xFFFFC000  }
0x1c2: {  	[bflag:$0x0] =	sbarrier.arrive $0xFFFF  }
0x1c3: {  	s18 =	simm.s32 $0x13180;
	s17 =	rddreg [dreg:$0x18]  }
0x1c4: {  	[tilespmem:s18], [sflag:$0x5] =	stream.linear.gather [spmem:s17], $0x1000, $0x38;
	[tilespmem:$0x1E180] =	vst v63  }
0x1c5: {  	_ =	swait.ge [sflag:s2], $0x1000  }
0x1c6: {  	[sflag:s2] =	ssyncset.done $0x0  }
0x1c7: {  	s19 =	simm.s32 $0x40;
	s5 =	rddreg [dreg:$0x4];
	[sflag:s2] =	ssyncadd.s32 $0xFFFFF000  }
0x1c8: {  	[hbm4b:s5+s19] =	stream.strided.scatter [tilespmem:s18], [sflag:$0x5], $0x1000, s6, s19, $0x38;
	[tilespmem:$0x1E180] =	vst v63  }
0x1c9: {  	_ =	swait.ge [sflag:s2], $0x1000  }
0x1ca: {  	[sflag:s2] =	ssyncset.done $0x0  }
0x1cb: {  	s23 =	rddreg [dreg:$0x1c];
	[sflag:s2] =	ssyncadd.s32 $0xFFFFF000  }
0x1cc: {  	[tilespmem:s18], [sflag:$0x5] =	stream.linear.gather [spmem:s23], $0x1000, $0x38;
	[tilespmem:$0x1E180] =	vst v63  }
0x1cd: {  	_ =	swait.ge [sflag:s2], $0x1000  }
0x1ce: {  	[sflag:s2] =	ssyncset.done $0x0  }
0x1cf: {  	s25 =	rddreg [dreg:$0x5];
	[sflag:s2] =	ssyncadd.s32 $0xFFFFF000  }
0x1d0: {  	[hbm4b:s25+s19] =	stream.strided.scatter [tilespmem:s18], [sflag:$0x5], $0x1000, s6, s19, $0x38;
	[tilespmem:$0x1E180] =	vst v63  }
0x1d1: {  	_ =	swait.ge [sflag:s2], $0x1000  }
0x1d2: {  	[sflag:s2] =	ssyncset.done $0x0  }
0x1d3: {  	s31 =	rddreg [dreg:$0x1d];
	[sflag:s2] =	ssyncadd.s32 $0xFFFFF000  }
0x1d4: {  	[tilespmem:s18], [sflag:$0x5] =	stream.linear.gather [spmem:s31], $0x1000, $0x38;
	[tilespmem:$0x1E180] =	vst v63  }
0x1d5: {  	_ =	swait.ge [sflag:s2], $0x1000  }
0x1d6: {  	[sflag:s2] =	ssyncset.done $0x0  }
0x1d7: {  	s20 =	rddreg [dreg:$0x6];
	[sflag:s2] =	ssyncadd.s32 $0xFFFFF000  }
0x1d8: {  	[hbm4b:s20+s19] =	stream.strided.scatter [tilespmem:s18], [sflag:$0x5], $0x1000, s6, s19, $0x38;
	[tilespmem:$0x1E180] =	vst v63  }
0x1d9: {  	_ =	swait.ge [sflag:s2], $0x1000  }
0x1da: {  	[sflag:s2] =	ssyncset.done $0x0  }
0x1db: {  	s21 =	rddreg [dreg:$0x1e];
	[sflag:s2] =	ssyncadd.s32 $0xFFFFF000  }
0x1dc: {  	[tilespmem:s18], [sflag:$0x5] =	stream.linear.gather [spmem:s21], $0x1000, $0x38;
	[tilespmem:$0x1E180] =	vst v63  }
0x1dd: {  	_ =	swait.ge [sflag:s2], $0x1000  }
0x1de: {  	[sflag:s2] =	ssyncset.done $0x0  }
0x1df: {  	s22 =	rddreg [dreg:$0x7];
	[sflag:s2] =	ssyncadd.s32 $0xFFFFF000  }
0x1e0: {  	[hbm4b:s22+s19] =	stream.strided.scatter [tilespmem:s18], [sflag:$0x5], $0x1000, s6, s19, $0x38;
	[tilespmem:$0x1E180] =	vst v63  }
0x1e1: {  	_ =	swait.ge [sflag:s2], $0x1000  }
0x1e2: {  	[sflag:s2] =	ssyncset.done $0x0  }
0x1e3: {  	s23 =	rddreg [dreg:$0x1f];
	[sflag:s2] =	ssyncadd.s32 $0xFFFFF000  }
0x1e4: {  	[tilespmem:s18], [sflag:$0x5] =	stream.linear.gather [spmem:s23], $0x1000, $0x38;
	[tilespmem:$0x1E180] =	vst v63  }
0x1e5: {  	_ =	swait.ge [sflag:s2], $0x1000  }
0x1e6: {  	[sflag:s2] =	ssyncset.done $0x0  }
0x1e7: {  	s25 =	rddreg [dreg:$0x8];
	[sflag:s2] =	ssyncadd.s32 $0xFFFFF000  }
0x1e8: {  	[hbm4b:s25+s19] =	stream.strided.scatter [tilespmem:s18], [sflag:$0x5], $0x1000, s6, s19, $0x38;
	[tilespmem:$0x1E180] =	vst v63  }
0x1e9: {  	_ =	swait.ge [sflag:s2], $0x1000  }
0x1ea: {  	s31 =	sld [smem:$0x7F0]  }
0x1eb: {  	[sflag:s2] =	ssyncset.done $0x0  }
0x1ec: {  	[sflag:s2] =	ssyncadd.s32 $0xFFFFF000  }
0x1ed: {  	[tilespmem:s18], [sflag:$0x5] =	stream.linear.gather [spmem:s31], $0x1000, $0x38;
	[tilespmem:$0x1E180] =	vst v63  }
0x1ee: {  	_ =	swait.ge [sflag:s2], $0x1000  }
0x1ef: {  	[sflag:s2] =	ssyncset.done $0x0  }
0x1f0: {  	s20 =	rddreg [dreg:$0x9];
	[sflag:s2] =	ssyncadd.s32 $0xFFFFF000  }
0x1f1: {  	[hbm4b:s20+s19] =	stream.strided.scatter [tilespmem:s18], [sflag:$0x5], $0x1000, s6, s19, $0x38;
	[tilespmem:$0x1E180] =	vst v63  }
0x1f2: {  	_ =	swait.ge [sflag:s2], $0x1000  }
0x1f3: {  	s21 =	sld [smem:$0x7F1]  }
0x1f4: {  	[sflag:s2] =	ssyncset.done $0x0  }
0x1f5: {  	[sflag:s2] =	ssyncadd.s32 $0xFFFFF000  }
0x1f6: {  	[tilespmem:s18], [sflag:$0x5] =	stream.linear.gather [spmem:s21], $0x1000, $0x38;
	[tilespmem:$0x1E180] =	vst v63  }
0x1f7: {  	_ =	swait.ge [sflag:s2], $0x1000  }
0x1f8: {  	[sflag:s2] =	ssyncset.done $0x0  }
0x1f9: {  	s22 =	rddreg [dreg:$0xa];
	[sflag:s2] =	ssyncadd.s32 $0xFFFFF000  }
0x1fa: {  	[hbm4b:s22+s19] =	stream.strided.scatter [tilespmem:s18], [sflag:$0x5], $0x1000, s6, s19, $0x38;
	[tilespmem:$0x1E180] =	vst v63  }
0x1fb: {  	_ =	swait.ge [sflag:s2], $0x1000  }
0x1fc: {  	s23 =	sld [smem:$0x7F2]  }
0x1fd: {  	[sflag:s2] =	ssyncset.done $0x0  }
0x1fe: {  	[sflag:s2] =	ssyncadd.s32 $0xFFFFF000  }
0x1ff: {  	[tilespmem:s18], [sflag:$0x5] =	stream.linear.gather [spmem:s23], $0x1000, $0x38;
	[tilespmem:$0x1E180] =	vst v63  }
0x200: {  	_ =	swait.ge [sflag:s2], $0x1000  }
0x201: {  	[sflag:s2] =	ssyncset.done $0x0  }
0x202: {  	s25 =	rddreg [dreg:$0xb];
	[sflag:s2] =	ssyncadd.s32 $0xFFFFF000  }
0x203: {  	[hbm4b:s25+s19] =	stream.strided.scatter [tilespmem:s18], [sflag:$0x5], $0x1000, s6, s19, $0x38;
	[tilespmem:$0x1E180] =	vst v63  }
0x204: {  	_ =	swait.ge [sflag:s2], $0x1000  }
0x205: {  	s31 =	sld [smem:$0x7F3]  }
0x206: {  	[sflag:s2] =	ssyncset.done $0x0  }
0x207: {  	[sflag:s2] =	ssyncadd.s32 $0xFFFFF000  }
0x208: {  	[tilespmem:s18], [sflag:$0x5] =	stream.linear.gather [spmem:s31], $0x1000, $0x38;
	[tilespmem:$0x1E180] =	vst v63  }
0x209: {  	_ =	swait.ge [sflag:s2], $0x1000  }
0x20a: {  	[sflag:s2] =	ssyncset.done $0x0  }
0x20b: {  	s20 =	rddreg [dreg:$0xc];
	[sflag:s2] =	ssyncadd.s32 $0xFFFFF000  }
0x20c: {  	[hbm4b:s20+s19] =	stream.strided.scatter [tilespmem:s18], [sflag:$0x5], $0x1000, s6, s19, $0x38;
	[tilespmem:$0x1E180] =	vst v63  }
0x20d: {  	_ =	swait.ge [sflag:s2], $0x1000  }
0x20e: {  	s21 =	sld [smem:$0x7F4]  }
0x20f: {  	[sflag:s2] =	ssyncset.done $0x0  }
0x210: {  	[sflag:s2] =	ssyncadd.s32 $0xFFFFF000  }
0x211: {  	[tilespmem:s18], [sflag:$0x5] =	stream.linear.gather [spmem:s21], $0x1000, $0x38;
	[tilespmem:$0x1E180] =	vst v63  }
0x212: {  	_ =	swait.ge [sflag:s2], $0x1000  }
0x213: {  	[sflag:s2] =	ssyncset.done $0x0  }
0x214: {  	s22 =	rddreg [dreg:$0xd];
	[sflag:s2] =	ssyncadd.s32 $0xFFFFF000  }
0x215: {  	[hbm4b:s22+s19] =	stream.strided.scatter [tilespmem:s18], [sflag:$0x5], $0x1000, s6, s19, $0x38;
	[tilespmem:$0x1E180] =	vst v63  }
0x216: {  	_ =	swait.ge [sflag:s2], $0x1000  }
0x217: {  	[sflag:s2] =	ssyncset.done $0x0  }
0x218: {  	s18 =	simm.s32 $0x12180;
	[sflag:s2] =	ssyncadd.s32 $0xFFFFF000  }
0x219: {  	[spmem:s17] =	stream.linear.scatter [tilespmem:s18], [sflag:$0x5], $0x1000, $0x38;
	[tilespmem:$0x1E180] =	vst v63  }
0x21a: {  	_ =	swait.ge [sflag:s2], $0x1000  }
0x21b: {  	s23 =	sld [smem:$0x7F5]  }
0x21c: {  	[sflag:s2] =	ssyncset.done $0x0  }
0x21d: {  	[sflag:s2] =	ssyncadd.s32 $0xFFFFF000  }
0x21e: {  	[spmem:s23] =	stream.linear.scatter [tilespmem:s18], [sflag:$0x5], $0x1000, $0x38;
	[tilespmem:$0x1E180] =	vst v63  }
0x21f: {  	_ =	swait.ge [sflag:s2], $0x1000  }
0x220: {  	s25 =	sld [smem:$0x7F6]  }
0x221: {  	[sflag:s2] =	ssyncset.done $0x0  }
0x222: {  	[sflag:s2] =	ssyncadd.s32 $0xFFFFF000  }
0x223: {  	[spmem:s25] =	stream.linear.scatter [tilespmem:s18], [sflag:$0x5], $0x1000, $0x38;
	[tilespmem:$0x1E180] =	vst v63  }
0x224: {  	_ =	swait.ge [sflag:s2], $0x1000  }
0x225: {  	s31 =	sld [smem:$0x7F7]  }
0x226: {  	[sflag:s2] =	ssyncset.done $0x0  }
0x227: {  	[sflag:s2] =	ssyncadd.s32 $0xFFFFF000  }
0x228: {  	[spmem:s31] =	stream.linear.scatter [tilespmem:s18], [sflag:$0x5], $0x1000, $0x38;
	[tilespmem:$0x1E180] =	vst v63  }
0x229: {  	_ =	swait.ge [sflag:s2], $0x1000  }
0x22a: {  	s17 =	sld [smem:$0x7F8]  }
0x22b: {  	[sflag:s2] =	ssyncset.done $0x0  }
0x22c: {  	[sflag:s2] =	ssyncadd.s32 $0xFFFFF000  }
0x22d: {  	[spmem:s17] =	stream.linear.scatter [tilespmem:s18], [sflag:$0x5], $0x1000, $0x38;
	[tilespmem:$0x1E180] =	vst v63  }
0x22e: {  	_ =	swait.ge [sflag:s2], $0x1000  }
0x22f: {  	s19 =	sld [smem:$0x7F9]  }
0x230: {  	[sflag:s2] =	ssyncset.done $0x0  }
0x231: {  	[sflag:s2] =	ssyncadd.s32 $0xFFFFF000  }
0x232: {  	[spmem:s19] =	stream.linear.scatter [tilespmem:s18], [sflag:$0x5], $0x1000, $0x38;
	[tilespmem:$0x1E180] =	vst v63  }
0x233: {  	_ =	swait.ge [sflag:s2], $0x1000  }
0x234: {  	s20 =	sld [smem:$0x7FA]  }
0x235: {  	[sflag:s2] =	ssyncset.done $0x0  }
0x236: {  	[sflag:s2] =	ssyncadd.s32 $0xFFFFF000  }
0x237: {  	[spmem:s20] =	stream.linear.scatter [tilespmem:s18], [sflag:$0x5], $0x1000, $0x38;
	[tilespmem:$0x1E180] =	vst v63  }
0x238: {  	_ =	swait.ge [sflag:s2], $0x1000  }
0x239: {  	s21 =	sld [smem:$0x7FB]  }
0x23a: {  	[sflag:s2] =	ssyncset.done $0x0  }
0x23b: {  	[sflag:s2] =	ssyncadd.s32 $0xFFFFF000  }
0x23c: {  	[spmem:s21] =	stream.linear.scatter [tilespmem:s18], [sflag:$0x5], $0x1000, $0x38;
	[tilespmem:$0x1E180] =	vst v63  }
0x23d: {  	_ =	swait.ge [sflag:s2], $0x1000  }
0x23e: {  	s22 =	sld [smem:$0x7FC]  }
0x23f: {  	[sflag:s2] =	ssyncset.done $0x0  }
0x240: {  	[sflag:s2] =	ssyncadd.s32 $0xFFFFF000  }
0x241: {  	[spmem:s22] =	stream.linear.scatter [tilespmem:s18], [sflag:$0x5], $0x1000, $0x38;
	[tilespmem:$0x1E180] =	vst v63  }
0x242: {  	_ =	swait.ge [sflag:s2], $0x1000  }
0x243: {  	s23 =	sld [smem:$0x7FD]  }
0x244: {  	[sflag:s2] =	ssyncset.done $0x0  }
0x245: {  	[sflag:s2] =	ssyncadd.s32 $0xFFFFF000  }
0x246: {  	[spmem:s23] =	stream.linear.scatter [tilespmem:s18], [sflag:$0x5], $0x1000, $0x38;
	[tilespmem:$0x1E180] =	vst v63  }
0x247: {  	_ =	swait.ge [sflag:s2], $0x1000  }
0x248: {  	[sflag:s2] =	ssyncset.done $0x0  }
0x249: {  	[sflag:s2] =	ssyncadd.s32 $0xFFFFF000  }
0x24a: {  	[bflag:$0x0] =	sbarrier.arrive $0xFFFF  }
0x24b: {  	s20 =	simm.s32 $0x0;
	s25 =	rddreg [dreg:$0x19]  }
0x24c: {  	[tilespmem:s20], [sflag:$0x5] =	stream.linear.gather [hbm4b:s25+s20], $0x80, $0x38;
	[tilespmem:$0x1E180] =	vst v63  }
0x24d: {  	_ =	swait.ge [sflag:s2], $0x80  }
0x24e: {  	[sflag:s2] =	ssyncset.done $0x0  }
0x24f: {  	s31 =	rddreg [dreg:$0x1a];
	[sflag:s2] =	ssyncadd.s32 $0xFFFFFF80  }
0x250: {  	[tilespmem:s0], [sflag:$0x3] =	stream.linear.gather [hbm4b:s31+s20], $0x4000, $0x38;
	[tilespmem:$0x1E180] =	vst v63  }
0x251: {  	_ = 	snop  }
0x252: {  	[tilespmem:s7], [sflag:$0x1] =	stream.indirect.gather [hbm4b:s1+s6], $0x80, s20, s6, $0xb8;
	[tilespmem:$0x1E180] =	vst v63  }
.LBB2_10:
0x253: {  	s5 =	sshll.u32 s20, $0x8  }
0x254: {  	s21 =	sor.u32 $0x80, s5  }
0x255: {  	s17 =	sadd.s32 s21, s30  }
0x256: {  	s18 =	sshrl.u32 s17, $0x3  }
0x257: {  	s18 =	sadd.s32 s28, s18  }
0x258: {  	[tilespmem:s6], [sflag:$0x5] =	stream.linear.gather [hbm4b:s18+s4], $0x80, $0x38;
	[tilespmem:$0x1E180] =	vst v63  }
0x259: {  	s17 =	sshll.u32 s17, $0x4;
	_ =	swait.ge [sflag:s2], $0x80  }
0x25a: {  	s17 =	sand.u32 $0x1FFFF800, s17;
	[sflag:s2] =	ssyncset.done $0x0  }
0x25b: {  	s17 =	sadd.s32 s26, s17;
	[sflag:s2] =	ssyncadd.s32 $0xFFFFFF80  }
0x25c: {  	[tilespmem:s8], [sflag:$0x4] =	stream.linear.gather [hbm4b:s17+s4], $0x4000, $0x38;
	[tilespmem:$0x1E180] =	vst v63  }
0x25d: {  	_ = 	snop  }
0x25e: {  	[tilespmem:s9], [sflag:$0x2] =	stream.indirect.gather [hbm4b:s1+s6], $0x80, s6, s6, $0xb8;
	[tilespmem:$0x1E180] =	vst v63  }
0x25f: {  	_ =	swait.ge [sflag:s10], $0x4000  }
0x260: {  	[sflag:s10] =	ssyncset.done $0x0  }
0x261: {  	[sflag:s10] =	ssyncadd.s32 $0xFFFFC000  }
0x262: {  	s5 =	sadd.s32 s24, s5;
	_ =	swait.ge [sflag:s11], $0x4000  }
0x263: {  	s5 =	sshrl.u32 s5, $0x3;
	[sflag:s11] =	ssyncset.done $0x0  }
0x264: {  	s5 =	sadd.s32 s29, s5;
	[sflag:s11] =	ssyncadd.s32 $0xFFFFC000  }
0x265: {  	[tilespmem:s12], [sflag:$0x5] =	stream.linear.gather [hbm4b:s5+s4], $0x80, $0x38;
	[tilespmem:$0x1E180] =	vst v63  }
0x266: {  	_ =	swait.ge [sflag:s2], $0x80  }
0x267: {  	[sflag:s2] =	ssyncset.done $0x0  }
0x268: {  	s23 =	simm.s32 $0x2C0;
	[sflag:s2] =	ssyncadd.s32 $0xFFFFFF80  }
0x269: {  	s25 =	simm.s32 $0x82C0;
	v1 =	vld [tilespmem:s23+$0xFFFFFF00]  }
0x26a: {  	v2 =	vld [tilespmem:s25+$0xFFFFFF00];
	_ =	sdelay $0x4  }
0x26b: {  	v1 =	vmul.f32 v2, v1  }
0x26c: {  	s22 =	simm.s32 $0x10200  }
0x26d: {  	[tilespmem:s22+$0xFFFFFF80] =	vst v1  }
0x26e: {  	v1 =	vld [tilespmem:s25+$0xFFFFFF10]  }
0x26f: {  	v2 =	vld [tilespmem:s23+$0xFFFFFF10];
	_ =	sdelay $0x4  }
0x270: {  	v1 =	vmul.f32 v1, v2;
	_ =	sdelay $0x1  }
0x271: {  	[tilespmem:s22+$0xFFFFFF90] =	vst v1  }
0x272: {  	v1 =	vld [tilespmem:s23+$0xFFFFFF20]  }
0x273: {  	v2 =	vld [tilespmem:s25+$0xFFFFFF20];
	_ =	sdelay $0x4  }
0x274: {  	v1 =	vmul.f32 v2, v1;
	_ =	sdelay $0x1  }
0x275: {  	[tilespmem:s22+$0xFFFFFFA0] =	vst v1  }
0x276: {  	v1 =	vld [tilespmem:s23+$0xFFFFFF30]  }
0x277: {  	v2 =	vld [tilespmem:s25+$0xFFFFFF30];
	_ =	sdelay $0x4  }
0x278: {  	v1 =	vmul.f32 v2, v1;
	_ =	sdelay $0x1  }
0x279: {  	[tilespmem:s22+$0xFFFFFFB0] =	vst v1  }
0x27a: {  	v1 =	vld [tilespmem:s23+$0xFFFFFF80]  }
0x27b: {  	v2 =	vld [tilespmem:s25+$0xFFFFFF80];
	_ =	sdelay $0x4  }
0x27c: {  	v1 =	vmul.f32 v2, v1;
	_ =	sdelay $0x1  }
0x27d: {  	[tilespmem:s22+$0xFFFFFFC0] =	vst v1  }
0x27e: {  	v1 =	vld [tilespmem:s23+$0xFFFFFF90]  }
0x27f: {  	v2 =	vld [tilespmem:s25+$0xFFFFFF90];
	_ =	sdelay $0x4  }
0x280: {  	v1 =	vmul.f32 v2, v1;
	_ =	sdelay $0x1  }
0x281: {  	[tilespmem:s22+$0xFFFFFFD0] =	vst v1  }
0x282: {  	v1 =	vld [tilespmem:s23+$0xFFFFFFA0]  }
0x283: {  	v2 =	vld [tilespmem:s25+$0xFFFFFFA0];
	_ =	sdelay $0x4  }
0x284: {  	v1 =	vmul.f32 v2, v1;
	_ =	sdelay $0x1  }
0x285: {  	[tilespmem:s22+$0xFFFFFFE0] =	vst v1  }
0x286: {  	v1 =	vld [tilespmem:s23+$0xFFFFFFB0]  }
0x287: {  	v2 =	vld [tilespmem:s25+$0xFFFFFFB0];
	_ =	sdelay $0x4  }
0x288: {  	v1 =	vmul.f32 v2, v1;
	_ =	sdelay $0x1  }
0x289: {  	[tilespmem:s22+$0xFFFFFFF0] =	vst v1  }
0x28a: {  	v1 =	vld [tilespmem:s23+$0x0]  }
0x28b: {  	v2 =	vld [tilespmem:s25+$0x0];
	_ =	sdelay $0x4  }
0x28c: {  	v1 =	vmul.f32 v2, v1;
	_ =	sdelay $0x1  }
0x28d: {  	[tilespmem:s22+$0x0] =	vst v1  }
0x28e: {  	v1 =	vld [tilespmem:s23+$0x10]  }
0x28f: {  	v2 =	vld [tilespmem:s25+$0x10];
	_ =	sdelay $0x4  }
0x290: {  	v1 =	vmul.f32 v2, v1;
	_ =	sdelay $0x1  }
0x291: {  	[tilespmem:s22+$0x10] =	vst v1  }
0x292: {  	v1 =	vld [tilespmem:s23+$0x20]  }
0x293: {  	v2 =	vld [tilespmem:s25+$0x20];
	_ =	sdelay $0x4  }
0x294: {  	v1 =	vmul.f32 v2, v1;
	_ =	sdelay $0x1  }
0x295: {  	[tilespmem:s22+$0x20] =	vst v1  }
0x296: {  	v1 =	vld [tilespmem:s23+$0x30]  }
0x297: {  	v2 =	vld [tilespmem:s25+$0x30];
	_ =	sdelay $0x4  }
0x298: {  	v1 =	vmul.f32 v2, v1;
	_ =	sdelay $0x1  }
0x299: {  	[tilespmem:s22+$0x30] =	vst v1  }
0x29a: {  	v1 =	vld [tilespmem:s23+$0x80]  }
0x29b: {  	v2 =	vld [tilespmem:s25+$0x80];
	_ =	sdelay $0x4  }
0x29c: {  	v1 =	vmul.f32 v2, v1;
	_ =	sdelay $0x1  }
0x29d: {  	[tilespmem:s22+$0x40] =	vst v1  }
0x29e: {  	v1 =	vld [tilespmem:s23+$0x90]  }
0x29f: {  	v2 =	vld [tilespmem:s25+$0x90];
	_ =	sdelay $0x4  }
0x2a0: {  	v1 =	vmul.f32 v2, v1;
	_ =	sdelay $0x1  }
0x2a1: {  	[tilespmem:s22+$0x50] =	vst v1  }
0x2a2: {  	s31 =	sshll.u32 s20, $0x1;
	s19 =	simm.s32 $0x0;
	v1 =	vld [tilespmem:s23+$0xA0]  }
0x2a3: {  	s18 =	simm.s32 $0x82C0;
	s17 =	simm.s32 $0x10300;
	s5 =	simm.s32 $0x2C0;
	v2 =	vld [tilespmem:s25+$0xA0]  }
.LBB2_11:
0x2a4: {  	s19 =	sadd.s32 $0x4, s19;
	s25 =	sadd.s32 $0x200, s25;
	s23 =	sadd.s32 $0x200, s23  }
0x2a5: {  	p0 =	slt.u32 s19, $0x7C;
	_ =	sdelay $0x2  }
0x2a6: {  	v1 =	vmul.f32 v2, v1;
	_ =	sdelay $0x1  }
0x2a7: {  	[tilespmem:s22+$0x60] =	vst v1  }
0x2a8: {  	v1 =	vld [tilespmem:s5+$0xB0];
	s5 =	smov.u32 s23  }
0x2a9: {  	v2 =	vld [tilespmem:s18+$0xB0];
	s18 =	smov.u32 s25;
	_ =	sdelay $0x4  }
0x2aa: {  	v1 =	vmul.f32 v2, v1;
	_ =	sdelay $0x1  }
0x2ab: {  	[tilespmem:s22+$0x70] =	vst v1;
	s22 =	smov.u32 s17  }
0x2ac: {  	v1 =	vld [tilespmem:s23+$0xFFFFFF00]  }
0x2ad: {  	v2 =	vld [tilespmem:s25+$0xFFFFFF00];
	_ =	sdelay $0x4  }
0x2ae: {  	v1 =	vmul.f32 v2, v1;
	_ =	sdelay $0x1  }
0x2af: {  	[tilespmem:s17+$0xFFFFFF80] =	vst v1  }
0x2b0: {  	v1 =	vld [tilespmem:s25+$0xFFFFFF10]  }
0x2b1: {  	v2 =	vld [tilespmem:s23+$0xFFFFFF10];
	_ =	sdelay $0x4  }
0x2b2: {  	v1 =	vmul.f32 v1, v2;
	_ =	sdelay $0x1  }
0x2b3: {  	[tilespmem:s17+$0xFFFFFF90] =	vst v1  }
0x2b4: {  	v1 =	vld [tilespmem:s23+$0xFFFFFF20]  }
0x2b5: {  	v2 =	vld [tilespmem:s25+$0xFFFFFF20];
	_ =	sdelay $0x4  }
0x2b6: {  	v1 =	vmul.f32 v2, v1;
	_ =	sdelay $0x1  }
0x2b7: {  	[tilespmem:s17+$0xFFFFFFA0] =	vst v1  }
0x2b8: {  	v1 =	vld [tilespmem:s23+$0xFFFFFF30]  }
0x2b9: {  	v2 =	vld [tilespmem:s25+$0xFFFFFF30];
	_ =	sdelay $0x4  }
0x2ba: {  	v1 =	vmul.f32 v2, v1;
	_ =	sdelay $0x1  }
0x2bb: {  	[tilespmem:s17+$0xFFFFFFB0] =	vst v1  }
0x2bc: {  	v1 =	vld [tilespmem:s23+$0xFFFFFF80]  }
0x2bd: {  	v2 =	vld [tilespmem:s25+$0xFFFFFF80];
	_ =	sdelay $0x4  }
0x2be: {  	v1 =	vmul.f32 v2, v1;
	_ =	sdelay $0x1  }
0x2bf: {  	[tilespmem:s17+$0xFFFFFFC0] =	vst v1  }
0x2c0: {  	v1 =	vld [tilespmem:s23+$0xFFFFFF90]  }
0x2c1: {  	v2 =	vld [tilespmem:s25+$0xFFFFFF90];
	_ =	sdelay $0x4  }
0x2c2: {  	v1 =	vmul.f32 v2, v1;
	_ =	sdelay $0x1  }
0x2c3: {  	[tilespmem:s17+$0xFFFFFFD0] =	vst v1  }
0x2c4: {  	v1 =	vld [tilespmem:s23+$0xFFFFFFA0]  }
0x2c5: {  	v2 =	vld [tilespmem:s25+$0xFFFFFFA0];
	_ =	sdelay $0x4  }
0x2c6: {  	v1 =	vmul.f32 v2, v1;
	_ =	sdelay $0x1  }
0x2c7: {  	[tilespmem:s17+$0xFFFFFFE0] =	vst v1  }
0x2c8: {  	v1 =	vld [tilespmem:s23+$0xFFFFFFB0]  }
0x2c9: {  	v2 =	vld [tilespmem:s25+$0xFFFFFFB0];
	_ =	sdelay $0x4  }
0x2ca: {  	v1 =	vmul.f32 v2, v1;
	_ =	sdelay $0x1  }
0x2cb: {  	[tilespmem:s17+$0xFFFFFFF0] =	vst v1  }
0x2cc: {  	v1 =	vld [tilespmem:s23+$0x0]  }
0x2cd: {  	v2 =	vld [tilespmem:s25+$0x0];
	_ =	sdelay $0x4  }
0x2ce: {  	v1 =	vmul.f32 v2, v1;
	_ =	sdelay $0x1  }
0x2cf: {  	[tilespmem:s17+$0x0] =	vst v1  }
0x2d0: {  	v1 =	vld [tilespmem:s23+$0x10]  }
0x2d1: {  	v2 =	vld [tilespmem:s25+$0x10];
	_ =	sdelay $0x4  }
0x2d2: {  	v1 =	vmul.f32 v2, v1;
	_ =	sdelay $0x1  }
0x2d3: {  	[tilespmem:s17+$0x10] =	vst v1  }
0x2d4: {  	v1 =	vld [tilespmem:s23+$0x20]  }
0x2d5: {  	v2 =	vld [tilespmem:s25+$0x20];
	_ =	sdelay $0x4  }
0x2d6: {  	v1 =	vmul.f32 v2, v1;
	_ =	sdelay $0x1  }
0x2d7: {  	[tilespmem:s17+$0x20] =	vst v1  }
0x2d8: {  	v1 =	vld [tilespmem:s23+$0x30]  }
0x2d9: {  	v2 =	vld [tilespmem:s25+$0x30];
	_ =	sdelay $0x4  }
0x2da: {  	v1 =	vmul.f32 v2, v1;
	_ =	sdelay $0x1  }
0x2db: {  	[tilespmem:s17+$0x30] =	vst v1  }
0x2dc: {  	v1 =	vld [tilespmem:s23+$0x80]  }
0x2dd: {  	v2 =	vld [tilespmem:s25+$0x80];
	_ =	sdelay $0x4  }
0x2de: {  	v1 =	vmul.f32 v2, v1;
	_ =	sdelay $0x1  }
0x2df: {  	[tilespmem:s17+$0x40] =	vst v1  }
0x2e0: {  	v1 =	vld [tilespmem:s23+$0x90]  }
0x2e1: {  	v2 =	vld [tilespmem:s25+$0x90];
	_ =	sdelay $0x4  }
.Ltmp4:
0x2e2: {  	v1 =	vmul.f32 v2, v1;
	(pc) =	sbr.rel @p0 .LBB2_11-.Ltmp4, $4  }
0x2e3: {  	_ = 	snop  }
0x2e4: {  	[tilespmem:s17+$0x50] =	vst v1  }
0x2e5: {  	v1 =	vld [tilespmem:s23+$0xA0]  }
0x2e6: {  	s17 =	sadd.s32 $0x100, s17;
	v2 =	vld [tilespmem:s25+$0xA0]  }
0x2e7: {  	_ =	sdelay $0x3  }
0x2e8: {  	v1 =	vmul.f32 v2, v1;
	_ =	sdelay $0x1  }
0x2e9: {  	[tilespmem:s22+$0x60] =	vst v1  }
0x2ea: {  	v1 =	vld [tilespmem:s5+$0xB0]  }
0x2eb: {  	v2 =	vld [tilespmem:s18+$0xB0];
	_ =	sdelay $0x4  }
0x2ec: {  	v1 =	vmul.f32 v2, v1  }
0x2ed: {  	s25 =	smin.u32 s31, $0x4D  }
0x2ee: {  	s5 =	sshll.u32 s25, $0x7;
	[tilespmem:s22+$0x70] =	vst v1  }
0x2ef: {  	[spmem:s3] =	stream.indirect.scatter.add.f32 [tilespmem:s13], [sflag:$0x5], $0x40, s12, s6, $0xb8;
	[tilespmem:$0x1E180] =	vst v63  }
0x2f0: {  	s5 =	sadd.s32 s5, s15;
	_ =	swait.ge [sflag:s2], $0x2000  }
0x2f1: {  	s17 =	sshrl.u32 s5, $0x3;
	[sflag:s2] =	ssyncset.done $0x0  }
0x2f2: {  	s17 =	sadd.s32 s28, s17;
	[sflag:s2] =	ssyncadd.s32 $0xFFFFE000  }
0x2f3: {  	[tilespmem:s4], [sflag:$0x5] =	stream.linear.gather [hbm4b:s17+s4], $0x80, $0x38;
	[tilespmem:$0x1E180] =	vst v63  }
0x2f4: {  	s5 =	sshll.u32 s5, $0x4;
	_ =	swait.ge [sflag:s2], $0x80  }
0x2f5: {  	s5 =	sand.u32 $0xFFF800, s5;
	[sflag:s2] =	ssyncset.done $0x0  }
0x2f6: {  	s5 =	sadd.s32 s26, s5;
	[sflag:s2] =	ssyncadd.s32 $0xFFFFFF80  }
0x2f7: {  	[tilespmem:s0], [sflag:$0x3] =	stream.linear.gather [hbm4b:s5+s4], $0x4000, $0x38;
	[tilespmem:$0x1E180] =	vst v63  }
0x2f8: {  	_ = 	snop  }
0x2f9: {  	[tilespmem:s7], [sflag:$0x1] =	stream.indirect.gather [hbm4b:s1+s6], $0x80, s4, s6, $0xb8;
	[tilespmem:$0x1E180] =	vst v63  }
0x2fa: {  	_ =	swait.ge [sflag:s14], $0x4000  }
0x2fb: {  	[sflag:s14] =	ssyncset.done $0x0  }
0x2fc: {  	[sflag:s14] =	ssyncadd.s32 $0xFFFFC000  }
0x2fd: {  	s31 =	sadd.s32 s24, s21;
	_ =	swait.ge [sflag:s16], $0x4000  }
0x2fe: {  	s5 =	sshrl.u32 s31, $0x3;
	[sflag:s16] =	ssyncset.done $0x0  }
0x2ff: {  	s5 =	sadd.s32 s29, s5;
	[sflag:s16] =	ssyncadd.s32 $0xFFFFC000  }
0x300: {  	[tilespmem:s12], [sflag:$0x5] =	stream.linear.gather [hbm4b:s5+s4], $0x80, $0x38;
	[tilespmem:$0x1E180] =	vst v63  }
0x301: {  	_ =	swait.ge [sflag:s2], $0x80  }
0x302: {  	[sflag:s2] =	ssyncset.done $0x0  }
0x303: {  	s22 =	simm.s32 $0x42C0;
	[sflag:s2] =	ssyncadd.s32 $0xFFFFFF80  }
0x304: {  	s23 =	simm.s32 $0xC2C0;
	v1 =	vld [tilespmem:s22+$0xFFFFFF00]  }
0x305: {  	v2 =	vld [tilespmem:s23+$0xFFFFFF00];
	_ =	sdelay $0x4  }
0x306: {  	v1 =	vmul.f32 v2, v1  }
0x307: {  	s21 =	simm.s32 $0x10200  }
0x308: {  	[tilespmem:s21+$0xFFFFFF80] =	vst v1  }
0x309: {  	v1 =	vld [tilespmem:s23+$0xFFFFFF10]  }
0x30a: {  	v2 =	vld [tilespmem:s22+$0xFFFFFF10];
	_ =	sdelay $0x4  }
0x30b: {  	v1 =	vmul.f32 v1, v2;
	_ =	sdelay $0x1  }
0x30c: {  	[tilespmem:s21+$0xFFFFFF90] =	vst v1  }
0x30d: {  	v1 =	vld [tilespmem:s22+$0xFFFFFF20]  }
0x30e: {  	v2 =	vld [tilespmem:s23+$0xFFFFFF20];
	_ =	sdelay $0x4  }
0x30f: {  	v1 =	vmul.f32 v2, v1;
	_ =	sdelay $0x1  }
0x310: {  	[tilespmem:s21+$0xFFFFFFA0] =	vst v1  }
0x311: {  	v1 =	vld [tilespmem:s22+$0xFFFFFF30]  }
0x312: {  	v2 =	vld [tilespmem:s23+$0xFFFFFF30];
	_ =	sdelay $0x4  }
0x313: {  	v1 =	vmul.f32 v2, v1;
	_ =	sdelay $0x1  }
0x314: {  	[tilespmem:s21+$0xFFFFFFB0] =	vst v1  }
0x315: {  	v1 =	vld [tilespmem:s22+$0xFFFFFF80]  }
0x316: {  	v2 =	vld [tilespmem:s23+$0xFFFFFF80];
	_ =	sdelay $0x4  }
0x317: {  	v1 =	vmul.f32 v2, v1;
	_ =	sdelay $0x1  }
0x318: {  	[tilespmem:s21+$0xFFFFFFC0] =	vst v1  }
0x319: {  	v1 =	vld [tilespmem:s22+$0xFFFFFF90]  }
0x31a: {  	v2 =	vld [tilespmem:s23+$0xFFFFFF90];
	_ =	sdelay $0x4  }
0x31b: {  	v1 =	vmul.f32 v2, v1;
	_ =	sdelay $0x1  }
0x31c: {  	[tilespmem:s21+$0xFFFFFFD0] =	vst v1  }
0x31d: {  	v1 =	vld [tilespmem:s22+$0xFFFFFFA0]  }
0x31e: {  	v2 =	vld [tilespmem:s23+$0xFFFFFFA0];
	_ =	sdelay $0x4  }
0x31f: {  	v1 =	vmul.f32 v2, v1;
	_ =	sdelay $0x1  }
0x320: {  	[tilespmem:s21+$0xFFFFFFE0] =	vst v1  }
0x321: {  	v1 =	vld [tilespmem:s22+$0xFFFFFFB0]  }
0x322: {  	v2 =	vld [tilespmem:s23+$0xFFFFFFB0];
	_ =	sdelay $0x4  }
0x323: {  	v1 =	vmul.f32 v2, v1;
	_ =	sdelay $0x1  }
0x324: {  	[tilespmem:s21+$0xFFFFFFF0] =	vst v1  }
0x325: {  	v1 =	vld [tilespmem:s22+$0x0]  }
0x326: {  	v2 =	vld [tilespmem:s23+$0x0];
	_ =	sdelay $0x4  }
0x327: {  	v1 =	vmul.f32 v2, v1;
	_ =	sdelay $0x1  }
0x328: {  	[tilespmem:s21+$0x0] =	vst v1  }
0x329: {  	v1 =	vld [tilespmem:s22+$0x10]  }
0x32a: {  	v2 =	vld [tilespmem:s23+$0x10];
	_ =	sdelay $0x4  }
0x32b: {  	v1 =	vmul.f32 v2, v1;
	_ =	sdelay $0x1  }
0x32c: {  	[tilespmem:s21+$0x10] =	vst v1  }
0x32d: {  	v1 =	vld [tilespmem:s22+$0x20]  }
0x32e: {  	v2 =	vld [tilespmem:s23+$0x20];
	_ =	sdelay $0x4  }
0x32f: {  	v1 =	vmul.f32 v2, v1;
	_ =	sdelay $0x1  }
0x330: {  	[tilespmem:s21+$0x20] =	vst v1  }
0x331: {  	v1 =	vld [tilespmem:s22+$0x30]  }
0x332: {  	v2 =	vld [tilespmem:s23+$0x30];
	_ =	sdelay $0x4  }
0x333: {  	v1 =	vmul.f32 v2, v1;
	_ =	sdelay $0x1  }
0x334: {  	[tilespmem:s21+$0x30] =	vst v1  }
0x335: {  	v1 =	vld [tilespmem:s22+$0x80]  }
0x336: {  	v2 =	vld [tilespmem:s23+$0x80];
	_ =	sdelay $0x4  }
0x337: {  	v1 =	vmul.f32 v2, v1;
	_ =	sdelay $0x1  }
0x338: {  	[tilespmem:s21+$0x40] =	vst v1  }
0x339: {  	v1 =	vld [tilespmem:s22+$0x90]  }
0x33a: {  	v2 =	vld [tilespmem:s23+$0x90];
	_ =	sdelay $0x4  }
0x33b: {  	v1 =	vmul.f32 v2, v1;
	_ =	sdelay $0x1  }
0x33c: {  	[tilespmem:s21+$0x50] =	vst v1  }
0x33d: {  	s19 =	simm.s32 $0x0;
	v1 =	vld [tilespmem:s22+$0xA0]  }
0x33e: {  	s18 =	simm.s32 $0xC2C0;
	s17 =	simm.s32 $0x10300;
	s5 =	simm.s32 $0x42C0;
	v2 =	vld [tilespmem:s23+$0xA0]  }
.LBB2_13:
0x33f: {  	s19 =	sadd.s32 $0x4, s19;
	s23 =	sadd.s32 $0x200, s23;
	s22 =	sadd.s32 $0x200, s22  }
0x340: {  	p0 =	slt.u32 s19, $0x7C;
	_ =	sdelay $0x2  }
0x341: {  	v1 =	vmul.f32 v2, v1;
	_ =	sdelay $0x1  }
0x342: {  	[tilespmem:s21+$0x60] =	vst v1  }
0x343: {  	v1 =	vld [tilespmem:s5+$0xB0];
	s5 =	smov.u32 s22  }
0x344: {  	v2 =	vld [tilespmem:s18+$0xB0];
	s18 =	smov.u32 s23;
	_ =	sdelay $0x4  }
0x345: {  	v1 =	vmul.f32 v2, v1;
	_ =	sdelay $0x1  }
0x346: {  	[tilespmem:s21+$0x70] =	vst v1;
	s21 =	smov.u32 s17  }
0x347: {  	v1 =	vld [tilespmem:s22+$0xFFFFFF00]  }
0x348: {  	v2 =	vld [tilespmem:s23+$0xFFFFFF00];
	_ =	sdelay $0x4  }
0x349: {  	v1 =	vmul.f32 v2, v1;
	_ =	sdelay $0x1  }
0x34a: {  	[tilespmem:s17+$0xFFFFFF80] =	vst v1  }
0x34b: {  	v1 =	vld [tilespmem:s23+$0xFFFFFF10]  }
0x34c: {  	v2 =	vld [tilespmem:s22+$0xFFFFFF10];
	_ =	sdelay $0x4  }
0x34d: {  	v1 =	vmul.f32 v1, v2;
	_ =	sdelay $0x1  }
0x34e: {  	[tilespmem:s17+$0xFFFFFF90] =	vst v1  }
0x34f: {  	v1 =	vld [tilespmem:s22+$0xFFFFFF20]  }
0x350: {  	v2 =	vld [tilespmem:s23+$0xFFFFFF20];
	_ =	sdelay $0x4  }
0x351: {  	v1 =	vmul.f32 v2, v1;
	_ =	sdelay $0x1  }
0x352: {  	[tilespmem:s17+$0xFFFFFFA0] =	vst v1  }
0x353: {  	v1 =	vld [tilespmem:s22+$0xFFFFFF30]  }
0x354: {  	v2 =	vld [tilespmem:s23+$0xFFFFFF30];
	_ =	sdelay $0x4  }
0x355: {  	v1 =	vmul.f32 v2, v1;
	_ =	sdelay $0x1  }
0x356: {  	[tilespmem:s17+$0xFFFFFFB0] =	vst v1  }
0x357: {  	v1 =	vld [tilespmem:s22+$0xFFFFFF80]  }
0x358: {  	v2 =	vld [tilespmem:s23+$0xFFFFFF80];
	_ =	sdelay $0x4  }
0x359: {  	v1 =	vmul.f32 v2, v1;
	_ =	sdelay $0x1  }
0x35a: {  	[tilespmem:s17+$0xFFFFFFC0] =	vst v1  }
0x35b: {  	v1 =	vld [tilespmem:s22+$0xFFFFFF90]  }
0x35c: {  	v2 =	vld [tilespmem:s23+$0xFFFFFF90];
	_ =	sdelay $0x4  }
0x35d: {  	v1 =	vmul.f32 v2, v1;
	_ =	sdelay $0x1  }
0x35e: {  	[tilespmem:s17+$0xFFFFFFD0] =	vst v1  }
0x35f: {  	v1 =	vld [tilespmem:s22+$0xFFFFFFA0]  }
0x360: {  	v2 =	vld [tilespmem:s23+$0xFFFFFFA0];
	_ =	sdelay $0x4  }
0x361: {  	v1 =	vmul.f32 v2, v1;
	_ =	sdelay $0x1  }
0x362: {  	[tilespmem:s17+$0xFFFFFFE0] =	vst v1  }
0x363: {  	v1 =	vld [tilespmem:s22+$0xFFFFFFB0]  }
0x364: {  	v2 =	vld [tilespmem:s23+$0xFFFFFFB0];
	_ =	sdelay $0x4  }
0x365: {  	v1 =	vmul.f32 v2, v1;
	_ =	sdelay $0x1  }
0x366: {  	[tilespmem:s17+$0xFFFFFFF0] =	vst v1  }
0x367: {  	v1 =	vld [tilespmem:s22+$0x0]  }
0x368: {  	v2 =	vld [tilespmem:s23+$0x0];
	_ =	sdelay $0x4  }
0x369: {  	v1 =	vmul.f32 v2, v1;
	_ =	sdelay $0x1  }
0x36a: {  	[tilespmem:s17+$0x0] =	vst v1  }
0x36b: {  	v1 =	vld [tilespmem:s22+$0x10]  }
0x36c: {  	v2 =	vld [tilespmem:s23+$0x10];
	_ =	sdelay $0x4  }
0x36d: {  	v1 =	vmul.f32 v2, v1;
	_ =	sdelay $0x1  }
0x36e: {  	[tilespmem:s17+$0x10] =	vst v1  }
0x36f: {  	v1 =	vld [tilespmem:s22+$0x20]  }
0x370: {  	v2 =	vld [tilespmem:s23+$0x20];
	_ =	sdelay $0x4  }
0x371: {  	v1 =	vmul.f32 v2, v1;
	_ =	sdelay $0x1  }
0x372: {  	[tilespmem:s17+$0x20] =	vst v1  }
0x373: {  	v1 =	vld [tilespmem:s22+$0x30]  }
0x374: {  	v2 =	vld [tilespmem:s23+$0x30];
	_ =	sdelay $0x4  }
0x375: {  	v1 =	vmul.f32 v2, v1;
	_ =	sdelay $0x1  }
0x376: {  	[tilespmem:s17+$0x30] =	vst v1  }
0x377: {  	v1 =	vld [tilespmem:s22+$0x80]  }
0x378: {  	v2 =	vld [tilespmem:s23+$0x80];
	_ =	sdelay $0x4  }
0x379: {  	v1 =	vmul.f32 v2, v1;
	_ =	sdelay $0x1  }
0x37a: {  	[tilespmem:s17+$0x40] =	vst v1  }
0x37b: {  	v1 =	vld [tilespmem:s22+$0x90]  }
0x37c: {  	v2 =	vld [tilespmem:s23+$0x90];
	_ =	sdelay $0x4  }
.Ltmp5:
0x37d: {  	v1 =	vmul.f32 v2, v1;
	(pc) =	sbr.rel @p0 .LBB2_13-.Ltmp5, $4  }
0x37e: {  	_ = 	snop  }
0x37f: {  	[tilespmem:s17+$0x50] =	vst v1  }
0x380: {  	v1 =	vld [tilespmem:s22+$0xA0]  }
0x381: {  	s17 =	sadd.s32 $0x100, s17;
	v2 =	vld [tilespmem:s23+$0xA0]  }
0x382: {  	_ =	sdelay $0x3  }
0x383: {  	v1 =	vmul.f32 v2, v1;
	_ =	sdelay $0x1  }
0x384: {  	[tilespmem:s21+$0x60] =	vst v1  }
0x385: {  	v1 =	vld [tilespmem:s5+$0xB0]  }
0x386: {  	v2 =	vld [tilespmem:s18+$0xB0];
	_ =	sdelay $0x4  }
0x387: {  	s20 =	sadd.s32 $0x1, s20;
	v1 =	vmul.f32 v2, v1  }
0x388: {  	p0 =	sne.s32 s20, $0x28  }
.Ltmp6:
0x389: {  	[tilespmem:s21+$0x70] =	vst v1;
	(pc) =	sbr.rel @p0 .LBB2_10-.Ltmp6, $4  }
0x38a: {  	[spmem:s3] =	stream.indirect.scatter.add.f32 [tilespmem:s13], [sflag:$0x5], $0x40, s12, s6, $0xb8;
	[tilespmem:$0x1E180] =	vst v63  }
0x38b: {  	_ =	swait.ge [sflag:s2], $0x2000  }
0x38c: {  	[sflag:s2] =	ssyncset.done $0x0  }
0x38d: {  	[sflag:s2] =	ssyncadd.s32 $0xFFFFE000  }
0x38e: {  	_ =	swait.ge [sflag:s10], $0x4000  }
0x38f: {  	[sflag:s10] =	ssyncset.done $0x0  }
0x390: {  	[sflag:s10] =	ssyncadd.s32 $0xFFFFC000  }
0x391: {  	_ =	swait.ge [sflag:s11], $0x4000  }
0x392: {  	[sflag:s11] =	ssyncset.done $0x0  }
0x393: {  	[sflag:s11] =	ssyncadd.s32 $0xFFFFC000  }
0x394: {  	[bflag:$0x0] =	sbarrier.arrive $0xFFFF  }
0x395: {  	s17 =	simm.s32 $0x13180;
	s5 =	rddreg [dreg:$0x18]  }
0x396: {  	[tilespmem:s17], [sflag:$0x5] =	stream.linear.gather [spmem:s5], $0x1000, $0x38;
	[tilespmem:$0x1E180] =	vst v63  }
0x397: {  	_ =	swait.ge [sflag:s2], $0x1000  }
0x398: {  	[sflag:s2] =	ssyncset.done $0x0  }
0x399: {  	s18 =	simm.s32 $0x40;
	s19 =	rddreg [dreg:$0xe];
	[sflag:s2] =	ssyncadd.s32 $0xFFFFF000  }
0x39a: {  	[hbm4b:s19+s18] =	stream.strided.scatter [tilespmem:s17], [sflag:$0x5], $0x1000, s6, s18, $0x38;
	[tilespmem:$0x1E180] =	vst v63  }
0x39b: {  	_ =	swait.ge [sflag:s2], $0x1000  }
0x39c: {  	[sflag:s2] =	ssyncset.done $0x0  }
0x39d: {  	s20 =	rddreg [dreg:$0x1c];
	[sflag:s2] =	ssyncadd.s32 $0xFFFFF000  }
0x39e: {  	[tilespmem:s17], [sflag:$0x5] =	stream.linear.gather [spmem:s20], $0x1000, $0x38;
	[tilespmem:$0x1E180] =	vst v63  }
0x39f: {  	_ =	swait.ge [sflag:s2], $0x1000  }
0x3a0: {  	[sflag:s2] =	ssyncset.done $0x0  }
0x3a1: {  	s21 =	rddreg [dreg:$0xf];
	[sflag:s2] =	ssyncadd.s32 $0xFFFFF000  }
0x3a2: {  	[hbm4b:s21+s18] =	stream.strided.scatter [tilespmem:s17], [sflag:$0x5], $0x1000, s6, s18, $0x38;
	[tilespmem:$0x1E180] =	vst v63  }
0x3a3: {  	_ =	swait.ge [sflag:s2], $0x1000  }
0x3a4: {  	[sflag:s2] =	ssyncset.done $0x0  }
0x3a5: {  	s22 =	rddreg [dreg:$0x1d];
	[sflag:s2] =	ssyncadd.s32 $0xFFFFF000  }
0x3a6: {  	[tilespmem:s17], [sflag:$0x5] =	stream.linear.gather [spmem:s22], $0x1000, $0x38;
	[tilespmem:$0x1E180] =	vst v63  }
0x3a7: {  	_ =	swait.ge [sflag:s2], $0x1000  }
0x3a8: {  	[sflag:s2] =	ssyncset.done $0x0  }
0x3a9: {  	s23 =	rddreg [dreg:$0x10];
	[sflag:s2] =	ssyncadd.s32 $0xFFFFF000  }
0x3aa: {  	[hbm4b:s23+s18] =	stream.strided.scatter [tilespmem:s17], [sflag:$0x5], $0x1000, s6, s18, $0x38;
	[tilespmem:$0x1E180] =	vst v63  }
0x3ab: {  	_ =	swait.ge [sflag:s2], $0x1000  }
0x3ac: {  	[sflag:s2] =	ssyncset.done $0x0  }
0x3ad: {  	s25 =	rddreg [dreg:$0x1e];
	[sflag:s2] =	ssyncadd.s32 $0xFFFFF000  }
0x3ae: {  	[tilespmem:s17], [sflag:$0x5] =	stream.linear.gather [spmem:s25], $0x1000, $0x38;
	[tilespmem:$0x1E180] =	vst v63  }
0x3af: {  	_ =	swait.ge [sflag:s2], $0x1000  }
0x3b0: {  	[sflag:s2] =	ssyncset.done $0x0  }
0x3b1: {  	s31 =	rddreg [dreg:$0x11];
	[sflag:s2] =	ssyncadd.s32 $0xFFFFF000  }
0x3b2: {  	[hbm4b:s31+s18] =	stream.strided.scatter [tilespmem:s17], [sflag:$0x5], $0x1000, s6, s18, $0x38;
	[tilespmem:$0x1E180] =	vst v63  }
0x3b3: {  	_ =	swait.ge [sflag:s2], $0x1000  }
0x3b4: {  	[sflag:s2] =	ssyncset.done $0x0  }
0x3b5: {  	s19 =	rddreg [dreg:$0x1f];
	[sflag:s2] =	ssyncadd.s32 $0xFFFFF000  }
0x3b6: {  	[tilespmem:s17], [sflag:$0x5] =	stream.linear.gather [spmem:s19], $0x1000, $0x38;
	[tilespmem:$0x1E180] =	vst v63  }
0x3b7: {  	_ =	swait.ge [sflag:s2], $0x1000  }
0x3b8: {  	[sflag:s2] =	ssyncset.done $0x0  }
0x3b9: {  	s20 =	rddreg [dreg:$0x12];
	[sflag:s2] =	ssyncadd.s32 $0xFFFFF000  }
0x3ba: {  	[hbm4b:s20+s18] =	stream.strided.scatter [tilespmem:s17], [sflag:$0x5], $0x1000, s6, s18, $0x38;
	[tilespmem:$0x1E180] =	vst v63  }
0x3bb: {  	_ =	swait.ge [sflag:s2], $0x1000  }
0x3bc: {  	s21 =	sld [smem:$0x7F0]  }
0x3bd: {  	[sflag:s2] =	ssyncset.done $0x0  }
0x3be: {  	[sflag:s2] =	ssyncadd.s32 $0xFFFFF000  }
0x3bf: {  	[tilespmem:s17], [sflag:$0x5] =	stream.linear.gather [spmem:s21], $0x1000, $0x38;
	[tilespmem:$0x1E180] =	vst v63  }
0x3c0: {  	_ =	swait.ge [sflag:s2], $0x1000  }
0x3c1: {  	[sflag:s2] =	ssyncset.done $0x0  }
0x3c2: {  	s22 =	rddreg [dreg:$0x13];
	[sflag:s2] =	ssyncadd.s32 $0xFFFFF000  }
0x3c3: {  	[hbm4b:s22+s18] =	stream.strided.scatter [tilespmem:s17], [sflag:$0x5], $0x1000, s6, s18, $0x38;
	[tilespmem:$0x1E180] =	vst v63  }
0x3c4: {  	_ =	swait.ge [sflag:s2], $0x1000  }
0x3c5: {  	s23 =	sld [smem:$0x7F1]  }
0x3c6: {  	[sflag:s2] =	ssyncset.done $0x0  }
0x3c7: {  	[sflag:s2] =	ssyncadd.s32 $0xFFFFF000  }
0x3c8: {  	[tilespmem:s17], [sflag:$0x5] =	stream.linear.gather [spmem:s23], $0x1000, $0x38;
	[tilespmem:$0x1E180] =	vst v63  }
0x3c9: {  	_ =	swait.ge [sflag:s2], $0x1000  }
0x3ca: {  	[sflag:s2] =	ssyncset.done $0x0  }
0x3cb: {  	s25 =	rddreg [dreg:$0x14];
	[sflag:s2] =	ssyncadd.s32 $0xFFFFF000  }
0x3cc: {  	[hbm4b:s25+s18] =	stream.strided.scatter [tilespmem:s17], [sflag:$0x5], $0x1000, s6, s18, $0x38;
	[tilespmem:$0x1E180] =	vst v63  }
0x3cd: {  	_ =	swait.ge [sflag:s2], $0x1000  }
0x3ce: {  	s31 =	sld [smem:$0x7F2]  }
0x3cf: {  	[sflag:s2] =	ssyncset.done $0x0  }
0x3d0: {  	[sflag:s2] =	ssyncadd.s32 $0xFFFFF000  }
0x3d1: {  	[tilespmem:s17], [sflag:$0x5] =	stream.linear.gather [spmem:s31], $0x1000, $0x38;
	[tilespmem:$0x1E180] =	vst v63  }
0x3d2: {  	_ =	swait.ge [sflag:s2], $0x1000  }
0x3d3: {  	[sflag:s2] =	ssyncset.done $0x0  }
0x3d4: {  	s19 =	rddreg [dreg:$0x15];
	[sflag:s2] =	ssyncadd.s32 $0xFFFFF000  }
0x3d5: {  	[hbm4b:s19+s18] =	stream.strided.scatter [tilespmem:s17], [sflag:$0x5], $0x1000, s6, s18, $0x38;
	[tilespmem:$0x1E180] =	vst v63  }
0x3d6: {  	_ =	swait.ge [sflag:s2], $0x1000  }
0x3d7: {  	s20 =	sld [smem:$0x7F3]  }
0x3d8: {  	[sflag:s2] =	ssyncset.done $0x0  }
0x3d9: {  	[sflag:s2] =	ssyncadd.s32 $0xFFFFF000  }
0x3da: {  	[tilespmem:s17], [sflag:$0x5] =	stream.linear.gather [spmem:s20], $0x1000, $0x38;
	[tilespmem:$0x1E180] =	vst v63  }
0x3db: {  	_ =	swait.ge [sflag:s2], $0x1000  }
0x3dc: {  	[sflag:s2] =	ssyncset.done $0x0  }
0x3dd: {  	s21 =	rddreg [dreg:$0x16];
	[sflag:s2] =	ssyncadd.s32 $0xFFFFF000  }
0x3de: {  	[hbm4b:s21+s18] =	stream.strided.scatter [tilespmem:s17], [sflag:$0x5], $0x1000, s6, s18, $0x38;
	[tilespmem:$0x1E180] =	vst v63  }
0x3df: {  	_ =	swait.ge [sflag:s2], $0x1000  }
0x3e0: {  	s22 =	sld [smem:$0x7F4]  }
0x3e1: {  	[sflag:s2] =	ssyncset.done $0x0  }
0x3e2: {  	[sflag:s2] =	ssyncadd.s32 $0xFFFFF000  }
0x3e3: {  	[tilespmem:s17], [sflag:$0x5] =	stream.linear.gather [spmem:s22], $0x1000, $0x38;
	[tilespmem:$0x1E180] =	vst v63  }
0x3e4: {  	_ =	swait.ge [sflag:s2], $0x1000  }
0x3e5: {  	[sflag:s2] =	ssyncset.done $0x0  }
0x3e6: {  	s23 =	rddreg [dreg:$0x17];
	[sflag:s2] =	ssyncadd.s32 $0xFFFFF000  }
0x3e7: {  	[hbm4b:s23+s18] =	stream.strided.scatter [tilespmem:s17], [sflag:$0x5], $0x1000, s6, s18, $0x38;
	[tilespmem:$0x1E180] =	vst v63  }
0x3e8: {  	_ =	swait.ge [sflag:s2], $0x1000  }
0x3e9: {  	s25 =	sld [smem:$0x7EF];
	_ =	sdelay $0x2  }
0x3ea: {  	s31 =	rddreg [dreg:$0x1b];
	s17 =	sadd.s32 $0x1, s25  }
0x3eb: {  	p0 =	sne.s32 s17, s31  }
.Ltmp7:
0x3ec: {  	_ = 	snop;
	(pc) =	sbr.rel @p0 .LBB2_1-.Ltmp7, $3  }
0x3ed: {  	_ =	sdelay $0x1  }
0x3ee: {  	[sflag:s2] =	ssyncset.done $0x0  }
0x3ef: {  	[sflag:s2] =	ssyncadd.s32 $0xFFFFF000  }
0x3f0: {  	_ =	sfence.sel $0x180000  }
0x3f1: {  	[bflag:$0x0] =	sbarrier.arrive $0xFFFF  }
0x3f2: {  	_ =	strace $0x90000047  }
0x3f3: {  	s0 =	stileid.u32;
	[bflag:$0x2] =	sbarrier.arrive $0xFFFF  }
0x3f4: {  	p0 =	sne.s32 s0, $0x0;
	s0 =	rddreg [dreg:$0x3]  }
0x3f5: {  	s0 =	sadd.s32 @!p0 $0x100000, s0  }
0x3f6: {  	[sflag:s0] =	ssyncadd.tile.s32 @!p0 $0x1;
	_ =	shalt  }
.Lfunc_end2:
_tile_overlayer_lowered:
.L_overlay_start_2:
0x3f7: {  	(tag) =	ssettag $0x2  }
0x3f8: {  	s0 =	rddreg [dreg:$0x0];
	s2 =	stileid.u32  }
0x3f9: {  	s1 =	rddreg [dreg:$0x1];
	p0 =	sne.s32 s2, $0x0  }
0x3fa: {  	s3 =	rddreg [dreg:$0x2];
	[bflag:$0x3] =	sbarrier.arrive $0xFFFF;
	s2 =	simm.s32 @!p0 $0x1C05  }
0x3fb: {  	[timem:s3], [sflag:s2] =	dma.local @!p0 [hbm:s0], s1  }
0x3fc: {  	s0 =	simm.s32 @!p0 $0x5  }
0x3fd: {  	_ =	swait.ge @!p0 [sflag:s0], s1  }
0x3fe: {  	s1 =	ssub.s32 @!p0 $0x0, s1;
	[sflag:s0] =	ssyncset.done @!p0 $0x0  }
0x3ff: {  	[sflag:s0] =	ssyncadd.s32 @!p0 s1  }
0x400: {  	[bflag:$0x3] =	sbarrier.arrive $0xFFFF  }
0x401: {  	_ =	shalt  }

</sc_bundles>
